<compile_context>
chip_gen: v7x
topology: tpu7x:2x2x1
jax: 0.10.2.dev20260603
libtpu: 0.0.44.dev20260713+nightly
codegen_flags: <defaults>
</compile_context>

<pallas_src>
import functools

import jax
import jax.numpy as jnp
import numpy as np
from jax import lax
from jax.experimental import pallas as pl
from jax.experimental.pallas import tpu as pltpu
from jax.experimental.pallas import tpu_sc as plsc

N = 10000
E = 160000
D = 256
G = 64
H = 64
H2 = 2 * H
EPS = 1e-5

NC, NS, L = 2, 16, 16
NW = NC * NS
CH = 128
CH2 = CH // 2
CPW = 40
EPW = CPW * CH
EP = NW * EPW
EP2 = EP // 2
E2 = E // 2
NVC = E // CH
NPAD = 10240
RPT = NPAD // NS
BLK = 4096
NB = 10
NBLK = N // NB

_mesh = plsc.VectorSubcoreMesh(core_axis_name="c", subcore_axis_name="s")
_sc_params = pltpu.CompilerParams(use_tc_tiling_on_sc=False,
                                  needs_layout_passes=False)

_PM = np.empty((H,), np.int32)
for _g in (0, 1):
    for _i in range(L):
        _PM[32 * _g + 2 * _i] = 32 * _g + _i
        _PM[32 * _g + 2 * _i + 1] = 32 * _g + L + _i

def _proj_body(x_ref, wa_ref, wb_ref, oa_ref, ob_ref):
    xb = x_ref[...]
    oa_ref[...] = jnp.dot(xb, wa_ref[...],
                          preferred_element_type=jnp.float32
                          ).astype(jnp.bfloat16)
    ob_ref[...] = jnp.dot(xb, wb_ref[...],
                          preferred_element_type=jnp.float32
                          ).astype(jnp.bfloat16)


def _project(x, wa, wb):
    return pl.pallas_call(
        _proj_body,
        grid=(NB,),
        in_specs=[
            pl.BlockSpec((NBLK, D), lambda i: (i, 0)),
            pl.BlockSpec((D, H), lambda i: (0, 0)),
            pl.BlockSpec((D, H), lambda i: (0, 0)),
        ],
        out_specs=[pl.BlockSpec((NBLK, H), lambda i: (i, 0)),
                   pl.BlockSpec((NBLK, H), lambda i: (i, 0))],
        out_shape=[jax.ShapeDtypeStruct((N, H), jnp.bfloat16),
                   jax.ShapeDtypeStruct((N, H), jnp.bfloat16)],
    )(x, wa, wb)


@functools.partial(
    pl.kernel,
    out_type=[
        jax.ShapeDtypeStruct((EP2, H2), jnp.float32),
        jax.ShapeDtypeStruct((NW, 2, H), jnp.float32),
    ],
    mesh=_mesh,
    scratch_types=[
        pltpu.VMEM((EPW,), jnp.int32),
        pltpu.VMEM((EPW,), jnp.int32),
        pltpu.VMEM((CH, H), jnp.bfloat16),
        pltpu.VMEM((CH, H), jnp.bfloat16),
        pltpu.VMEM((CH, H), jnp.bfloat16),
        pltpu.VMEM((CH, H), jnp.bfloat16),
        pltpu.VMEM((CH2, H2), jnp.float32),
        pltpu.VMEM((CH2, H2), jnp.float32),
        pltpu.VMEM((2, H), jnp.float32),
        pltpu.SemaphoreType.DMA,
        pltpu.SemaphoreType.DMA,
        pltpu.SemaphoreType.DMA,
        pltpu.SemaphoreType.DMA,
    ],
    compiler_params=_sc_params,
)
def _edge_gather(tabd_hbm, tabs_hbm, idxd_hbm, idxs_hbm, z1_hbm, st_hbm,
                 idxd_v, idxs_v, rd0, rs0, rd1, rs1, zout0, zout1, acc_v,
                 rsem0, rsem1, wsem0, wsem1):
    cid = lax.axis_index("c")
    sid = lax.axis_index("s")
    wid = sid * NC + cid
    base = wid * EPW
    base2 = wid * (EPW // 2)
    nv = jnp.minimum(jnp.maximum(NVC - wid * CPW, 0), CPW)

    pltpu.sync_copy(idxd_hbm.at[pl.ds(base, EPW)], idxd_v)
    pltpu.sync_copy(idxs_hbm.at[pl.ds(base, EPW)], idxs_v)

    bufs = ((rd0, rs0, zout0, rsem0, wsem0),
            (rd1, rs1, zout1, rsem1, wsem1))

    def issue(c, bset):
        rd, rs, _, rsem, _ = bufs[bset]
        off = pl.multiple_of(c * CH, 8)
        pltpu.async_copy(tabd_hbm.at[idxd_v.at[pl.ds(off, CH)]], rd, rsem)
        pltpu.async_copy(tabs_hbm.at[idxs_v.at[pl.ds(off, CH)]], rs, rsem)

    def drain_read(bset):
        rd, rs, _, rsem, _ = bufs[bset]
        pltpu.make_async_copy(tabd_hbm.at[pl.ds(0, CH)], rd, rsem).wait()
        pltpu.make_async_copy(tabs_hbm.at[pl.ds(0, CH)], rs, rsem).wait()

    def drain_write(bset):
        _, _, zout, _, wsem = bufs[bset]
        pltpu.make_async_copy(zout, z1_hbm.at[pl.ds(0, CH2)], wsem).wait()

    def compute_store(c, bset, accs):
        rd, rs, zout, _, wsem = bufs[bset]

        def row_body(k, accs):
            zs = [None] * 8
            for e in (0, 1):
                for g in (0, 1):
                    d0, d1 = plsc.unpack(
                        rd[2 * k + e, pl.ds(2 * L * g, 2 * L)],
                        format=plsc.PackFormat.INTERLEAVED)
                    s0, s1 = plsc.unpack(
                        rs[2 * k + e, pl.ds(2 * L * g, 2 * L)],
                        format=plsc.PackFormat.INTERLEAVED)
                    zs[4 * e + 2 * g] = d0 + s0
                    zs[4 * e + 2 * g + 1] = d1 + s1
            out = []
            for cc in range(4):
                za = zs[cc]
                zb = zs[4 + cc]
                zout[k, pl.ds(cc * L, L)] = za
                zout[k, pl.ds(H + cc * L, L)] = zb
                out.append(accs[cc] + za + zb)
                out.append(accs[4 + cc] + za * za + zb * zb)
            return tuple(out[0::2]) + tuple(out[1::2])

        accs = lax.fori_loop(0, CH2, row_body, accs)
        pltpu.async_copy(zout, z1_hbm.at[pl.ds(base2 + c * CH2, CH2)],
                         wsem)
        return accs

    z16 = jnp.zeros((L,), jnp.float32)
    issue(0, 0)

    def pair_body(j, accs):
        c0 = 2 * j
        issue(c0 + 1, 1)
        drain_read(0)

        @pl.when(j >= 1)
        def _():
            drain_write(0)

        accs = compute_store(c0, 0, accs)

        @pl.when(c0 + 2 < nv)
        def _():
            issue(c0 + 2, 0)

        drain_read(1)

        @pl.when(j >= 1)
        def _():
            drain_write(1)

        accs = compute_store(c0 + 1, 1, accs)
        return accs

    accs = lax.fori_loop(0, nv // 2, pair_body, (z16,) * 8)
    drain_write(0)
    drain_write(1)
    for cc in range(4):
        acc_v[0, pl.ds(cc * L, L)] = accs[cc]
        acc_v[1, pl.ds(cc * L, L)] = accs[4 + cc]
    pltpu.sync_copy(acc_v, st_hbm.at[wid])


def _mlp_body(kstats, emit_next, *refs):
    if emit_next:
        (st_ref, g_ref, bt_ref, gn_ref, btn_ref, z_ref, w_ref,
         zo_ref, so_ref, stn_ref, acc_ref) = refs
    else:
        (st_ref, g_ref, bt_ref, z_ref, w_ref,
         zo_ref, so_ref, acc_ref) = refs
    i = pl.program_id(0)
    st = jnp.sum(st_ref[...], axis=0)
    m = st[0] * (1.0 / E)
    v = st[1] * (1.0 / E) - m * m
    s = g_ref[...] * lax.rsqrt(v + EPS)
    t = bt_ref[...] - m * s
    s2 = jnp.concatenate([s, s])
    t2 = jnp.concatenate([t, t])
    zin = z_ref[...].astype(jnp.float32)
    h = jnp.maximum(zin * s2[None, :] + t2[None, :], 0.0)
    z2 = jnp.dot(h, w_ref[...], preferred_element_type=jnp.float32)
    zo_ref[...] = z2.astype(zo_ref.dtype)
    rows = i * BLK + lax.broadcasted_iota(jnp.int32, (BLK, 1), 0)
    z2m = jnp.where(rows < E2, z2, 0.0)
    cs = jnp.sum(z2m, axis=0)
    cq = jnp.sum(z2m * z2m, axis=0)
    ps = jnp.stack([cs[:H] + cs[H:], cq[:H] + cq[H:]])

    @pl.when(i == 0)
    def _():
        acc_ref[...] = jnp.zeros((2, H), jnp.float32)

    acc_ref[...] += ps
    a = acc_ref[...]
    so_ref[...] = a
    if emit_next:
        m2 = a[0] * (1.0 / E)
        v2 = a[1] * (1.0 / E) - m2 * m2
        sn = gn_ref[...] * lax.rsqrt(v2 + EPS)
        tn = btn_ref[...] - m2 * sn
        stn_ref[...] = jnp.stack([sn, tn])


def _mlp_stage(stats, g, bt, z, wd, gn=None, btn=None,
               out_dtype=jnp.float32):
    emit_next = gn is not None
    kstats = stats.shape[0]
    vec_spec = pl.BlockSpec((H,), lambda i: (0,))
    in_specs = [pl.BlockSpec((kstats, 2, H), lambda i: (0, 0, 0)),
                vec_spec, vec_spec]
    ops = [stats, g, bt]
    if emit_next:
        in_specs += [vec_spec, vec_spec]
        ops += [gn, btn]
    in_specs += [pl.BlockSpec((BLK, H2), lambda i: (i, 0)),
                 pl.BlockSpec((H2, H2), lambda i: (0, 0))]
    ops += [z, wd]
    out_specs = [pl.BlockSpec((BLK, H2), lambda i: (i, 0)),
                 pl.BlockSpec((2, H), lambda i: (0, 0))]
    out_shape = [jax.ShapeDtypeStruct((EP2, H2), out_dtype),
                 jax.ShapeDtypeStruct((2, H), jnp.float32)]
    if emit_next:
        out_specs.append(pl.BlockSpec((2, H), lambda i: (0, 0)))
        out_shape.append(jax.ShapeDtypeStruct((2, H), jnp.float32))
    return pl.pallas_call(
        functools.partial(_mlp_body, kstats, emit_next),
        grid=(EP2 // BLK,),
        in_specs=in_specs,
        out_specs=out_specs,
        out_shape=out_shape,
        scratch_shapes=[pltpu.VMEM((2, H), jnp.float32)],
    )(*ops)


H80 = 80


@functools.partial(
    pl.kernel,
    out_type=jax.ShapeDtypeStruct((NC, NPAD, H80), jnp.float32),
    mesh=_mesh,
    scratch_types=[
        pltpu.VMEM((CPW, CH), jnp.int32),
        pltpu.VMEM((CH2, H2), jnp.float32),
        pltpu.VMEM((CH2, H2), jnp.float32),
        pltpu.VMEM((CH, H80), jnp.float32),
        pltpu.VMEM((CH, H80), jnp.float32),
        pltpu.VMEM((2, H), jnp.float32),
        pltpu.VMEM_SHARED((NPAD, H80), jnp.float32),
        pltpu.SemaphoreType.DMA,
        pltpu.SemaphoreType.DMA,
        pltpu.SemaphoreType.DMA,
        pltpu.SemaphoreType.DMA,
    ],
    compiler_params=_sc_params,
)
def _edge_scatter(z3_hbm, st_hbm, dsts_hbm, out_hbm,
                  idx_v, zbuf0, zbuf1, scat0, scat1, st_v, out_sh,
                  rsem0, rsem1, wsem0, wsem1):
    cid = lax.axis_index("c")
    sid = lax.axis_index("s")
    wid = sid * NC + cid
    base2 = wid * (EPW // 2)
    nv = jnp.minimum(jnp.maximum(NVC - wid * CPW, 0), CPW)

    z16 = jnp.zeros((L,), jnp.float32)
    one0 = jnp.where(lax.iota(jnp.int32, L) == 0, 1.0, 0.0)

    def zrow(k, _):
        for cc in range(5):
            scat0[k, pl.ds(cc * L, L)] = z16
        return 0

    lax.fori_loop(0, CH, zrow, 0)
    for r in range(RPT // CH):
        pltpu.async_copy(scat0, out_sh.at[pl.ds(sid * RPT + r * CH, CH)],
                         wsem0)
    for r in range(RPT // CH):
        pltpu.make_async_copy(scat0, out_sh.at[pl.ds(0, CH)],
                              wsem0).wait()

    def prow(k, _):
        scat0[k, pl.ds(H, L)] = one0
        scat1[k, pl.ds(H, L)] = one0
        return 0

    lax.fori_loop(0, CH, prow, 0)

    pltpu.sync_copy(st_hbm, st_v)
    pltpu.sync_copy(dsts_hbm.at[wid], idx_v)
    plsc.subcore_barrier()
    svec = [st_v[0, pl.ds(cc * L, L)] for cc in range(4)]
    tvec = [st_v[1, pl.ds(cc * L, L)] for cc in range(4)]

    bufs = ((zbuf0, scat0, rsem0, wsem0), (zbuf1, scat1, rsem1, wsem1))

    def issue(c, bset):
        zbuf, _, rsem, _ = bufs[bset]
        pltpu.async_copy(z3_hbm.at[pl.ds(base2 + c * CH2, CH2)], zbuf,
                         rsem)

    def drain_read(bset):
        zbuf, _, rsem, _ = bufs[bset]
        pltpu.make_async_copy(z3_hbm.at[pl.ds(0, CH2)], zbuf, rsem).wait()

    def drain_write(bset):
        _, scat, _, wsem = bufs[bset]
        pltpu.make_async_copy(scat, out_sh.at[pl.ds(0, CH)], wsem).wait()

    def transform_scatter(c, bset):
        zbuf, scat, _, wsem = bufs[bset]

        def row_body(k, _):
            for cc in range(4):
                za = zbuf[k, pl.ds(cc * L, L)]
                zb = zbuf[k, pl.ds(H + cc * L, L)]
                scat[2 * k, pl.ds(cc * L, L)] = jnp.maximum(
                    za * svec[cc] + tvec[cc], 0.0)
                scat[2 * k + 1, pl.ds(cc * L, L)] = jnp.maximum(
                    zb * svec[cc] + tvec[cc], 0.0)
            return 0

        lax.fori_loop(0, CH2, row_body, 0)
        pltpu.async_copy(scat, out_sh.at[idx_v.at[c]], wsem, add=True)

    issue(0, 0)

    def pair_body(j, _):
        c0 = 2 * j
        issue(c0 + 1, 1)
        drain_read(0)

        @pl.when(j >= 1)
        def _():
            drain_write(0)

        transform_scatter(c0, 0)

        @pl.when(c0 + 2 < nv)
        def _():
            issue(c0 + 2, 0)

        drain_read(1)

        @pl.when(j >= 1)
        def _():
            drain_write(1)

        transform_scatter(c0 + 1, 1)
        return 0

    lax.fori_loop(0, nv // 2, pair_body, 0)
    drain_write(0)
    drain_write(1)
    plsc.subcore_barrier()
    pltpu.sync_copy(out_sh.at[pl.ds(sid * RPT, RPT)],
                    out_hbm.at[cid, pl.ds(sid * RPT, RPT)])


def _poolx_body(x_ref, b_ref, px_out, cnt_out, px_ref, cnt_ref):
    i = pl.program_id(0)

    @pl.when(i == 0)
    def _():
        px_ref[...] = jnp.zeros_like(px_ref)
        cnt_ref[...] = jnp.zeros_like(cnt_ref)

    b = b_ref[...].reshape(1, NBLK)
    onehot = (lax.broadcasted_iota(jnp.int32, (G, NBLK), 0)
              == b).astype(jnp.float32)
    px_ref[...] += jnp.dot(onehot, x_ref[...],
                           preferred_element_type=jnp.float32)
    cnt_ref[...] += jnp.broadcast_to(
        jnp.sum(onehot, axis=1, keepdims=True), (G, H2))
    px_out[...] = px_ref[...]
    cnt_out[...] = cnt_ref[...]


def _poolx(x, batch3):
    return pl.pallas_call(
        _poolx_body,
        grid=(NB,),
        in_specs=[
            pl.BlockSpec((NBLK, D), lambda i: (i, 0)),
            pl.BlockSpec((1, 1, NBLK), lambda i: (i, 0, 0)),
        ],
        out_specs=[pl.BlockSpec((G, D), lambda i: (0, 0)),
                   pl.BlockSpec((G, H2), lambda i: (0, 0))],
        out_shape=[jax.ShapeDtypeStruct((G, D), jnp.float32),
                   jax.ShapeDtypeStruct((G, H2), jnp.float32)],
        scratch_shapes=[
            pltpu.VMEM((G, D), jnp.float32),
            pltpu.VMEM((G, H2), jnp.float32),
        ],
    )(x, batch3)


def _final_body(part_ref, px_ref2, cnt_ref2, b_ref, v1a_ref, v1x_ref,
                c1_ref, v2_ref, c2_ref, o_ref, pa_ref):
    i = pl.program_id(0)

    @pl.when(i == 0)
    def _():
        pa_ref[...] = jnp.zeros_like(pa_ref)

    p = part_ref[...]
    degs = p[0, :, H:H + 1] + p[1, :, H:H + 1]
    agg = (p[0, :, :H] + p[1, :, :H]) / jnp.maximum(degs, 1.0)
    b = b_ref[...].reshape(1, NBLK)
    onehot = (lax.broadcasted_iota(jnp.int32, (G, NBLK), 0)
              == b).astype(jnp.float32)
    pa_ref[...] += jnp.dot(onehot, agg, preferred_element_type=jnp.float32)

    inv = 1.0 / jnp.maximum(cnt_ref2[...][:, :1], 1.0)
    y = jnp.maximum(
        jnp.dot(pa_ref[...] * inv, v1a_ref[...],
                preferred_element_type=jnp.float32)
        + jnp.dot(px_ref2[...] * inv, v1x_ref[...],
                  preferred_element_type=jnp.float32)
        + c1_ref[...][None, :], 0.0)
    y2 = jnp.dot(y, v2_ref[...], preferred_element_type=jnp.float32) \
        + c2_ref[...][None, :]
    o_ref[...] = 1.0 / (1.0 + jnp.exp(-y2))


def _final(part, px, cnt, batch3, v1a, v1x, c1, v2, c2):
    return pl.pallas_call(
        _final_body,
        grid=(NB,),
        in_specs=[
            pl.BlockSpec((NC, NBLK, H80), lambda i: (0, i, 0)),
            pl.BlockSpec((G, D), lambda i: (0, 0)),
            pl.BlockSpec((G, H2), lambda i: (0, 0)),
            pl.BlockSpec((1, 1, NBLK), lambda i: (i, 0, 0)),
            pl.BlockSpec((H, H2), lambda i: (0, 0)),
            pl.BlockSpec((D, H2), lambda i: (0, 0)),
            pl.BlockSpec((H2,), lambda i: (0,)),
            pl.BlockSpec((H2, 1), lambda i: (0, 0)),
            pl.BlockSpec((1,), lambda i: (0,)),
        ],
        out_specs=pl.BlockSpec((G, 1), lambda i: (0, 0)),
        out_shape=jax.ShapeDtypeStruct((G, 1), jnp.float32),
        scratch_shapes=[
            pltpu.VMEM((G, H), jnp.float32),
        ],
    )(part, px, cnt, batch3, v1a, v1x, c1, v2, c2)


def _blockdiag(w):
    z = jnp.zeros((H, H), jnp.float32)
    return jnp.concatenate([
        jnp.concatenate([w, z], axis=1),
        jnp.concatenate([z, w], axis=1),
    ], axis=0)


def kernel(x, edge_index, batch, W1, b1, g1, bt1, W2, b2, g2, bt2,
           W3, b3, g3, bt3, V1, c1, V2, c2):
    src = edge_index[0]
    dst = edge_index[1]
    idx_d = jnp.pad(dst, (0, EP - E))
    idx_s = jnp.pad(src, (0, EP - E))
    dsts = jnp.pad(dst, (0, EP - E)).reshape(NW, CPW, CH)
    batch3 = batch.reshape(NB, 1, NBLK)

    pm = jnp.asarray(_PM)
    tabd, tabs = _project(x, (W1[:D] - W1[D:])[:, pm], W1[D:][:, pm])
    z1, st1 = _edge_gather(tabd, tabs, idx_d, idx_s)
    z2, st2 = _mlp_stage(st1, g1, bt1, z1, _blockdiag(W2),
                         out_dtype=jnp.bfloat16)
    z3, _, st3 = _mlp_stage(st2.reshape(1, 2, H), g2, bt2, z2,
                            _blockdiag(W3), gn=g3, btn=bt3)
    part = _edge_scatter(z3, st3, dsts)
    px, cnt = _poolx(x, batch3)
    return _final(part, px, cnt, batch3, V1[:H], V1[H:], c1, V2, c2)

# --- scband reference (transcript-rebuilt; emitter-appended) ---
"""Pipeline reference for scband-edge-conv-net-17746804867379 (READ-ONLY COPY).

The authoritative reference and input builder live on the scoring server;
editing this copy changes nothing except your own understanding.
"""

import jax, jax.numpy as jnp
import numpy as np

N = 10000
E = 160000
D = 256
G = 64
H = 64


def setup_inputs(seed: int = 0):
    key = jax.random.key(seed)
    ks = jax.random.split(key, 24)
    x = jax.random.normal(ks[0], (N, D), dtype=jnp.float32)
    edge_index = jax.random.randint(ks[1], (2, E), 0, N, dtype=jnp.int32)
    batch = jnp.sort(jax.random.randint(ks[2], (N,), 0, G, dtype=jnp.int32))

    def lin(k, fan_in, fan_out):
        bound = 1.0 / np.sqrt(fan_in)
        k1, k2 = jax.random.split(k)
        W = jax.random.uniform(k1, (fan_in, fan_out), jnp.float32, -bound, bound)
        b = jax.random.uniform(k2, (fan_out,), jnp.float32, -bound, bound)
        return W, b

    W1, b1 = lin(ks[3], 2 * D, H)
    W2, b2 = lin(ks[4], H, H)
    W3, b3 = lin(ks[5], H, H)
    g1, bt1 = jnp.ones((H,), jnp.float32), jnp.zeros((H,), jnp.float32)
    g2, bt2 = jnp.ones((H,), jnp.float32), jnp.zeros((H,), jnp.float32)
    g3, bt3 = jnp.ones((H,), jnp.float32), jnp.zeros((H,), jnp.float32)
    V1, c1 = lin(ks[6], H + D, 128)
    V2, c2 = lin(ks[7], 128, 1)
    return {"x": x, "edge_index": edge_index, "batch": batch,
            "W1": W1, "b1": b1, "g1": g1, "bt1": bt1,
            "W2": W2, "b2": b2, "g2": g2, "bt2": bt2,
            "W3": W3, "b3": b3, "g3": g3, "bt3": bt3,
            "V1": V1, "c1": c1, "V2": V2, "c2": c2}


def _bn(h, g, b, eps=1e-5):
    m = jnp.mean(h, axis=0)
    v = jnp.var(h, axis=0)
    return (h - m) / jnp.sqrt(v + eps) * g + b


def reference(x, edge_index, batch, W1, b1, g1, bt1, W2, b2, g2, bt2, W3, b3, g3, bt3, V1, c1, V2, c2):
    src = edge_index[0]
    dst = edge_index[1]
    x_i = jnp.take(x, dst, axis=0)
    x_j = jnp.take(x, src, axis=0)
    h = jnp.concatenate([x_i, x_j - x_i], axis=1)
    h = jax.nn.relu(_bn(h @ W1 + b1, g1, bt1))
    h = jax.nn.relu(_bn(h @ W2 + b2, g2, bt2))
    h = jax.nn.relu(_bn(h @ W3 + b3, g3, bt3))
    agg_sum = jax.ops.segment_sum(h, dst, num_segments=N)
    deg = jax.ops.segment_sum(jnp.ones((E,), jnp.float32), dst, num_segments=N)
    agg = agg_sum / jnp.maximum(deg, 1.0)[:, None]
    out = jnp.concatenate([agg, x], axis=1)
    # original code calls self.relu1(x) without assignment -> no-op, faithfully skipped
    psum = jax.ops.segment_sum(out, batch, num_segments=G)
    cnt = jax.ops.segment_sum(jnp.ones((N,), jnp.float32), batch, num_segments=G)
    pooled = psum / jnp.maximum(cnt, 1.0)[:, None]
    y = jax.nn.relu(pooled @ V1 + c1)
    y = y @ V2 + c2
    return jax.nn.sigmoid(y)

if __name__ == "__main__":
    import jax
    _d = setup_inputs()
    print(jax.jit(kernel)(*tuple(_d.values())))

</pallas_src>

<mosaic_0001>
#map = affine_map<(d0, d1) -> (0, 0)>
#map1 = affine_map<(d0, d1) -> (0)>
#map2 = affine_map<(d0, d1) -> (0, 0, 0)>
module attributes {stable_mosaic.version = 14 : i64} {
  func.func @_edge_gather(%arg0: i32, %arg1: i32, %arg2: memref<10000x64xbf16, #tpu.memory_space<hbm>>, %arg3: memref<10000x64xbf16, #tpu.memory_space<hbm>>, %arg4: memref<163840xi32, #tpu.memory_space<hbm>>, %arg5: memref<163840xi32, #tpu.memory_space<hbm>>, %arg6: memref<81920x128xf32, #tpu.memory_space<hbm>>, %arg7: memref<32x2x64xf32, #tpu.memory_space<hbm>>, %arg8: memref<5120xi32, #tpu.memory_space<vmem>>, %arg9: memref<5120xi32, #tpu.memory_space<vmem>>, %arg10: memref<128x64xbf16, #tpu.memory_space<vmem>>, %arg11: memref<128x64xbf16, #tpu.memory_space<vmem>>, %arg12: memref<128x64xbf16, #tpu.memory_space<vmem>>, %arg13: memref<128x64xbf16, #tpu.memory_space<vmem>>, %arg14: memref<64x128xf32, #tpu.memory_space<vmem>>, %arg15: memref<64x128xf32, #tpu.memory_space<vmem>>, %arg16: memref<2x64xf32, #tpu.memory_space<vmem>>, %arg17: memref<!tpu.dma_semaphore, #tpu.memory_space<semaphore_mem>>, %arg18: memref<!tpu.dma_semaphore, #tpu.memory_space<semaphore_mem>>, %arg19: memref<!tpu.dma_semaphore, #tpu.memory_space<semaphore_mem>>, %arg20: memref<!tpu.dma_semaphore, #tpu.memory_space<semaphore_mem>>) attributes {dimension_semantics = [#tpu.dimension_semantics<core_parallel>, #tpu.dimension_semantics<subcore_parallel>], iteration_bounds = array<i64: 2, 16>, scalar_prefetch = 0 : i64, scratch_operands = 13 : i64, tpu.core_type = #tpu.core_type<sc_vector_subcore>, window_params = [{transform_indices = #map}, {transform_indices = #map}, {transform_indices = #map1}, {transform_indices = #map1}, {transform_indices = #map}, {transform_indices = #map2}]} {
    %mul3A = arith.constant 2 : i32
    %mul3A_0 = arith.muli %arg1, %mul3A : i32
    %add3A = arith.addi %mul3A_0, %arg0 : i32
    %mul3A_1 = arith.constant 5120 : i32
    %mul3A_2 = arith.muli %add3A, %mul3A_1 : i32
    %mul3A_3 = arith.constant 2560 : i32
    %mul3A_4 = arith.muli %add3A, %mul3A_3 : i32
    %mul3A_5 = arith.constant 40 : i32
    %mul3A_6 = arith.muli %add3A, %mul3A_5 : i32
    %sub3A = arith.constant 1250 : i32
    %sub3A_7 = arith.subi %sub3A, %mul3A_6 : i32
    %max3A = arith.constant 0 : i32
    %max3A_8 = arith.maxsi %sub3A_7, %max3A : i32
    %min3A = arith.constant 40 : i32
    %min3A_9 = arith.minsi %max3A_8, %min3A : i32
    "tpu.region"() ({
      %run_scoped3A = tpu.sem_alloc : memref<!tpu.dma_semaphore, #tpu.memory_space<semaphore_mem>>
      %dma_start3A_88 = tpu.memref_slice %arg4[%mul3A_2] : memref<163840xi32, #tpu.memory_space<hbm>> -> memref<5120xi32, #tpu.memory_space<hbm>>
      %dma_start3A_89 = tpu.memref_slice %arg4[%mul3A_2] : memref<163840xi32, #tpu.memory_space<hbm>> -> memref<5120xi32, #tpu.memory_space<hbm>>
      tpu.enqueue_dma source(%dma_start3A_89 : memref<5120xi32, #tpu.memory_space<hbm>>) target(%arg8 : memref<5120xi32, #tpu.memory_space<vmem>>) target_semaphore(%run_scoped3A : memref<!tpu.dma_semaphore, #tpu.memory_space<semaphore_mem>>)
      %dma_wait3A_90 = tpu.memref_slice %arg4[%mul3A_2] : memref<163840xi32, #tpu.memory_space<hbm>> -> memref<5120xi32, #tpu.memory_space<hbm>>
      %dma_wait3A_91 = tpu.memref_slice %arg4[%mul3A_2] : memref<163840xi32, #tpu.memory_space<hbm>> -> memref<5120xi32, #tpu.memory_space<hbm>>
      tpu.wait_dma2 semaphore(%run_scoped3A : memref<!tpu.dma_semaphore, #tpu.memory_space<semaphore_mem>>) src(%dma_wait3A_91 : memref<5120xi32, #tpu.memory_space<hbm>>) dst(%arg8 : memref<5120xi32, #tpu.memory_space<vmem>>)
      tpu.yield
    }) : () -> ()
    "tpu.region"() ({
      %run_scoped3A = tpu.sem_alloc : memref<!tpu.dma_semaphore, #tpu.memory_space<semaphore_mem>>
      %dma_start3A_88 = tpu.memref_slice %arg5[%mul3A_2] : memref<163840xi32, #tpu.memory_space<hbm>> -> memref<5120xi32, #tpu.memory_space<hbm>>
      %dma_start3A_89 = tpu.memref_slice %arg5[%mul3A_2] : memref<163840xi32, #tpu.memory_space<hbm>> -> memref<5120xi32, #tpu.memory_space<hbm>>
      tpu.enqueue_dma source(%dma_start3A_89 : memref<5120xi32, #tpu.memory_space<hbm>>) target(%arg9 : memref<5120xi32, #tpu.memory_space<vmem>>) target_semaphore(%run_scoped3A : memref<!tpu.dma_semaphore, #tpu.memory_space<semaphore_mem>>)
      %dma_wait3A_90 = tpu.memref_slice %arg5[%mul3A_2] : memref<163840xi32, #tpu.memory_space<hbm>> -> memref<5120xi32, #tpu.memory_space<hbm>>
      %dma_wait3A_91 = tpu.memref_slice %arg5[%mul3A_2] : memref<163840xi32, #tpu.memory_space<hbm>> -> memref<5120xi32, #tpu.memory_space<hbm>>
      tpu.wait_dma2 semaphore(%run_scoped3A : memref<!tpu.dma_semaphore, #tpu.memory_space<semaphore_mem>>) src(%dma_wait3A_91 : memref<5120xi32, #tpu.memory_space<hbm>>) dst(%arg9 : memref<5120xi32, #tpu.memory_space<vmem>>)
      tpu.yield
    }) : () -> ()
    %broadcast_in_dim3A = arith.constant 0.000000e+00 : f32
    %broadcast_in_dim3A_10 = vector.broadcast %broadcast_in_dim3A : f32 to vector<16xf32>
    %multiple_of3A = arith.constant 0 : i32
    %multiple_of3A_11 = tpu.assume_multiple %multiple_of3A, 8 : i32
    %dma_start3A = tpu.memref_slice %arg8[%multiple_of3A_11] : memref<5120xi32, #tpu.memory_space<vmem>> -> memref<128xi32, #tpu.memory_space<vmem>>
    %dma_start3A_12 = arith.constant 0 : i32
    %dma_start3A_13 = arith.constant 0 : i32
    %dma_start3A_14 = tpu.memref_slice %arg2[%dma_start3A_12, %dma_start3A_13] : memref<10000x64xbf16, #tpu.memory_space<hbm>> -> memref<10000x64xbf16, #tpu.memory_space<hbm>>
    tpu.enqueue_indirect_dma source(%dma_start3A_14 : memref<10000x64xbf16, #tpu.memory_space<hbm>>) target(%arg10 : memref<128x64xbf16, #tpu.memory_space<vmem>>) offsets(%dma_start3A : memref<128xi32, #tpu.memory_space<vmem>>) semaphore(%arg17 : memref<!tpu.dma_semaphore, #tpu.memory_space<semaphore_mem>>)
    %dma_start3A_15 = tpu.memref_slice %arg9[%multiple_of3A_11] : memref<5120xi32, #tpu.memory_space<vmem>> -> memref<128xi32, #tpu.memory_space<vmem>>
    %dma_start3A_16 = arith.constant 0 : i32
    %dma_start3A_17 = arith.constant 0 : i32
    %dma_start3A_18 = tpu.memref_slice %arg3[%dma_start3A_16, %dma_start3A_17] : memref<10000x64xbf16, #tpu.memory_space<hbm>> -> memref<10000x64xbf16, #tpu.memory_space<hbm>>
    tpu.enqueue_indirect_dma source(%dma_start3A_18 : memref<10000x64xbf16, #tpu.memory_space<hbm>>) target(%arg11 : memref<128x64xbf16, #tpu.memory_space<vmem>>) offsets(%dma_start3A_15 : memref<128xi32, #tpu.memory_space<vmem>>) semaphore(%arg17 : memref<!tpu.dma_semaphore, #tpu.memory_space<semaphore_mem>>)
    %jit3A = arith.constant 2 : i32
    %div3A = arith.divsi %min3A_9, %jit3A : i32
    %sign3A = arith.constant 0 : i32
    %sign3A_19 = arith.cmpi sgt, %min3A_9, %sign3A : i32
    %sign3A_20 = arith.extui %sign3A_19 : i1 to i32
    %sign3A_21 = arith.constant 0 : i32
    %sign3A_22 = arith.cmpi slt, %min3A_9, %sign3A_21 : i32
    %sign3A_23 = arith.extui %sign3A_22 : i1 to i32
    %sign3A_24 = arith.subi %sign3A_20, %sign3A_23 : i32
    %sign3A_25 = arith.constant 0 : i32
    %sign3A_26 = arith.cmpi sgt, %jit3A, %sign3A_25 : i32
    %sign3A_27 = arith.extui %sign3A_26 : i1 to i32
    %sign3A_28 = arith.constant 0 : i32
    %sign3A_29 = arith.cmpi slt, %jit3A, %sign3A_28 : i32
    %sign3A_30 = arith.extui %sign3A_29 : i1 to i32
    %sign3A_31 = arith.subi %sign3A_27, %sign3A_30 : i32
    %ne3A = arith.cmpi ne, %sign3A_24, %sign3A_31 : i32
    %rem3A = arith.remsi %min3A_9, %jit3A : i32
    %ne3A_32 = arith.constant 0 : i32
    %ne3A_33 = arith.cmpi ne, %rem3A, %ne3A_32 : i32
    %and3A = arith.andi %ne3A, %ne3A_33 : i1
    %sub3A_34 = arith.constant 1 : i32
    %sub3A_35 = arith.subi %div3A, %sub3A_34 : i32
    %select_n3A = arith.select %and3A, %sub3A_35, %div3A : i32
    %while3A = arith.constant 0 : i32
    %while3A_36 = arith.subi %select_n3A, %while3A : i32
    %while3A_37 = arith.addi %while3A, %while3A_36 : i32
    %while3A_38 = arith.constant 1 : i32
    %while3A_39 = arith.divsi %while3A_36, %while3A_38 : i32
    %while3A_40 = arith.muli %while3A_39, %while3A_38 : i32
    %while3A_41 = arith.addi %while3A, %while3A_40 : i32
    %while3A_42 = arith.constant 1 : i32
    %while3A_43:8 = scf.for %while3A_88 = %while3A to %while3A_41 step %while3A_42 iter_args(%while3A_89 = %broadcast_in_dim3A_10, %while3A_90 = %broadcast_in_dim3A_10, %while3A_91 = %broadcast_in_dim3A_10, %while3A_92 = %broadcast_in_dim3A_10, %while3A_93 = %broadcast_in_dim3A_10, %while3A_94 = %broadcast_in_dim3A_10, %while3A_95 = %broadcast_in_dim3A_10, %while3A_96 = %broadcast_in_dim3A_10) -> (vector<16xf32>, vector<16xf32>, vector<16xf32>, vector<16xf32>, vector<16xf32>, vector<16xf32>, vector<16xf32>, vector<16xf32>)  : i32 {
      %mul3A_97 = arith.constant 2 : i32
      %mul3A_98 = arith.muli %mul3A_97, %while3A_88 : i32
      %add3A_99 = arith.constant 1 : i32
      %add3A_100 = arith.addi %mul3A_98, %add3A_99 : i32
      %mul3A_101 = arith.constant 128 : i32
      %mul3A_102 = arith.muli %add3A_100, %mul3A_101 : i32
      %multiple_of3A_103 = tpu.assume_multiple %mul3A_102, 8 : i32
      %dma_start3A_104 = tpu.memref_slice %arg8[%multiple_of3A_103] : memref<5120xi32, #tpu.memory_space<vmem>> -> memref<128xi32, #tpu.memory_space<vmem>>
      %dma_start3A_105 = arith.constant 0 : i32
      %dma_start3A_106 = arith.constant 0 : i32
      %dma_start3A_107 = tpu.memref_slice %arg2[%dma_start3A_105, %dma_start3A_106] : memref<10000x64xbf16, #tpu.memory_space<hbm>> -> memref<10000x64xbf16, #tpu.memory_space<hbm>>
      tpu.enqueue_indirect_dma source(%dma_start3A_107 : memref<10000x64xbf16, #tpu.memory_space<hbm>>) target(%arg12 : memref<128x64xbf16, #tpu.memory_space<vmem>>) offsets(%dma_start3A_104 : memref<128xi32, #tpu.memory_space<vmem>>) semaphore(%arg18 : memref<!tpu.dma_semaphore, #tpu.memory_space<semaphore_mem>>)
      %dma_start3A_108 = tpu.memref_slice %arg9[%multiple_of3A_103] : memref<5120xi32, #tpu.memory_space<vmem>> -> memref<128xi32, #tpu.memory_space<vmem>>
      %dma_start3A_109 = arith.constant 0 : i32
      %dma_start3A_110 = arith.constant 0 : i32
      %dma_start3A_111 = tpu.memref_slice %arg3[%dma_start3A_109, %dma_start3A_110] : memref<10000x64xbf16, #tpu.memory_space<hbm>> -> memref<10000x64xbf16, #tpu.memory_space<hbm>>
      tpu.enqueue_indirect_dma source(%dma_start3A_111 : memref<10000x64xbf16, #tpu.memory_space<hbm>>) target(%arg13 : memref<128x64xbf16, #tpu.memory_space<vmem>>) offsets(%dma_start3A_108 : memref<128xi32, #tpu.memory_space<vmem>>) semaphore(%arg18 : memref<!tpu.dma_semaphore, #tpu.memory_space<semaphore_mem>>)
      %dma_wait3A_112 = arith.constant 0 : i32
      %dma_wait3A_113 = arith.constant 0 : i32
      %dma_wait3A_114 = tpu.memref_slice %arg2[%dma_wait3A_112, %dma_wait3A_113] : memref<10000x64xbf16, #tpu.memory_space<hbm>> -> memref<128x64xbf16, #tpu.memory_space<hbm>>
      %dma_wait3A_115 = arith.constant 0 : i32
      %dma_wait3A_116 = arith.constant 0 : i32
      %dma_wait3A_117 = tpu.memref_slice %arg2[%dma_wait3A_115, %dma_wait3A_116] : memref<10000x64xbf16, #tpu.memory_space<hbm>> -> memref<128x64xbf16, #tpu.memory_space<hbm>>
      tpu.wait_dma2 semaphore(%arg17 : memref<!tpu.dma_semaphore, #tpu.memory_space<semaphore_mem>>) src(%dma_wait3A_117 : memref<128x64xbf16, #tpu.memory_space<hbm>>) dst(%arg10 : memref<128x64xbf16, #tpu.memory_space<vmem>>)
      %dma_wait3A_118 = arith.constant 0 : i32
      %dma_wait3A_119 = arith.constant 0 : i32
      %dma_wait3A_120 = tpu.memref_slice %arg3[%dma_wait3A_118, %dma_wait3A_119] : memref<10000x64xbf16, #tpu.memory_space<hbm>> -> memref<128x64xbf16, #tpu.memory_space<hbm>>
      %dma_wait3A_121 = arith.constant 0 : i32
      %dma_wait3A_122 = arith.constant 0 : i32
      %dma_wait3A_123 = tpu.memref_slice %arg3[%dma_wait3A_121, %dma_wait3A_122] : memref<10000x64xbf16, #tpu.memory_space<hbm>> -> memref<128x64xbf16, #tpu.memory_space<hbm>>
      tpu.wait_dma2 semaphore(%arg17 : memref<!tpu.dma_semaphore, #tpu.memory_space<semaphore_mem>>) src(%dma_wait3A_123 : memref<128x64xbf16, #tpu.memory_space<hbm>>) dst(%arg11 : memref<128x64xbf16, #tpu.memory_space<vmem>>)
      %ge3A = arith.constant 1 : i32
      %ge3A_124 = arith.cmpi sge, %while3A_88, %ge3A : i32
      %convert_element_type3A = arith.extui %ge3A_124 : i1 to i32
      %cond3A = arith.constant 0 : i32
      %cond3A_125 = arith.cmpi ne, %convert_element_type3A, %cond3A : i32
      scf.if %cond3A_125 {
        %dma_wait3A_175 = arith.constant 0 : i32
        %dma_wait3A_176 = arith.constant 0 : i32
        %dma_wait3A_177 = tpu.memref_slice %arg6[%dma_wait3A_175, %dma_wait3A_176] : memref<81920x128xf32, #tpu.memory_space<hbm>> -> memref<64x128xf32, #tpu.memory_space<hbm>>
        %dma_wait3A_178 = arith.constant 0 : i32
        %dma_wait3A_179 = arith.constant 0 : i32
        %dma_wait3A_180 = tpu.memref_slice %arg6[%dma_wait3A_178, %dma_wait3A_179] : memref<81920x128xf32, #tpu.memory_space<hbm>> -> memref<64x128xf32, #tpu.memory_space<hbm>>
        tpu.wait_dma2 semaphore(%arg19 : memref<!tpu.dma_semaphore, #tpu.memory_space<semaphore_mem>>) src(%arg14 : memref<64x128xf32, #tpu.memory_space<vmem>>) dst(%dma_wait3A_180 : memref<64x128xf32, #tpu.memory_space<hbm>>)
      } else {
      }
      %scan3A = arith.constant 0 : i32
      %scan3A_126 = arith.constant 64 : i32
      %scan3A_127 = arith.addi %scan3A, %scan3A_126 : i32
      %scan3A_128 = arith.constant 1 : i32
      %scan3A_129:8 = scf.for %scan3A_175 = %scan3A to %scan3A_127 step %scan3A_128 iter_args(%scan3A_176 = %while3A_89, %scan3A_177 = %while3A_90, %scan3A_178 = %while3A_91, %scan3A_179 = %while3A_92, %scan3A_180 = %while3A_93, %scan3A_181 = %while3A_94, %scan3A_182 = %while3A_95, %scan3A_183 = %while3A_96) -> (vector<16xf32>, vector<16xf32>, vector<16xf32>, vector<16xf32>, vector<16xf32>, vector<16xf32>, vector<16xf32>, vector<16xf32>)  : i32 {
        %mul3A_184 = arith.constant 2 : i32
        %mul3A_185 = arith.muli %mul3A_184, %scan3A_175 : i32
        %add3A_186 = arith.constant 0 : i32
        %add3A_187 = arith.addi %mul3A_185, %add3A_186 : i32
        %get3A = arith.index_cast %add3A_187 : i32 to index
        %get3A_188 = arith.constant 0 : index
        %get3A_189 = tpu.vector_load %arg10[%get3A, %get3A_188] {strides = array<i32>} : memref<128x64xbf16, #tpu.memory_space<vmem>>, vector<32xbf16>,
        %unpack3A = tpu.unpack_subelements %get3A_189, 0 {pack_format = #tpu.pack_format<interleaved>} : vector<32xbf16> -> vector<16xf32>
        %unpack3A_190 = tpu.unpack_subelements %get3A_189, 1 {pack_format = #tpu.pack_format<interleaved>} : vector<32xbf16> -> vector<16xf32>
        %mul3A_191 = arith.constant 2 : i32
        %mul3A_192 = arith.muli %mul3A_191, %scan3A_175 : i32
        %add3A_193 = arith.constant 0 : i32
        %add3A_194 = arith.addi %mul3A_192, %add3A_193 : i32
        %get3A_195 = arith.index_cast %add3A_194 : i32 to index
        %get3A_196 = arith.constant 0 : index
        %get3A_197 = tpu.vector_load %arg11[%get3A_195, %get3A_196] {strides = array<i32>} : memref<128x64xbf16, #tpu.memory_space<vmem>>, vector<32xbf16>,
        %unpack3A_198 = tpu.unpack_subelements %get3A_197, 0 {pack_format = #tpu.pack_format<interleaved>} : vector<32xbf16> -> vector<16xf32>
        %unpack3A_199 = tpu.unpack_subelements %get3A_197, 1 {pack_format = #tpu.pack_format<interleaved>} : vector<32xbf16> -> vector<16xf32>
        %add3A_200 = arith.addf %unpack3A, %unpack3A_198 : vector<16xf32>
        %add3A_201 = arith.addf %unpack3A_190, %unpack3A_199 : vector<16xf32>
        %mul3A_202 = arith.constant 2 : i32
        %mul3A_203 = arith.muli %mul3A_202, %scan3A_175 : i32
        %add3A_204 = arith.constant 0 : i32
        %add3A_205 = arith.addi %mul3A_203, %add3A_204 : i32
        %get3A_206 = arith.index_cast %add3A_205 : i32 to index
        %get3A_207 = arith.constant 32 : index
        %get3A_208 = tpu.vector_load %arg10[%get3A_206, %get3A_207] {strides = array<i32>} : memref<128x64xbf16, #tpu.memory_space<vmem>>, vector<32xbf16>,
        %unpack3A_209 = tpu.unpack_subelements %get3A_208, 0 {pack_format = #tpu.pack_format<interleaved>} : vector<32xbf16> -> vector<16xf32>
        %unpack3A_210 = tpu.unpack_subelements %get3A_208, 1 {pack_format = #tpu.pack_format<interleaved>} : vector<32xbf16> -> vector<16xf32>
        %mul3A_211 = arith.constant 2 : i32
        %mul3A_212 = arith.muli %mul3A_211, %scan3A_175 : i32
        %add3A_213 = arith.constant 0 : i32
        %add3A_214 = arith.addi %mul3A_212, %add3A_213 : i32
        %get3A_215 = arith.index_cast %add3A_214 : i32 to index
        %get3A_216 = arith.constant 32 : index
        %get3A_217 = tpu.vector_load %arg11[%get3A_215, %get3A_216] {strides = array<i32>} : memref<128x64xbf16, #tpu.memory_space<vmem>>, vector<32xbf16>,
        %unpack3A_218 = tpu.unpack_subelements %get3A_217, 0 {pack_format = #tpu.pack_format<interleaved>} : vector<32xbf16> -> vector<16xf32>
        %unpack3A_219 = tpu.unpack_subelements %get3A_217, 1 {pack_format = #tpu.pack_format<interleaved>} : vector<32xbf16> -> vector<16xf32>
        %add3A_220 = arith.addf %unpack3A_209, %unpack3A_218 : vector<16xf32>
        %add3A_221 = arith.addf %unpack3A_210, %unpack3A_219 : vector<16xf32>
        %mul3A_222 = arith.constant 2 : i32
        %mul3A_223 = arith.muli %mul3A_222, %scan3A_175 : i32
        %add3A_224 = arith.constant 1 : i32
        %add3A_225 = arith.addi %mul3A_223, %add3A_224 : i32
        %get3A_226 = arith.index_cast %add3A_225 : i32 to index
        %get3A_227 = arith.constant 0 : index
        %get3A_228 = tpu.vector_load %arg10[%get3A_226, %get3A_227] {strides = array<i32>} : memref<128x64xbf16, #tpu.memory_space<vmem>>, vector<32xbf16>,
        %unpack3A_229 = tpu.unpack_subelements %get3A_228, 0 {pack_format = #tpu.pack_format<interleaved>} : vector<32xbf16> -> vector<16xf32>
        %unpack3A_230 = tpu.unpack_subelements %get3A_228, 1 {pack_format = #tpu.pack_format<interleaved>} : vector<32xbf16> -> vector<16xf32>
        %mul3A_231 = arith.constant 2 : i32
        %mul3A_232 = arith.muli %mul3A_231, %scan3A_175 : i32
        %add3A_233 = arith.constant 1 : i32
        %add3A_234 = arith.addi %mul3A_232, %add3A_233 : i32
        %get3A_235 = arith.index_cast %add3A_234 : i32 to index
        %get3A_236 = arith.constant 0 : index
        %get3A_237 = tpu.vector_load %arg11[%get3A_235, %get3A_236] {strides = array<i32>} : memref<128x64xbf16, #tpu.memory_space<vmem>>, vector<32xbf16>,
        %unpack3A_238 = tpu.unpack_subelements %get3A_237, 0 {pack_format = #tpu.pack_format<interleaved>} : vector<32xbf16> -> vector<16xf32>
        %unpack3A_239 = tpu.unpack_subelements %get3A_237, 1 {pack_format = #tpu.pack_format<interleaved>} : vector<32xbf16> -> vector<16xf32>
        %add3A_240 = arith.addf %unpack3A_229, %unpack3A_238 : vector<16xf32>
        %add3A_241 = arith.addf %unpack3A_230, %unpack3A_239 : vector<16xf32>
        %mul3A_242 = arith.constant 2 : i32
        %mul3A_243 = arith.muli %mul3A_242, %scan3A_175 : i32
        %add3A_244 = arith.constant 1 : i32
        %add3A_245 = arith.addi %mul3A_243, %add3A_244 : i32
        %get3A_246 = arith.index_cast %add3A_245 : i32 to index
        %get3A_247 = arith.constant 32 : index
        %get3A_248 = tpu.vector_load %arg10[%get3A_246, %get3A_247] {strides = array<i32>} : memref<128x64xbf16, #tpu.memory_space<vmem>>, vector<32xbf16>,
        %unpack3A_249 = tpu.unpack_subelements %get3A_248, 0 {pack_format = #tpu.pack_format<interleaved>} : vector<32xbf16> -> vector<16xf32>
        %unpack3A_250 = tpu.unpack_subelements %get3A_248, 1 {pack_format = #tpu.pack_format<interleaved>} : vector<32xbf16> -> vector<16xf32>
        %mul3A_251 = arith.constant 2 : i32
        %mul3A_252 = arith.muli %mul3A_251, %scan3A_175 : i32
        %add3A_253 = arith.constant 1 : i32
        %add3A_254 = arith.addi %mul3A_252, %add3A_253 : i32
        %get3A_255 = arith.index_cast %add3A_254 : i32 to index
        %get3A_256 = arith.constant 32 : index
        %get3A_257 = tpu.vector_load %arg11[%get3A_255, %get3A_256] {strides = array<i32>} : memref<128x64xbf16, #tpu.memory_space<vmem>>, vector<32xbf16>,
        %unpack3A_258 = tpu.unpack_subelements %get3A_257, 0 {pack_format = #tpu.pack_format<interleaved>} : vector<32xbf16> -> vector<16xf32>
        %unpack3A_259 = tpu.unpack_subelements %get3A_257, 1 {pack_format = #tpu.pack_format<interleaved>} : vector<32xbf16> -> vector<16xf32>
        %add3A_260 = arith.addf %unpack3A_249, %unpack3A_258 : vector<16xf32>
        %add3A_261 = arith.addf %unpack3A_250, %unpack3A_259 : vector<16xf32>
        %swap3A_262 = arith.index_cast %scan3A_175 : i32 to index
        %swap3A_263 = arith.constant 0 : index
        %swap3A_264 = tpu.vector_load %arg14[%swap3A_262, %swap3A_263] {strides = array<i32>} : memref<64x128xf32, #tpu.memory_space<vmem>>, vector<16xf32>,
        tpu.vector_store %arg14[%swap3A_262, %swap3A_263], %add3A_200 {strides = array<i32>} : memref<64x128xf32, #tpu.memory_space<vmem>>, vector<16xf32>,
        %swap3A_265 = arith.index_cast %scan3A_175 : i32 to index
        %swap3A_266 = arith.constant 64 : index
        %swap3A_267 = tpu.vector_load %arg14[%swap3A_265, %swap3A_266] {strides = array<i32>} : memref<64x128xf32, #tpu.memory_space<vmem>>, vector<16xf32>,
        tpu.vector_store %arg14[%swap3A_265, %swap3A_266], %add3A_240 {strides = array<i32>} : memref<64x128xf32, #tpu.memory_space<vmem>>, vector<16xf32>,
        %add3A_268 = arith.addf %scan3A_176, %add3A_200 : vector<16xf32>
        %add3A_269 = arith.addf %add3A_268, %add3A_240 : vector<16xf32>
        %mul3A_270 = arith.mulf %add3A_200, %add3A_200 : vector<16xf32>
        %add3A_271 = arith.addf %scan3A_180, %mul3A_270 : vector<16xf32>
        %mul3A_272 = arith.mulf %add3A_240, %add3A_240 : vector<16xf32>
        %add3A_273 = arith.addf %add3A_271, %mul3A_272 : vector<16xf32>
        %swap3A_274 = arith.index_cast %scan3A_175 : i32 to index
        %swap3A_275 = arith.constant 16 : index
        %swap3A_276 = tpu.vector_load %arg14[%swap3A_274, %swap3A_275] {strides = array<i32>} : memref<64x128xf32, #tpu.memory_space<vmem>>, vector<16xf32>,
        tpu.vector_store %arg14[%swap3A_274, %swap3A_275], %add3A_201 {strides = array<i32>} : memref<64x128xf32, #tpu.memory_space<vmem>>, vector<16xf32>,
        %swap3A_277 = arith.index_cast %scan3A_175 : i32 to index
        %swap3A_278 = arith.constant 80 : index
        %swap3A_279 = tpu.vector_load %arg14[%swap3A_277, %swap3A_278] {strides = array<i32>} : memref<64x128xf32, #tpu.memory_space<vmem>>, vector<16xf32>,
        tpu.vector_store %arg14[%swap3A_277, %swap3A_278], %add3A_241 {strides = array<i32>} : memref<64x128xf32, #tpu.memory_space<vmem>>, vector<16xf32>,
        %add3A_280 = arith.addf %scan3A_177, %add3A_201 : vector<16xf32>
        %add3A_281 = arith.addf %add3A_280, %add3A_241 : vector<16xf32>
        %mul3A_282 = arith.mulf %add3A_201, %add3A_201 : vector<16xf32>
        %add3A_283 = arith.addf %scan3A_181, %mul3A_282 : vector<16xf32>
        %mul3A_284 = arith.mulf %add3A_241, %add3A_241 : vector<16xf32>
        %add3A_285 = arith.addf %add3A_283, %mul3A_284 : vector<16xf32>
        %swap3A_286 = arith.index_cast %scan3A_175 : i32 to index
        %swap3A_287 = arith.constant 32 : index
        %swap3A_288 = tpu.vector_load %arg14[%swap3A_286, %swap3A_287] {strides = array<i32>} : memref<64x128xf32, #tpu.memory_space<vmem>>, vector<16xf32>,
        tpu.vector_store %arg14[%swap3A_286, %swap3A_287], %add3A_220 {strides = array<i32>} : memref<64x128xf32, #tpu.memory_space<vmem>>, vector<16xf32>,
        %swap3A_289 = arith.index_cast %scan3A_175 : i32 to index
        %swap3A_290 = arith.constant 96 : index
        %swap3A_291 = tpu.vector_load %arg14[%swap3A_289, %swap3A_290] {strides = array<i32>} : memref<64x128xf32, #tpu.memory_space<vmem>>, vector<16xf32>,
        tpu.vector_store %arg14[%swap3A_289, %swap3A_290], %add3A_260 {strides = array<i32>} : memref<64x128xf32, #tpu.memory_space<vmem>>, vector<16xf32>,
        %add3A_292 = arith.addf %scan3A_178, %add3A_220 : vector<16xf32>
        %add3A_293 = arith.addf %add3A_292, %add3A_260 : vector<16xf32>
        %mul3A_294 = arith.mulf %add3A_220, %add3A_220 : vector<16xf32>
        %add3A_295 = arith.addf %scan3A_182, %mul3A_294 : vector<16xf32>
        %mul3A_296 = arith.mulf %add3A_260, %add3A_260 : vector<16xf32>
        %add3A_297 = arith.addf %add3A_295, %mul3A_296 : vector<16xf32>
        %swap3A_298 = arith.index_cast %scan3A_175 : i32 to index
        %swap3A_299 = arith.constant 48 : index
        %swap3A_300 = tpu.vector_load %arg14[%swap3A_298, %swap3A_299] {strides = array<i32>} : memref<64x128xf32, #tpu.memory_space<vmem>>, vector<16xf32>,
        tpu.vector_store %arg14[%swap3A_298, %swap3A_299], %add3A_221 {strides = array<i32>} : memref<64x128xf32, #tpu.memory_space<vmem>>, vector<16xf32>,
        %swap3A_301 = arith.index_cast %scan3A_175 : i32 to index
        %swap3A_302 = arith.constant 112 : index
        %swap3A_303 = tpu.vector_load %arg14[%swap3A_301, %swap3A_302] {strides = array<i32>} : memref<64x128xf32, #tpu.memory_space<vmem>>, vector<16xf32>,
        tpu.vector_store %arg14[%swap3A_301, %swap3A_302], %add3A_261 {strides = array<i32>} : memref<64x128xf32, #tpu.memory_space<vmem>>, vector<16xf32>,
        %add3A_304 = arith.addf %scan3A_179, %add3A_221 : vector<16xf32>
        %add3A_305 = arith.addf %add3A_304, %add3A_261 : vector<16xf32>
        %mul3A_306 = arith.mulf %add3A_221, %add3A_221 : vector<16xf32>
        %add3A_307 = arith.addf %scan3A_183, %mul3A_306 : vector<16xf32>
        %mul3A_308 = arith.mulf %add3A_261, %add3A_261 : vector<16xf32>
        %add3A_309 = arith.addf %add3A_307, %mul3A_308 : vector<16xf32>
        scf.yield %add3A_269, %add3A_281, %add3A_293, %add3A_305, %add3A_273, %add3A_285, %add3A_297, %add3A_309 : vector<16xf32>, vector<16xf32>, vector<16xf32>, vector<16xf32>, vector<16xf32>, vector<16xf32>, vector<16xf32>, vector<16xf32>
      }
      %scan3A_130 = arith.constant 64 : i32
      %mul3A_131 = arith.constant 64 : i32
      %mul3A_132 = arith.muli %mul3A_98, %mul3A_131 : i32
      %add3A_133 = arith.addi %mul3A_4, %mul3A_132 : i32
      %dma_start3A_134 = arith.constant 0 : i32
      %dma_start3A_135 = tpu.memref_slice %arg6[%add3A_133, %dma_start3A_134] : memref<81920x128xf32, #tpu.memory_space<hbm>> -> memref<64x128xf32, #tpu.memory_space<hbm>>
      %dma_start3A_136 = arith.constant 0 : i32
      %dma_start3A_137 = tpu.memref_slice %arg6[%add3A_133, %dma_start3A_136] : memref<81920x128xf32, #tpu.memory_space<hbm>> -> memref<64x128xf32, #tpu.memory_space<hbm>>
      tpu.enqueue_dma source(%arg14 : memref<64x128xf32, #tpu.memory_space<vmem>>) target(%dma_start3A_137 : memref<64x128xf32, #tpu.memory_space<hbm>>) target_semaphore(%arg19 : memref<!tpu.dma_semaphore, #tpu.memory_space<semaphore_mem>>)
      %add3A_138 = arith.constant 2 : i32
      %add3A_139 = arith.addi %mul3A_98, %add3A_138 : i32
      %lt3A = arith.cmpi slt, %add3A_139, %min3A_9 : i32
      %convert_element_type3A_140 = arith.extui %lt3A : i1 to i32
      %cond3A_141 = arith.constant 0 : i32
      %cond3A_142 = arith.cmpi ne, %convert_element_type3A_140, %cond3A_141 : i32
      scf.if %cond3A_142 {
        %add3A_175 = arith.constant 2 : i32
        %add3A_176 = arith.addi %mul3A_98, %add3A_175 : i32
        %mul3A_177 = arith.constant 128 : i32
        %mul3A_178 = arith.muli %add3A_176, %mul3A_177 : i32
        %multiple_of3A_179 = tpu.assume_multiple %mul3A_178, 8 : i32
        %dma_start3A_180 = tpu.memref_slice %arg8[%multiple_of3A_179] : memref<5120xi32, #tpu.memory_space<vmem>> -> memref<128xi32, #tpu.memory_space<vmem>>
        %dma_start3A_181 = arith.constant 0 : i32
        %dma_start3A_182 = arith.constant 0 : i32
        %dma_start3A_183 = tpu.memref_slice %arg2[%dma_start3A_181, %dma_start3A_182] : memref<10000x64xbf16, #tpu.memory_space<hbm>> -> memref<10000x64xbf16, #tpu.memory_space<hbm>>
        tpu.enqueue_indirect_dma source(%dma_start3A_183 : memref<10000x64xbf16, #tpu.memory_space<hbm>>) target(%arg10 : memref<128x64xbf16, #tpu.memory_space<vmem>>) offsets(%dma_start3A_180 : memref<128xi32, #tpu.memory_space<vmem>>) semaphore(%arg17 : memref<!tpu.dma_semaphore, #tpu.memory_space<semaphore_mem>>)
        %dma_start3A_184 = tpu.memref_slice %arg9[%multiple_of3A_179] : memref<5120xi32, #tpu.memory_space<vmem>> -> memref<128xi32, #tpu.memory_space<vmem>>
        %dma_start3A_185 = arith.constant 0 : i32
        %dma_start3A_186 = arith.constant 0 : i32
        %dma_start3A_187 = tpu.memref_slice %arg3[%dma_start3A_185, %dma_start3A_186] : memref<10000x64xbf16, #tpu.memory_space<hbm>> -> memref<10000x64xbf16, #tpu.memory_space<hbm>>
        tpu.enqueue_indirect_dma source(%dma_start3A_187 : memref<10000x64xbf16, #tpu.memory_space<hbm>>) target(%arg11 : memref<128x64xbf16, #tpu.memory_space<vmem>>) offsets(%dma_start3A_184 : memref<128xi32, #tpu.memory_space<vmem>>) semaphore(%arg17 : memref<!tpu.dma_semaphore, #tpu.memory_space<semaphore_mem>>)
      } else {
      }
      %dma_wait3A_143 = arith.constant 0 : i32
      %dma_wait3A_144 = arith.constant 0 : i32
      %dma_wait3A_145 = tpu.memref_slice %arg2[%dma_wait3A_143, %dma_wait3A_144] : memref<10000x64xbf16, #tpu.memory_space<hbm>> -> memref<128x64xbf16, #tpu.memory_space<hbm>>
      %dma_wait3A_146 = arith.constant 0 : i32
      %dma_wait3A_147 = arith.constant 0 : i32
      %dma_wait3A_148 = tpu.memref_slice %arg2[%dma_wait3A_146, %dma_wait3A_147] : memref<10000x64xbf16, #tpu.memory_space<hbm>> -> memref<128x64xbf16, #tpu.memory_space<hbm>>
      tpu.wait_dma2 semaphore(%arg18 : memref<!tpu.dma_semaphore, #tpu.memory_space<semaphore_mem>>) src(%dma_wait3A_148 : memref<128x64xbf16, #tpu.memory_space<hbm>>) dst(%arg12 : memref<128x64xbf16, #tpu.memory_space<vmem>>)
      %dma_wait3A_149 = arith.constant 0 : i32
      %dma_wait3A_150 = arith.constant 0 : i32
      %dma_wait3A_151 = tpu.memref_slice %arg3[%dma_wait3A_149, %dma_wait3A_150] : memref<10000x64xbf16, #tpu.memory_space<hbm>> -> memref<128x64xbf16, #tpu.memory_space<hbm>>
      %dma_wait3A_152 = arith.constant 0 : i32
      %dma_wait3A_153 = arith.constant 0 : i32
      %dma_wait3A_154 = tpu.memref_slice %arg3[%dma_wait3A_152, %dma_wait3A_153] : memref<10000x64xbf16, #tpu.memory_space<hbm>> -> memref<128x64xbf16, #tpu.memory_space<hbm>>
      tpu.wait_dma2 semaphore(%arg18 : memref<!tpu.dma_semaphore, #tpu.memory_space<semaphore_mem>>) src(%dma_wait3A_154 : memref<128x64xbf16, #tpu.memory_space<hbm>>) dst(%arg13 : memref<128x64xbf16, #tpu.memory_space<vmem>>)
      %ge3A_155 = arith.constant 1 : i32
      %ge3A_156 = arith.cmpi sge, %while3A_88, %ge3A_155 : i32
      %convert_element_type3A_157 = arith.extui %ge3A_156 : i1 to i32
      %cond3A_158 = arith.constant 0 : i32
      %cond3A_159 = arith.cmpi ne, %convert_element_type3A_157, %cond3A_158 : i32
      scf.if %cond3A_159 {
        %dma_wait3A_175 = arith.constant 0 : i32
        %dma_wait3A_176 = arith.constant 0 : i32
        %dma_wait3A_177 = tpu.memref_slice %arg6[%dma_wait3A_175, %dma_wait3A_176] : memref<81920x128xf32, #tpu.memory_space<hbm>> -> memref<64x128xf32, #tpu.memory_space<hbm>>
        %dma_wait3A_178 = arith.constant 0 : i32
        %dma_wait3A_179 = arith.constant 0 : i32
        %dma_wait3A_180 = tpu.memref_slice %arg6[%dma_wait3A_178, %dma_wait3A_179] : memref<81920x128xf32, #tpu.memory_space<hbm>> -> memref<64x128xf32, #tpu.memory_space<hbm>>
        tpu.wait_dma2 semaphore(%arg20 : memref<!tpu.dma_semaphore, #tpu.memory_space<semaphore_mem>>) src(%arg15 : memref<64x128xf32, #tpu.memory_space<vmem>>) dst(%dma_wait3A_180 : memref<64x128xf32, #tpu.memory_space<hbm>>)
      } else {
      }
      %add3A_160 = arith.constant 1 : i32
      %add3A_161 = arith.addi %mul3A_98, %add3A_160 : i32
      %scan3A_162 = arith.constant 0 : i32
      %scan3A_163 = arith.constant 64 : i32
      %scan3A_164 = arith.addi %scan3A_162, %scan3A_163 : i32
      %scan3A_165 = arith.constant 1 : i32
      %scan3A_166:8 = scf.for %scan3A_175 = %scan3A_162 to %scan3A_164 step %scan3A_165 iter_args(%scan3A_176 = %scan3A_129#0, %scan3A_177 = %scan3A_129#1, %scan3A_178 = %scan3A_129#2, %scan3A_179 = %scan3A_129#3, %scan3A_180 = %scan3A_129#4, %scan3A_181 = %scan3A_129#5, %scan3A_182 = %scan3A_129#6, %scan3A_183 = %scan3A_129#7) -> (vector<16xf32>, vector<16xf32>, vector<16xf32>, vector<16xf32>, vector<16xf32>, vector<16xf32>, vector<16xf32>, vector<16xf32>)  : i32 {
        %mul3A_184 = arith.constant 2 : i32
        %mul3A_185 = arith.muli %mul3A_184, %scan3A_175 : i32
        %add3A_186 = arith.constant 0 : i32
        %add3A_187 = arith.addi %mul3A_185, %add3A_186 : i32
        %get3A = arith.index_cast %add3A_187 : i32 to index
        %get3A_188 = arith.constant 0 : index
        %get3A_189 = tpu.vector_load %arg12[%get3A, %get3A_188] {strides = array<i32>} : memref<128x64xbf16, #tpu.memory_space<vmem>>, vector<32xbf16>,
        %unpack3A = tpu.unpack_subelements %get3A_189, 0 {pack_format = #tpu.pack_format<interleaved>} : vector<32xbf16> -> vector<16xf32>
        %unpack3A_190 = tpu.unpack_subelements %get3A_189, 1 {pack_format = #tpu.pack_format<interleaved>} : vector<32xbf16> -> vector<16xf32>
        %mul3A_191 = arith.constant 2 : i32
        %mul3A_192 = arith.muli %mul3A_191, %scan3A_175 : i32
        %add3A_193 = arith.constant 0 : i32
        %add3A_194 = arith.addi %mul3A_192, %add3A_193 : i32
        %get3A_195 = arith.index_cast %add3A_194 : i32 to index
        %get3A_196 = arith.constant 0 : index
        %get3A_197 = tpu.vector_load %arg13[%get3A_195, %get3A_196] {strides = array<i32>} : memref<128x64xbf16, #tpu.memory_space<vmem>>, vector<32xbf16>,
        %unpack3A_198 = tpu.unpack_subelements %get3A_197, 0 {pack_format = #tpu.pack_format<interleaved>} : vector<32xbf16> -> vector<16xf32>
        %unpack3A_199 = tpu.unpack_subelements %get3A_197, 1 {pack_format = #tpu.pack_format<interleaved>} : vector<32xbf16> -> vector<16xf32>
        %add3A_200 = arith.addf %unpack3A, %unpack3A_198 : vector<16xf32>
        %add3A_201 = arith.addf %unpack3A_190, %unpack3A_199 : vector<16xf32>
        %mul3A_202 = arith.constant 2 : i32
        %mul3A_203 = arith.muli %mul3A_202, %scan3A_175 : i32
        %add3A_204 = arith.constant 0 : i32
        %add3A_205 = arith.addi %mul3A_203, %add3A_204 : i32
        %get3A_206 = arith.index_cast %add3A_205 : i32 to index
        %get3A_207 = arith.constant 32 : index
        %get3A_208 = tpu.vector_load %arg12[%get3A_206, %get3A_207] {strides = array<i32>} : memref<128x64xbf16, #tpu.memory_space<vmem>>, vector<32xbf16>,
        %unpack3A_209 = tpu.unpack_subelements %get3A_208, 0 {pack_format = #tpu.pack_format<interleaved>} : vector<32xbf16> -> vector<16xf32>
        %unpack3A_210 = tpu.unpack_subelements %get3A_208, 1 {pack_format = #tpu.pack_format<interleaved>} : vector<32xbf16> -> vector<16xf32>
        %mul3A_211 = arith.constant 2 : i32
        %mul3A_212 = arith.muli %mul3A_211, %scan3A_175 : i32
        %add3A_213 = arith.constant 0 : i32
        %add3A_214 = arith.addi %mul3A_212, %add3A_213 : i32
        %get3A_215 = arith.index_cast %add3A_214 : i32 to index
        %get3A_216 = arith.constant 32 : index
        %get3A_217 = tpu.vector_load %arg13[%get3A_215, %get3A_216] {strides = array<i32>} : memref<128x64xbf16, #tpu.memory_space<vmem>>, vector<32xbf16>,
        %unpack3A_218 = tpu.unpack_subelements %get3A_217, 0 {pack_format = #tpu.pack_format<interleaved>} : vector<32xbf16> -> vector<16xf32>
        %unpack3A_219 = tpu.unpack_subelements %get3A_217, 1 {pack_format = #tpu.pack_format<interleaved>} : vector<32xbf16> -> vector<16xf32>
        %add3A_220 = arith.addf %unpack3A_209, %unpack3A_218 : vector<16xf32>
        %add3A_221 = arith.addf %unpack3A_210, %unpack3A_219 : vector<16xf32>
        %mul3A_222 = arith.constant 2 : i32
        %mul3A_223 = arith.muli %mul3A_222, %scan3A_175 : i32
        %add3A_224 = arith.constant 1 : i32
        %add3A_225 = arith.addi %mul3A_223, %add3A_224 : i32
        %get3A_226 = arith.index_cast %add3A_225 : i32 to index
        %get3A_227 = arith.constant 0 : index
        %get3A_228 = tpu.vector_load %arg12[%get3A_226, %get3A_227] {strides = array<i32>} : memref<128x64xbf16, #tpu.memory_space<vmem>>, vector<32xbf16>,
        %unpack3A_229 = tpu.unpack_subelements %get3A_228, 0 {pack_format = #tpu.pack_format<interleaved>} : vector<32xbf16> -> vector<16xf32>
        %unpack3A_230 = tpu.unpack_subelements %get3A_228, 1 {pack_format = #tpu.pack_format<interleaved>} : vector<32xbf16> -> vector<16xf32>
        %mul3A_231 = arith.constant 2 : i32
        %mul3A_232 = arith.muli %mul3A_231, %scan3A_175 : i32
        %add3A_233 = arith.constant 1 : i32
        %add3A_234 = arith.addi %mul3A_232, %add3A_233 : i32
        %get3A_235 = arith.index_cast %add3A_234 : i32 to index
        %get3A_236 = arith.constant 0 : index
        %get3A_237 = tpu.vector_load %arg13[%get3A_235, %get3A_236] {strides = array<i32>} : memref<128x64xbf16, #tpu.memory_space<vmem>>, vector<32xbf16>,
        %unpack3A_238 = tpu.unpack_subelements %get3A_237, 0 {pack_format = #tpu.pack_format<interleaved>} : vector<32xbf16> -> vector<16xf32>
        %unpack3A_239 = tpu.unpack_subelements %get3A_237, 1 {pack_format = #tpu.pack_format<interleaved>} : vector<32xbf16> -> vector<16xf32>
        %add3A_240 = arith.addf %unpack3A_229, %unpack3A_238 : vector<16xf32>
        %add3A_241 = arith.addf %unpack3A_230, %unpack3A_239 : vector<16xf32>
        %mul3A_242 = arith.constant 2 : i32
        %mul3A_243 = arith.muli %mul3A_242, %scan3A_175 : i32
        %add3A_244 = arith.constant 1 : i32
        %add3A_245 = arith.addi %mul3A_243, %add3A_244 : i32
        %get3A_246 = arith.index_cast %add3A_245 : i32 to index
        %get3A_247 = arith.constant 32 : index
        %get3A_248 = tpu.vector_load %arg12[%get3A_246, %get3A_247] {strides = array<i32>} : memref<128x64xbf16, #tpu.memory_space<vmem>>, vector<32xbf16>,
        %unpack3A_249 = tpu.unpack_subelements %get3A_248, 0 {pack_format = #tpu.pack_format<interleaved>} : vector<32xbf16> -> vector<16xf32>
        %unpack3A_250 = tpu.unpack_subelements %get3A_248, 1 {pack_format = #tpu.pack_format<interleaved>} : vector<32xbf16> -> vector<16xf32>
        %mul3A_251 = arith.constant 2 : i32
        %mul3A_252 = arith.muli %mul3A_251, %scan3A_175 : i32
        %add3A_253 = arith.constant 1 : i32
        %add3A_254 = arith.addi %mul3A_252, %add3A_253 : i32
        %get3A_255 = arith.index_cast %add3A_254 : i32 to index
        %get3A_256 = arith.constant 32 : index
        %get3A_257 = tpu.vector_load %arg13[%get3A_255, %get3A_256] {strides = array<i32>} : memref<128x64xbf16, #tpu.memory_space<vmem>>, vector<32xbf16>,
        %unpack3A_258 = tpu.unpack_subelements %get3A_257, 0 {pack_format = #tpu.pack_format<interleaved>} : vector<32xbf16> -> vector<16xf32>
        %unpack3A_259 = tpu.unpack_subelements %get3A_257, 1 {pack_format = #tpu.pack_format<interleaved>} : vector<32xbf16> -> vector<16xf32>
        %add3A_260 = arith.addf %unpack3A_249, %unpack3A_258 : vector<16xf32>
        %add3A_261 = arith.addf %unpack3A_250, %unpack3A_259 : vector<16xf32>
        %swap3A_262 = arith.index_cast %scan3A_175 : i32 to index
        %swap3A_263 = arith.constant 0 : index
        %swap3A_264 = tpu.vector_load %arg15[%swap3A_262, %swap3A_263] {strides = array<i32>} : memref<64x128xf32, #tpu.memory_space<vmem>>, vector<16xf32>,
        tpu.vector_store %arg15[%swap3A_262, %swap3A_263], %add3A_200 {strides = array<i32>} : memref<64x128xf32, #tpu.memory_space<vmem>>, vector<16xf32>,
        %swap3A_265 = arith.index_cast %scan3A_175 : i32 to index
        %swap3A_266 = arith.constant 64 : index
        %swap3A_267 = tpu.vector_load %arg15[%swap3A_265, %swap3A_266] {strides = array<i32>} : memref<64x128xf32, #tpu.memory_space<vmem>>, vector<16xf32>,
        tpu.vector_store %arg15[%swap3A_265, %swap3A_266], %add3A_240 {strides = array<i32>} : memref<64x128xf32, #tpu.memory_space<vmem>>, vector<16xf32>,
        %add3A_268 = arith.addf %scan3A_176, %add3A_200 : vector<16xf32>
        %add3A_269 = arith.addf %add3A_268, %add3A_240 : vector<16xf32>
        %mul3A_270 = arith.mulf %add3A_200, %add3A_200 : vector<16xf32>
        %add3A_271 = arith.addf %scan3A_180, %mul3A_270 : vector<16xf32>
        %mul3A_272 = arith.mulf %add3A_240, %add3A_240 : vector<16xf32>
        %add3A_273 = arith.addf %add3A_271, %mul3A_272 : vector<16xf32>
        %swap3A_274 = arith.index_cast %scan3A_175 : i32 to index
        %swap3A_275 = arith.constant 16 : index
        %swap3A_276 = tpu.vector_load %arg15[%swap3A_274, %swap3A_275] {strides = array<i32>} : memref<64x128xf32, #tpu.memory_space<vmem>>, vector<16xf32>,
        tpu.vector_store %arg15[%swap3A_274, %swap3A_275], %add3A_201 {strides = array<i32>} : memref<64x128xf32, #tpu.memory_space<vmem>>, vector<16xf32>,
        %swap3A_277 = arith.index_cast %scan3A_175 : i32 to index
        %swap3A_278 = arith.constant 80 : index
        %swap3A_279 = tpu.vector_load %arg15[%swap3A_277, %swap3A_278] {strides = array<i32>} : memref<64x128xf32, #tpu.memory_space<vmem>>, vector<16xf32>,
        tpu.vector_store %arg15[%swap3A_277, %swap3A_278], %add3A_241 {strides = array<i32>} : memref<64x128xf32, #tpu.memory_space<vmem>>, vector<16xf32>,
        %add3A_280 = arith.addf %scan3A_177, %add3A_201 : vector<16xf32>
        %add3A_281 = arith.addf %add3A_280, %add3A_241 : vector<16xf32>
        %mul3A_282 = arith.mulf %add3A_201, %add3A_201 : vector<16xf32>
        %add3A_283 = arith.addf %scan3A_181, %mul3A_282 : vector<16xf32>
        %mul3A_284 = arith.mulf %add3A_241, %add3A_241 : vector<16xf32>
        %add3A_285 = arith.addf %add3A_283, %mul3A_284 : vector<16xf32>
        %swap3A_286 = arith.index_cast %scan3A_175 : i32 to index
        %swap3A_287 = arith.constant 32 : index
        %swap3A_288 = tpu.vector_load %arg15[%swap3A_286, %swap3A_287] {strides = array<i32>} : memref<64x128xf32, #tpu.memory_space<vmem>>, vector<16xf32>,
        tpu.vector_store %arg15[%swap3A_286, %swap3A_287], %add3A_220 {strides = array<i32>} : memref<64x128xf32, #tpu.memory_space<vmem>>, vector<16xf32>,
        %swap3A_289 = arith.index_cast %scan3A_175 : i32 to index
        %swap3A_290 = arith.constant 96 : index
        %swap3A_291 = tpu.vector_load %arg15[%swap3A_289, %swap3A_290] {strides = array<i32>} : memref<64x128xf32, #tpu.memory_space<vmem>>, vector<16xf32>,
        tpu.vector_store %arg15[%swap3A_289, %swap3A_290], %add3A_260 {strides = array<i32>} : memref<64x128xf32, #tpu.memory_space<vmem>>, vector<16xf32>,
        %add3A_292 = arith.addf %scan3A_178, %add3A_220 : vector<16xf32>
        %add3A_293 = arith.addf %add3A_292, %add3A_260 : vector<16xf32>
        %mul3A_294 = arith.mulf %add3A_220, %add3A_220 : vector<16xf32>
        %add3A_295 = arith.addf %scan3A_182, %mul3A_294 : vector<16xf32>
        %mul3A_296 = arith.mulf %add3A_260, %add3A_260 : vector<16xf32>
        %add3A_297 = arith.addf %add3A_295, %mul3A_296 : vector<16xf32>
        %swap3A_298 = arith.index_cast %scan3A_175 : i32 to index
        %swap3A_299 = arith.constant 48 : index
        %swap3A_300 = tpu.vector_load %arg15[%swap3A_298, %swap3A_299] {strides = array<i32>} : memref<64x128xf32, #tpu.memory_space<vmem>>, vector<16xf32>,
        tpu.vector_store %arg15[%swap3A_298, %swap3A_299], %add3A_221 {strides = array<i32>} : memref<64x128xf32, #tpu.memory_space<vmem>>, vector<16xf32>,
        %swap3A_301 = arith.index_cast %scan3A_175 : i32 to index
        %swap3A_302 = arith.constant 112 : index
        %swap3A_303 = tpu.vector_load %arg15[%swap3A_301, %swap3A_302] {strides = array<i32>} : memref<64x128xf32, #tpu.memory_space<vmem>>, vector<16xf32>,
        tpu.vector_store %arg15[%swap3A_301, %swap3A_302], %add3A_261 {strides = array<i32>} : memref<64x128xf32, #tpu.memory_space<vmem>>, vector<16xf32>,
        %add3A_304 = arith.addf %scan3A_179, %add3A_221 : vector<16xf32>
        %add3A_305 = arith.addf %add3A_304, %add3A_261 : vector<16xf32>
        %mul3A_306 = arith.mulf %add3A_221, %add3A_221 : vector<16xf32>
        %add3A_307 = arith.addf %scan3A_183, %mul3A_306 : vector<16xf32>
        %mul3A_308 = arith.mulf %add3A_261, %add3A_261 : vector<16xf32>
        %add3A_309 = arith.addf %add3A_307, %mul3A_308 : vector<16xf32>
        scf.yield %add3A_269, %add3A_281, %add3A_293, %add3A_305, %add3A_273, %add3A_285, %add3A_297, %add3A_309 : vector<16xf32>, vector<16xf32>, vector<16xf32>, vector<16xf32>, vector<16xf32>, vector<16xf32>, vector<16xf32>, vector<16xf32>
      }
      %scan3A_167 = arith.constant 64 : i32
      %mul3A_168 = arith.constant 64 : i32
      %mul3A_169 = arith.muli %add3A_161, %mul3A_168 : i32
      %add3A_170 = arith.addi %mul3A_4, %mul3A_169 : i32
      %dma_start3A_171 = arith.constant 0 : i32
      %dma_start3A_172 = tpu.memref_slice %arg6[%add3A_170, %dma_start3A_171] : memref<81920x128xf32, #tpu.memory_space<hbm>> -> memref<64x128xf32, #tpu.memory_space<hbm>>
      %dma_start3A_173 = arith.constant 0 : i32
      %dma_start3A_174 = tpu.memref_slice %arg6[%add3A_170, %dma_start3A_173] : memref<81920x128xf32, #tpu.memory_space<hbm>> -> memref<64x128xf32, #tpu.memory_space<hbm>>
      tpu.enqueue_dma source(%arg15 : memref<64x128xf32, #tpu.memory_space<vmem>>) target(%dma_start3A_174 : memref<64x128xf32, #tpu.memory_space<hbm>>) target_semaphore(%arg20 : memref<!tpu.dma_semaphore, #tpu.memory_space<semaphore_mem>>)
      scf.yield %scan3A_166#0, %scan3A_166#1, %scan3A_166#2, %scan3A_166#3, %scan3A_166#4, %scan3A_166#5, %scan3A_166#6, %scan3A_166#7 : vector<16xf32>, vector<16xf32>, vector<16xf32>, vector<16xf32>, vector<16xf32>, vector<16xf32>, vector<16xf32>, vector<16xf32>
    }
    %while3A_44 = arith.constant 1 : i32
    %while3A_45:8 = scf.for %while3A_88 = %while3A_41 to %while3A_37 step %while3A_44 iter_args(%while3A_89 = %while3A_43#0, %while3A_90 = %while3A_43#1, %while3A_91 = %while3A_43#2, %while3A_92 = %while3A_43#3, %while3A_93 = %while3A_43#4, %while3A_94 = %while3A_43#5, %while3A_95 = %while3A_43#6, %while3A_96 = %while3A_43#7) -> (vector<16xf32>, vector<16xf32>, vector<16xf32>, vector<16xf32>, vector<16xf32>, vector<16xf32>, vector<16xf32>, vector<16xf32>)  : i32 {
      %mul3A_97 = arith.constant 2 : i32
      %mul3A_98 = arith.muli %mul3A_97, %while3A_88 : i32
      %add3A_99 = arith.constant 1 : i32
      %add3A_100 = arith.addi %mul3A_98, %add3A_99 : i32
      %mul3A_101 = arith.constant 128 : i32
      %mul3A_102 = arith.muli %add3A_100, %mul3A_101 : i32
      %multiple_of3A_103 = tpu.assume_multiple %mul3A_102, 8 : i32
      %dma_start3A_104 = tpu.memref_slice %arg8[%multiple_of3A_103] : memref<5120xi32, #tpu.memory_space<vmem>> -> memref<128xi32, #tpu.memory_space<vmem>>
      %dma_start3A_105 = arith.constant 0 : i32
      %dma_start3A_106 = arith.constant 0 : i32
      %dma_start3A_107 = tpu.memref_slice %arg2[%dma_start3A_105, %dma_start3A_106] : memref<10000x64xbf16, #tpu.memory_space<hbm>> -> memref<10000x64xbf16, #tpu.memory_space<hbm>>
      tpu.enqueue_indirect_dma source(%dma_start3A_107 : memref<10000x64xbf16, #tpu.memory_space<hbm>>) target(%arg12 : memref<128x64xbf16, #tpu.memory_space<vmem>>) offsets(%dma_start3A_104 : memref<128xi32, #tpu.memory_space<vmem>>) semaphore(%arg18 : memref<!tpu.dma_semaphore, #tpu.memory_space<semaphore_mem>>)
      %dma_start3A_108 = tpu.memref_slice %arg9[%multiple_of3A_103] : memref<5120xi32, #tpu.memory_space<vmem>> -> memref<128xi32, #tpu.memory_space<vmem>>
      %dma_start3A_109 = arith.constant 0 : i32
      %dma_start3A_110 = arith.constant 0 : i32
      %dma_start3A_111 = tpu.memref_slice %arg3[%dma_start3A_109, %dma_start3A_110] : memref<10000x64xbf16, #tpu.memory_space<hbm>> -> memref<10000x64xbf16, #tpu.memory_space<hbm>>
      tpu.enqueue_indirect_dma source(%dma_start3A_111 : memref<10000x64xbf16, #tpu.memory_space<hbm>>) target(%arg13 : memref<128x64xbf16, #tpu.memory_space<vmem>>) offsets(%dma_start3A_108 : memref<128xi32, #tpu.memory_space<vmem>>) semaphore(%arg18 : memref<!tpu.dma_semaphore, #tpu.memory_space<semaphore_mem>>)
      %dma_wait3A_112 = arith.constant 0 : i32
      %dma_wait3A_113 = arith.constant 0 : i32
      %dma_wait3A_114 = tpu.memref_slice %arg2[%dma_wait3A_112, %dma_wait3A_113] : memref<10000x64xbf16, #tpu.memory_space<hbm>> -> memref<128x64xbf16, #tpu.memory_space<hbm>>
      %dma_wait3A_115 = arith.constant 0 : i32
      %dma_wait3A_116 = arith.constant 0 : i32
      %dma_wait3A_117 = tpu.memref_slice %arg2[%dma_wait3A_115, %dma_wait3A_116] : memref<10000x64xbf16, #tpu.memory_space<hbm>> -> memref<128x64xbf16, #tpu.memory_space<hbm>>
      tpu.wait_dma2 semaphore(%arg17 : memref<!tpu.dma_semaphore, #tpu.memory_space<semaphore_mem>>) src(%dma_wait3A_117 : memref<128x64xbf16, #tpu.memory_space<hbm>>) dst(%arg10 : memref<128x64xbf16, #tpu.memory_space<vmem>>)
      %dma_wait3A_118 = arith.constant 0 : i32
      %dma_wait3A_119 = arith.constant 0 : i32
      %dma_wait3A_120 = tpu.memref_slice %arg3[%dma_wait3A_118, %dma_wait3A_119] : memref<10000x64xbf16, #tpu.memory_space<hbm>> -> memref<128x64xbf16, #tpu.memory_space<hbm>>
      %dma_wait3A_121 = arith.constant 0 : i32
      %dma_wait3A_122 = arith.constant 0 : i32
      %dma_wait3A_123 = tpu.memref_slice %arg3[%dma_wait3A_121, %dma_wait3A_122] : memref<10000x64xbf16, #tpu.memory_space<hbm>> -> memref<128x64xbf16, #tpu.memory_space<hbm>>
      tpu.wait_dma2 semaphore(%arg17 : memref<!tpu.dma_semaphore, #tpu.memory_space<semaphore_mem>>) src(%dma_wait3A_123 : memref<128x64xbf16, #tpu.memory_space<hbm>>) dst(%arg11 : memref<128x64xbf16, #tpu.memory_space<vmem>>)
      %ge3A = arith.constant 1 : i32
      %ge3A_124 = arith.cmpi sge, %while3A_88, %ge3A : i32
      %convert_element_type3A = arith.extui %ge3A_124 : i1 to i32
      %cond3A = arith.constant 0 : i32
      %cond3A_125 = arith.cmpi ne, %convert_element_type3A, %cond3A : i32
      scf.if %cond3A_125 {
        %dma_wait3A_175 = arith.constant 0 : i32
        %dma_wait3A_176 = arith.constant 0 : i32
        %dma_wait3A_177 = tpu.memref_slice %arg6[%dma_wait3A_175, %dma_wait3A_176] : memref<81920x128xf32, #tpu.memory_space<hbm>> -> memref<64x128xf32, #tpu.memory_space<hbm>>
        %dma_wait3A_178 = arith.constant 0 : i32
        %dma_wait3A_179 = arith.constant 0 : i32
        %dma_wait3A_180 = tpu.memref_slice %arg6[%dma_wait3A_178, %dma_wait3A_179] : memref<81920x128xf32, #tpu.memory_space<hbm>> -> memref<64x128xf32, #tpu.memory_space<hbm>>
        tpu.wait_dma2 semaphore(%arg19 : memref<!tpu.dma_semaphore, #tpu.memory_space<semaphore_mem>>) src(%arg14 : memref<64x128xf32, #tpu.memory_space<vmem>>) dst(%dma_wait3A_180 : memref<64x128xf32, #tpu.memory_space<hbm>>)
      } else {
      }
      %scan3A = arith.constant 0 : i32
      %scan3A_126 = arith.constant 64 : i32
      %scan3A_127 = arith.addi %scan3A, %scan3A_126 : i32
      %scan3A_128 = arith.constant 1 : i32
      %scan3A_129:8 = scf.for %scan3A_175 = %scan3A to %scan3A_127 step %scan3A_128 iter_args(%scan3A_176 = %while3A_89, %scan3A_177 = %while3A_90, %scan3A_178 = %while3A_91, %scan3A_179 = %while3A_92, %scan3A_180 = %while3A_93, %scan3A_181 = %while3A_94, %scan3A_182 = %while3A_95, %scan3A_183 = %while3A_96) -> (vector<16xf32>, vector<16xf32>, vector<16xf32>, vector<16xf32>, vector<16xf32>, vector<16xf32>, vector<16xf32>, vector<16xf32>)  : i32 {
        %mul3A_184 = arith.constant 2 : i32
        %mul3A_185 = arith.muli %mul3A_184, %scan3A_175 : i32
        %add3A_186 = arith.constant 0 : i32
        %add3A_187 = arith.addi %mul3A_185, %add3A_186 : i32
        %get3A = arith.index_cast %add3A_187 : i32 to index
        %get3A_188 = arith.constant 0 : index
        %get3A_189 = tpu.vector_load %arg10[%get3A, %get3A_188] {strides = array<i32>} : memref<128x64xbf16, #tpu.memory_space<vmem>>, vector<32xbf16>,
        %unpack3A = tpu.unpack_subelements %get3A_189, 0 {pack_format = #tpu.pack_format<interleaved>} : vector<32xbf16> -> vector<16xf32>
        %unpack3A_190 = tpu.unpack_subelements %get3A_189, 1 {pack_format = #tpu.pack_format<interleaved>} : vector<32xbf16> -> vector<16xf32>
        %mul3A_191 = arith.constant 2 : i32
        %mul3A_192 = arith.muli %mul3A_191, %scan3A_175 : i32
        %add3A_193 = arith.constant 0 : i32
        %add3A_194 = arith.addi %mul3A_192, %add3A_193 : i32
        %get3A_195 = arith.index_cast %add3A_194 : i32 to index
        %get3A_196 = arith.constant 0 : index
        %get3A_197 = tpu.vector_load %arg11[%get3A_195, %get3A_196] {strides = array<i32>} : memref<128x64xbf16, #tpu.memory_space<vmem>>, vector<32xbf16>,
        %unpack3A_198 = tpu.unpack_subelements %get3A_197, 0 {pack_format = #tpu.pack_format<interleaved>} : vector<32xbf16> -> vector<16xf32>
        %unpack3A_199 = tpu.unpack_subelements %get3A_197, 1 {pack_format = #tpu.pack_format<interleaved>} : vector<32xbf16> -> vector<16xf32>
        %add3A_200 = arith.addf %unpack3A, %unpack3A_198 : vector<16xf32>
        %add3A_201 = arith.addf %unpack3A_190, %unpack3A_199 : vector<16xf32>
        %mul3A_202 = arith.constant 2 : i32
        %mul3A_203 = arith.muli %mul3A_202, %scan3A_175 : i32
        %add3A_204 = arith.constant 0 : i32
        %add3A_205 = arith.addi %mul3A_203, %add3A_204 : i32
        %get3A_206 = arith.index_cast %add3A_205 : i32 to index
        %get3A_207 = arith.constant 32 : index
        %get3A_208 = tpu.vector_load %arg10[%get3A_206, %get3A_207] {strides = array<i32>} : memref<128x64xbf16, #tpu.memory_space<vmem>>, vector<32xbf16>,
        %unpack3A_209 = tpu.unpack_subelements %get3A_208, 0 {pack_format = #tpu.pack_format<interleaved>} : vector<32xbf16> -> vector<16xf32>
        %unpack3A_210 = tpu.unpack_subelements %get3A_208, 1 {pack_format = #tpu.pack_format<interleaved>} : vector<32xbf16> -> vector<16xf32>
        %mul3A_211 = arith.constant 2 : i32
        %mul3A_212 = arith.muli %mul3A_211, %scan3A_175 : i32
        %add3A_213 = arith.constant 0 : i32
        %add3A_214 = arith.addi %mul3A_212, %add3A_213 : i32
        %get3A_215 = arith.index_cast %add3A_214 : i32 to index
        %get3A_216 = arith.constant 32 : index
        %get3A_217 = tpu.vector_load %arg11[%get3A_215, %get3A_216] {strides = array<i32>} : memref<128x64xbf16, #tpu.memory_space<vmem>>, vector<32xbf16>,
        %unpack3A_218 = tpu.unpack_subelements %get3A_217, 0 {pack_format = #tpu.pack_format<interleaved>} : vector<32xbf16> -> vector<16xf32>
        %unpack3A_219 = tpu.unpack_subelements %get3A_217, 1 {pack_format = #tpu.pack_format<interleaved>} : vector<32xbf16> -> vector<16xf32>
        %add3A_220 = arith.addf %unpack3A_209, %unpack3A_218 : vector<16xf32>
        %add3A_221 = arith.addf %unpack3A_210, %unpack3A_219 : vector<16xf32>
        %mul3A_222 = arith.constant 2 : i32
        %mul3A_223 = arith.muli %mul3A_222, %scan3A_175 : i32
        %add3A_224 = arith.constant 1 : i32
        %add3A_225 = arith.addi %mul3A_223, %add3A_224 : i32
        %get3A_226 = arith.index_cast %add3A_225 : i32 to index
        %get3A_227 = arith.constant 0 : index
        %get3A_228 = tpu.vector_load %arg10[%get3A_226, %get3A_227] {strides = array<i32>} : memref<128x64xbf16, #tpu.memory_space<vmem>>, vector<32xbf16>,
        %unpack3A_229 = tpu.unpack_subelements %get3A_228, 0 {pack_format = #tpu.pack_format<interleaved>} : vector<32xbf16> -> vector<16xf32>
        %unpack3A_230 = tpu.unpack_subelements %get3A_228, 1 {pack_format = #tpu.pack_format<interleaved>} : vector<32xbf16> -> vector<16xf32>
        %mul3A_231 = arith.constant 2 : i32
        %mul3A_232 = arith.muli %mul3A_231, %scan3A_175 : i32
        %add3A_233 = arith.constant 1 : i32
        %add3A_234 = arith.addi %mul3A_232, %add3A_233 : i32
        %get3A_235 = arith.index_cast %add3A_234 : i32 to index
        %get3A_236 = arith.constant 0 : index
        %get3A_237 = tpu.vector_load %arg11[%get3A_235, %get3A_236] {strides = array<i32>} : memref<128x64xbf16, #tpu.memory_space<vmem>>, vector<32xbf16>,
        %unpack3A_238 = tpu.unpack_subelements %get3A_237, 0 {pack_format = #tpu.pack_format<interleaved>} : vector<32xbf16> -> vector<16xf32>
        %unpack3A_239 = tpu.unpack_subelements %get3A_237, 1 {pack_format = #tpu.pack_format<interleaved>} : vector<32xbf16> -> vector<16xf32>
        %add3A_240 = arith.addf %unpack3A_229, %unpack3A_238 : vector<16xf32>
        %add3A_241 = arith.addf %unpack3A_230, %unpack3A_239 : vector<16xf32>
        %mul3A_242 = arith.constant 2 : i32
        %mul3A_243 = arith.muli %mul3A_242, %scan3A_175 : i32
        %add3A_244 = arith.constant 1 : i32
        %add3A_245 = arith.addi %mul3A_243, %add3A_244 : i32
        %get3A_246 = arith.index_cast %add3A_245 : i32 to index
        %get3A_247 = arith.constant 32 : index
        %get3A_248 = tpu.vector_load %arg10[%get3A_246, %get3A_247] {strides = array<i32>} : memref<128x64xbf16, #tpu.memory_space<vmem>>, vector<32xbf16>,
        %unpack3A_249 = tpu.unpack_subelements %get3A_248, 0 {pack_format = #tpu.pack_format<interleaved>} : vector<32xbf16> -> vector<16xf32>
        %unpack3A_250 = tpu.unpack_subelements %get3A_248, 1 {pack_format = #tpu.pack_format<interleaved>} : vector<32xbf16> -> vector<16xf32>
        %mul3A_251 = arith.constant 2 : i32
        %mul3A_252 = arith.muli %mul3A_251, %scan3A_175 : i32
        %add3A_253 = arith.constant 1 : i32
        %add3A_254 = arith.addi %mul3A_252, %add3A_253 : i32
        %get3A_255 = arith.index_cast %add3A_254 : i32 to index
        %get3A_256 = arith.constant 32 : index
        %get3A_257 = tpu.vector_load %arg11[%get3A_255, %get3A_256] {strides = array<i32>} : memref<128x64xbf16, #tpu.memory_space<vmem>>, vector<32xbf16>,
        %unpack3A_258 = tpu.unpack_subelements %get3A_257, 0 {pack_format = #tpu.pack_format<interleaved>} : vector<32xbf16> -> vector<16xf32>
        %unpack3A_259 = tpu.unpack_subelements %get3A_257, 1 {pack_format = #tpu.pack_format<interleaved>} : vector<32xbf16> -> vector<16xf32>
        %add3A_260 = arith.addf %unpack3A_249, %unpack3A_258 : vector<16xf32>
        %add3A_261 = arith.addf %unpack3A_250, %unpack3A_259 : vector<16xf32>
        %swap3A_262 = arith.index_cast %scan3A_175 : i32 to index
        %swap3A_263 = arith.constant 0 : index
        %swap3A_264 = tpu.vector_load %arg14[%swap3A_262, %swap3A_263] {strides = array<i32>} : memref<64x128xf32, #tpu.memory_space<vmem>>, vector<16xf32>,
        tpu.vector_store %arg14[%swap3A_262, %swap3A_263], %add3A_200 {strides = array<i32>} : memref<64x128xf32, #tpu.memory_space<vmem>>, vector<16xf32>,
        %swap3A_265 = arith.index_cast %scan3A_175 : i32 to index
        %swap3A_266 = arith.constant 64 : index
        %swap3A_267 = tpu.vector_load %arg14[%swap3A_265, %swap3A_266] {strides = array<i32>} : memref<64x128xf32, #tpu.memory_space<vmem>>, vector<16xf32>,
        tpu.vector_store %arg14[%swap3A_265, %swap3A_266], %add3A_240 {strides = array<i32>} : memref<64x128xf32, #tpu.memory_space<vmem>>, vector<16xf32>,
        %add3A_268 = arith.addf %scan3A_176, %add3A_200 : vector<16xf32>
        %add3A_269 = arith.addf %add3A_268, %add3A_240 : vector<16xf32>
        %mul3A_270 = arith.mulf %add3A_200, %add3A_200 : vector<16xf32>
        %add3A_271 = arith.addf %scan3A_180, %mul3A_270 : vector<16xf32>
        %mul3A_272 = arith.mulf %add3A_240, %add3A_240 : vector<16xf32>
        %add3A_273 = arith.addf %add3A_271, %mul3A_272 : vector<16xf32>
        %swap3A_274 = arith.index_cast %scan3A_175 : i32 to index
        %swap3A_275 = arith.constant 16 : index
        %swap3A_276 = tpu.vector_load %arg14[%swap3A_274, %swap3A_275] {strides = array<i32>} : memref<64x128xf32, #tpu.memory_space<vmem>>, vector<16xf32>,
        tpu.vector_store %arg14[%swap3A_274, %swap3A_275], %add3A_201 {strides = array<i32>} : memref<64x128xf32, #tpu.memory_space<vmem>>, vector<16xf32>,
        %swap3A_277 = arith.index_cast %scan3A_175 : i32 to index
        %swap3A_278 = arith.constant 80 : index
        %swap3A_279 = tpu.vector_load %arg14[%swap3A_277, %swap3A_278] {strides = array<i32>} : memref<64x128xf32, #tpu.memory_space<vmem>>, vector<16xf32>,
        tpu.vector_store %arg14[%swap3A_277, %swap3A_278], %add3A_241 {strides = array<i32>} : memref<64x128xf32, #tpu.memory_space<vmem>>, vector<16xf32>,
        %add3A_280 = arith.addf %scan3A_177, %add3A_201 : vector<16xf32>
        %add3A_281 = arith.addf %add3A_280, %add3A_241 : vector<16xf32>
        %mul3A_282 = arith.mulf %add3A_201, %add3A_201 : vector<16xf32>
        %add3A_283 = arith.addf %scan3A_181, %mul3A_282 : vector<16xf32>
        %mul3A_284 = arith.mulf %add3A_241, %add3A_241 : vector<16xf32>
        %add3A_285 = arith.addf %add3A_283, %mul3A_284 : vector<16xf32>
        %swap3A_286 = arith.index_cast %scan3A_175 : i32 to index
        %swap3A_287 = arith.constant 32 : index
        %swap3A_288 = tpu.vector_load %arg14[%swap3A_286, %swap3A_287] {strides = array<i32>} : memref<64x128xf32, #tpu.memory_space<vmem>>, vector<16xf32>,
        tpu.vector_store %arg14[%swap3A_286, %swap3A_287], %add3A_220 {strides = array<i32>} : memref<64x128xf32, #tpu.memory_space<vmem>>, vector<16xf32>,
        %swap3A_289 = arith.index_cast %scan3A_175 : i32 to index
        %swap3A_290 = arith.constant 96 : index
        %swap3A_291 = tpu.vector_load %arg14[%swap3A_289, %swap3A_290] {strides = array<i32>} : memref<64x128xf32, #tpu.memory_space<vmem>>, vector<16xf32>,
        tpu.vector_store %arg14[%swap3A_289, %swap3A_290], %add3A_260 {strides = array<i32>} : memref<64x128xf32, #tpu.memory_space<vmem>>, vector<16xf32>,
        %add3A_292 = arith.addf %scan3A_178, %add3A_220 : vector<16xf32>
        %add3A_293 = arith.addf %add3A_292, %add3A_260 : vector<16xf32>
        %mul3A_294 = arith.mulf %add3A_220, %add3A_220 : vector<16xf32>
        %add3A_295 = arith.addf %scan3A_182, %mul3A_294 : vector<16xf32>
        %mul3A_296 = arith.mulf %add3A_260, %add3A_260 : vector<16xf32>
        %add3A_297 = arith.addf %add3A_295, %mul3A_296 : vector<16xf32>
        %swap3A_298 = arith.index_cast %scan3A_175 : i32 to index
        %swap3A_299 = arith.constant 48 : index
        %swap3A_300 = tpu.vector_load %arg14[%swap3A_298, %swap3A_299] {strides = array<i32>} : memref<64x128xf32, #tpu.memory_space<vmem>>, vector<16xf32>,
        tpu.vector_store %arg14[%swap3A_298, %swap3A_299], %add3A_221 {strides = array<i32>} : memref<64x128xf32, #tpu.memory_space<vmem>>, vector<16xf32>,
        %swap3A_301 = arith.index_cast %scan3A_175 : i32 to index
        %swap3A_302 = arith.constant 112 : index
        %swap3A_303 = tpu.vector_load %arg14[%swap3A_301, %swap3A_302] {strides = array<i32>} : memref<64x128xf32, #tpu.memory_space<vmem>>, vector<16xf32>,
        tpu.vector_store %arg14[%swap3A_301, %swap3A_302], %add3A_261 {strides = array<i32>} : memref<64x128xf32, #tpu.memory_space<vmem>>, vector<16xf32>,
        %add3A_304 = arith.addf %scan3A_179, %add3A_221 : vector<16xf32>
        %add3A_305 = arith.addf %add3A_304, %add3A_261 : vector<16xf32>
        %mul3A_306 = arith.mulf %add3A_221, %add3A_221 : vector<16xf32>
        %add3A_307 = arith.addf %scan3A_183, %mul3A_306 : vector<16xf32>
        %mul3A_308 = arith.mulf %add3A_261, %add3A_261 : vector<16xf32>
        %add3A_309 = arith.addf %add3A_307, %mul3A_308 : vector<16xf32>
        scf.yield %add3A_269, %add3A_281, %add3A_293, %add3A_305, %add3A_273, %add3A_285, %add3A_297, %add3A_309 : vector<16xf32>, vector<16xf32>, vector<16xf32>, vector<16xf32>, vector<16xf32>, vector<16xf32>, vector<16xf32>, vector<16xf32>
      }
      %scan3A_130 = arith.constant 64 : i32
      %mul3A_131 = arith.constant 64 : i32
      %mul3A_132 = arith.muli %mul3A_98, %mul3A_131 : i32
      %add3A_133 = arith.addi %mul3A_4, %mul3A_132 : i32
      %dma_start3A_134 = arith.constant 0 : i32
      %dma_start3A_135 = tpu.memref_slice %arg6[%add3A_133, %dma_start3A_134] : memref<81920x128xf32, #tpu.memory_space<hbm>> -> memref<64x128xf32, #tpu.memory_space<hbm>>
      %dma_start3A_136 = arith.constant 0 : i32
      %dma_start3A_137 = tpu.memref_slice %arg6[%add3A_133, %dma_start3A_136] : memref<81920x128xf32, #tpu.memory_space<hbm>> -> memref<64x128xf32, #tpu.memory_space<hbm>>
      tpu.enqueue_dma source(%arg14 : memref<64x128xf32, #tpu.memory_space<vmem>>) target(%dma_start3A_137 : memref<64x128xf32, #tpu.memory_space<hbm>>) target_semaphore(%arg19 : memref<!tpu.dma_semaphore, #tpu.memory_space<semaphore_mem>>)
      %add3A_138 = arith.constant 2 : i32
      %add3A_139 = arith.addi %mul3A_98, %add3A_138 : i32
      %lt3A = arith.cmpi slt, %add3A_139, %min3A_9 : i32
      %convert_element_type3A_140 = arith.extui %lt3A : i1 to i32
      %cond3A_141 = arith.constant 0 : i32
      %cond3A_142 = arith.cmpi ne, %convert_element_type3A_140, %cond3A_141 : i32
      scf.if %cond3A_142 {
        %add3A_175 = arith.constant 2 : i32
        %add3A_176 = arith.addi %mul3A_98, %add3A_175 : i32
        %mul3A_177 = arith.constant 128 : i32
        %mul3A_178 = arith.muli %add3A_176, %mul3A_177 : i32
        %multiple_of3A_179 = tpu.assume_multiple %mul3A_178, 8 : i32
        %dma_start3A_180 = tpu.memref_slice %arg8[%multiple_of3A_179] : memref<5120xi32, #tpu.memory_space<vmem>> -> memref<128xi32, #tpu.memory_space<vmem>>
        %dma_start3A_181 = arith.constant 0 : i32
        %dma_start3A_182 = arith.constant 0 : i32
        %dma_start3A_183 = tpu.memref_slice %arg2[%dma_start3A_181, %dma_start3A_182] : memref<10000x64xbf16, #tpu.memory_space<hbm>> -> memref<10000x64xbf16, #tpu.memory_space<hbm>>
        tpu.enqueue_indirect_dma source(%dma_start3A_183 : memref<10000x64xbf16, #tpu.memory_space<hbm>>) target(%arg10 : memref<128x64xbf16, #tpu.memory_space<vmem>>) offsets(%dma_start3A_180 : memref<128xi32, #tpu.memory_space<vmem>>) semaphore(%arg17 : memref<!tpu.dma_semaphore, #tpu.memory_space<semaphore_mem>>)
        %dma_start3A_184 = tpu.memref_slice %arg9[%multiple_of3A_179] : memref<5120xi32, #tpu.memory_space<vmem>> -> memref<128xi32, #tpu.memory_space<vmem>>
        %dma_start3A_185 = arith.constant 0 : i32
        %dma_start3A_186 = arith.constant 0 : i32
        %dma_start3A_187 = tpu.memref_slice %arg3[%dma_start3A_185, %dma_start3A_186] : memref<10000x64xbf16, #tpu.memory_space<hbm>> -> memref<10000x64xbf16, #tpu.memory_space<hbm>>
        tpu.enqueue_indirect_dma source(%dma_start3A_187 : memref<10000x64xbf16, #tpu.memory_space<hbm>>) target(%arg11 : memref<128x64xbf16, #tpu.memory_space<vmem>>) offsets(%dma_start3A_184 : memref<128xi32, #tpu.memory_space<vmem>>) semaphore(%arg17 : memref<!tpu.dma_semaphore, #tpu.memory_space<semaphore_mem>>)
      } else {
      }
      %dma_wait3A_143 = arith.constant 0 : i32
      %dma_wait3A_144 = arith.constant 0 : i32
      %dma_wait3A_145 = tpu.memref_slice %arg2[%dma_wait3A_143, %dma_wait3A_144] : memref<10000x64xbf16, #tpu.memory_space<hbm>> -> memref<128x64xbf16, #tpu.memory_space<hbm>>
      %dma_wait3A_146 = arith.constant 0 : i32
      %dma_wait3A_147 = arith.constant 0 : i32
      %dma_wait3A_148 = tpu.memref_slice %arg2[%dma_wait3A_146, %dma_wait3A_147] : memref<10000x64xbf16, #tpu.memory_space<hbm>> -> memref<128x64xbf16, #tpu.memory_space<hbm>>
      tpu.wait_dma2 semaphore(%arg18 : memref<!tpu.dma_semaphore, #tpu.memory_space<semaphore_mem>>) src(%dma_wait3A_148 : memref<128x64xbf16, #tpu.memory_space<hbm>>) dst(%arg12 : memref<128x64xbf16, #tpu.memory_space<vmem>>)
      %dma_wait3A_149 = arith.constant 0 : i32
      %dma_wait3A_150 = arith.constant 0 : i32
      %dma_wait3A_151 = tpu.memref_slice %arg3[%dma_wait3A_149, %dma_wait3A_150] : memref<10000x64xbf16, #tpu.memory_space<hbm>> -> memref<128x64xbf16, #tpu.memory_space<hbm>>
      %dma_wait3A_152 = arith.constant 0 : i32
      %dma_wait3A_153 = arith.constant 0 : i32
      %dma_wait3A_154 = tpu.memref_slice %arg3[%dma_wait3A_152, %dma_wait3A_153] : memref<10000x64xbf16, #tpu.memory_space<hbm>> -> memref<128x64xbf16, #tpu.memory_space<hbm>>
      tpu.wait_dma2 semaphore(%arg18 : memref<!tpu.dma_semaphore, #tpu.memory_space<semaphore_mem>>) src(%dma_wait3A_154 : memref<128x64xbf16, #tpu.memory_space<hbm>>) dst(%arg13 : memref<128x64xbf16, #tpu.memory_space<vmem>>)
      %ge3A_155 = arith.constant 1 : i32
      %ge3A_156 = arith.cmpi sge, %while3A_88, %ge3A_155 : i32
      %convert_element_type3A_157 = arith.extui %ge3A_156 : i1 to i32
      %cond3A_158 = arith.constant 0 : i32
      %cond3A_159 = arith.cmpi ne, %convert_element_type3A_157, %cond3A_158 : i32
      scf.if %cond3A_159 {
        %dma_wait3A_175 = arith.constant 0 : i32
        %dma_wait3A_176 = arith.constant 0 : i32
        %dma_wait3A_177 = tpu.memref_slice %arg6[%dma_wait3A_175, %dma_wait3A_176] : memref<81920x128xf32, #tpu.memory_space<hbm>> -> memref<64x128xf32, #tpu.memory_space<hbm>>
        %dma_wait3A_178 = arith.constant 0 : i32
        %dma_wait3A_179 = arith.constant 0 : i32
        %dma_wait3A_180 = tpu.memref_slice %arg6[%dma_wait3A_178, %dma_wait3A_179] : memref<81920x128xf32, #tpu.memory_space<hbm>> -> memref<64x128xf32, #tpu.memory_space<hbm>>
        tpu.wait_dma2 semaphore(%arg20 : memref<!tpu.dma_semaphore, #tpu.memory_space<semaphore_mem>>) src(%arg15 : memref<64x128xf32, #tpu.memory_space<vmem>>) dst(%dma_wait3A_180 : memref<64x128xf32, #tpu.memory_space<hbm>>)
      } else {
      }
      %add3A_160 = arith.constant 1 : i32
      %add3A_161 = arith.addi %mul3A_98, %add3A_160 : i32
      %scan3A_162 = arith.constant 0 : i32
      %scan3A_163 = arith.constant 64 : i32
      %scan3A_164 = arith.addi %scan3A_162, %scan3A_163 : i32
      %scan3A_165 = arith.constant 1 : i32
      %scan3A_166:8 = scf.for %scan3A_175 = %scan3A_162 to %scan3A_164 step %scan3A_165 iter_args(%scan3A_176 = %scan3A_129#0, %scan3A_177 = %scan3A_129#1, %scan3A_178 = %scan3A_129#2, %scan3A_179 = %scan3A_129#3, %scan3A_180 = %scan3A_129#4, %scan3A_181 = %scan3A_129#5, %scan3A_182 = %scan3A_129#6, %scan3A_183 = %scan3A_129#7) -> (vector<16xf32>, vector<16xf32>, vector<16xf32>, vector<16xf32>, vector<16xf32>, vector<16xf32>, vector<16xf32>, vector<16xf32>)  : i32 {
        %mul3A_184 = arith.constant 2 : i32
        %mul3A_185 = arith.muli %mul3A_184, %scan3A_175 : i32
        %add3A_186 = arith.constant 0 : i32
        %add3A_187 = arith.addi %mul3A_185, %add3A_186 : i32
        %get3A = arith.index_cast %add3A_187 : i32 to index
        %get3A_188 = arith.constant 0 : index
        %get3A_189 = tpu.vector_load %arg12[%get3A, %get3A_188] {strides = array<i32>} : memref<128x64xbf16, #tpu.memory_space<vmem>>, vector<32xbf16>,
        %unpack3A = tpu.unpack_subelements %get3A_189, 0 {pack_format = #tpu.pack_format<interleaved>} : vector<32xbf16> -> vector<16xf32>
        %unpack3A_190 = tpu.unpack_subelements %get3A_189, 1 {pack_format = #tpu.pack_format<interleaved>} : vector<32xbf16> -> vector<16xf32>
        %mul3A_191 = arith.constant 2 : i32
        %mul3A_192 = arith.muli %mul3A_191, %scan3A_175 : i32
        %add3A_193 = arith.constant 0 : i32
        %add3A_194 = arith.addi %mul3A_192, %add3A_193 : i32
        %get3A_195 = arith.index_cast %add3A_194 : i32 to index
        %get3A_196 = arith.constant 0 : index
        %get3A_197 = tpu.vector_load %arg13[%get3A_195, %get3A_196] {strides = array<i32>} : memref<128x64xbf16, #tpu.memory_space<vmem>>, vector<32xbf16>,
        %unpack3A_198 = tpu.unpack_subelements %get3A_197, 0 {pack_format = #tpu.pack_format<interleaved>} : vector<32xbf16> -> vector<16xf32>
        %unpack3A_199 = tpu.unpack_subelements %get3A_197, 1 {pack_format = #tpu.pack_format<interleaved>} : vector<32xbf16> -> vector<16xf32>
        %add3A_200 = arith.addf %unpack3A, %unpack3A_198 : vector<16xf32>
        %add3A_201 = arith.addf %unpack3A_190, %unpack3A_199 : vector<16xf32>
        %mul3A_202 = arith.constant 2 : i32
        %mul3A_203 = arith.muli %mul3A_202, %scan3A_175 : i32
        %add3A_204 = arith.constant 0 : i32
        %add3A_205 = arith.addi %mul3A_203, %add3A_204 : i32
        %get3A_206 = arith.index_cast %add3A_205 : i32 to index
        %get3A_207 = arith.constant 32 : index
        %get3A_208 = tpu.vector_load %arg12[%get3A_206, %get3A_207] {strides = array<i32>} : memref<128x64xbf16, #tpu.memory_space<vmem>>, vector<32xbf16>,
        %unpack3A_209 = tpu.unpack_subelements %get3A_208, 0 {pack_format = #tpu.pack_format<interleaved>} : vector<32xbf16> -> vector<16xf32>
        %unpack3A_210 = tpu.unpack_subelements %get3A_208, 1 {pack_format = #tpu.pack_format<interleaved>} : vector<32xbf16> -> vector<16xf32>
        %mul3A_211 = arith.constant 2 : i32
        %mul3A_212 = arith.muli %mul3A_211, %scan3A_175 : i32
        %add3A_213 = arith.constant 0 : i32
        %add3A_214 = arith.addi %mul3A_212, %add3A_213 : i32
        %get3A_215 = arith.index_cast %add3A_214 : i32 to index
        %get3A_216 = arith.constant 32 : index
        %get3A_217 = tpu.vector_load %arg13[%get3A_215, %get3A_216] {strides = array<i32>} : memref<128x64xbf16, #tpu.memory_space<vmem>>, vector<32xbf16>,
        %unpack3A_218 = tpu.unpack_subelements %get3A_217, 0 {pack_format = #tpu.pack_format<interleaved>} : vector<32xbf16> -> vector<16xf32>
        %unpack3A_219 = tpu.unpack_subelements %get3A_217, 1 {pack_format = #tpu.pack_format<interleaved>} : vector<32xbf16> -> vector<16xf32>
        %add3A_220 = arith.addf %unpack3A_209, %unpack3A_218 : vector<16xf32>
        %add3A_221 = arith.addf %unpack3A_210, %unpack3A_219 : vector<16xf32>
        %mul3A_222 = arith.constant 2 : i32
        %mul3A_223 = arith.muli %mul3A_222, %scan3A_175 : i32
        %add3A_224 = arith.constant 1 : i32
        %add3A_225 = arith.addi %mul3A_223, %add3A_224 : i32
        %get3A_226 = arith.index_cast %add3A_225 : i32 to index
        %get3A_227 = arith.constant 0 : index
        %get3A_228 = tpu.vector_load %arg12[%get3A_226, %get3A_227] {strides = array<i32>} : memref<128x64xbf16, #tpu.memory_space<vmem>>, vector<32xbf16>,
        %unpack3A_229 = tpu.unpack_subelements %get3A_228, 0 {pack_format = #tpu.pack_format<interleaved>} : vector<32xbf16> -> vector<16xf32>
        %unpack3A_230 = tpu.unpack_subelements %get3A_228, 1 {pack_format = #tpu.pack_format<interleaved>} : vector<32xbf16> -> vector<16xf32>
        %mul3A_231 = arith.constant 2 : i32
        %mul3A_232 = arith.muli %mul3A_231, %scan3A_175 : i32
        %add3A_233 = arith.constant 1 : i32
        %add3A_234 = arith.addi %mul3A_232, %add3A_233 : i32
        %get3A_235 = arith.index_cast %add3A_234 : i32 to index
        %get3A_236 = arith.constant 0 : index
        %get3A_237 = tpu.vector_load %arg13[%get3A_235, %get3A_236] {strides = array<i32>} : memref<128x64xbf16, #tpu.memory_space<vmem>>, vector<32xbf16>,
        %unpack3A_238 = tpu.unpack_subelements %get3A_237, 0 {pack_format = #tpu.pack_format<interleaved>} : vector<32xbf16> -> vector<16xf32>
        %unpack3A_239 = tpu.unpack_subelements %get3A_237, 1 {pack_format = #tpu.pack_format<interleaved>} : vector<32xbf16> -> vector<16xf32>
        %add3A_240 = arith.addf %unpack3A_229, %unpack3A_238 : vector<16xf32>
        %add3A_241 = arith.addf %unpack3A_230, %unpack3A_239 : vector<16xf32>
        %mul3A_242 = arith.constant 2 : i32
        %mul3A_243 = arith.muli %mul3A_242, %scan3A_175 : i32
        %add3A_244 = arith.constant 1 : i32
        %add3A_245 = arith.addi %mul3A_243, %add3A_244 : i32
        %get3A_246 = arith.index_cast %add3A_245 : i32 to index
        %get3A_247 = arith.constant 32 : index
        %get3A_248 = tpu.vector_load %arg12[%get3A_246, %get3A_247] {strides = array<i32>} : memref<128x64xbf16, #tpu.memory_space<vmem>>, vector<32xbf16>,
        %unpack3A_249 = tpu.unpack_subelements %get3A_248, 0 {pack_format = #tpu.pack_format<interleaved>} : vector<32xbf16> -> vector<16xf32>
        %unpack3A_250 = tpu.unpack_subelements %get3A_248, 1 {pack_format = #tpu.pack_format<interleaved>} : vector<32xbf16> -> vector<16xf32>
        %mul3A_251 = arith.constant 2 : i32
        %mul3A_252 = arith.muli %mul3A_251, %scan3A_175 : i32
        %add3A_253 = arith.constant 1 : i32
        %add3A_254 = arith.addi %mul3A_252, %add3A_253 : i32
        %get3A_255 = arith.index_cast %add3A_254 : i32 to index
        %get3A_256 = arith.constant 32 : index
        %get3A_257 = tpu.vector_load %arg13[%get3A_255, %get3A_256] {strides = array<i32>} : memref<128x64xbf16, #tpu.memory_space<vmem>>, vector<32xbf16>,
        %unpack3A_258 = tpu.unpack_subelements %get3A_257, 0 {pack_format = #tpu.pack_format<interleaved>} : vector<32xbf16> -> vector<16xf32>
        %unpack3A_259 = tpu.unpack_subelements %get3A_257, 1 {pack_format = #tpu.pack_format<interleaved>} : vector<32xbf16> -> vector<16xf32>
        %add3A_260 = arith.addf %unpack3A_249, %unpack3A_258 : vector<16xf32>
        %add3A_261 = arith.addf %unpack3A_250, %unpack3A_259 : vector<16xf32>
        %swap3A_262 = arith.index_cast %scan3A_175 : i32 to index
        %swap3A_263 = arith.constant 0 : index
        %swap3A_264 = tpu.vector_load %arg15[%swap3A_262, %swap3A_263] {strides = array<i32>} : memref<64x128xf32, #tpu.memory_space<vmem>>, vector<16xf32>,
        tpu.vector_store %arg15[%swap3A_262, %swap3A_263], %add3A_200 {strides = array<i32>} : memref<64x128xf32, #tpu.memory_space<vmem>>, vector<16xf32>,
        %swap3A_265 = arith.index_cast %scan3A_175 : i32 to index
        %swap3A_266 = arith.constant 64 : index
        %swap3A_267 = tpu.vector_load %arg15[%swap3A_265, %swap3A_266] {strides = array<i32>} : memref<64x128xf32, #tpu.memory_space<vmem>>, vector<16xf32>,
        tpu.vector_store %arg15[%swap3A_265, %swap3A_266], %add3A_240 {strides = array<i32>} : memref<64x128xf32, #tpu.memory_space<vmem>>, vector<16xf32>,
        %add3A_268 = arith.addf %scan3A_176, %add3A_200 : vector<16xf32>
        %add3A_269 = arith.addf %add3A_268, %add3A_240 : vector<16xf32>
        %mul3A_270 = arith.mulf %add3A_200, %add3A_200 : vector<16xf32>
        %add3A_271 = arith.addf %scan3A_180, %mul3A_270 : vector<16xf32>
        %mul3A_272 = arith.mulf %add3A_240, %add3A_240 : vector<16xf32>
        %add3A_273 = arith.addf %add3A_271, %mul3A_272 : vector<16xf32>
        %swap3A_274 = arith.index_cast %scan3A_175 : i32 to index
        %swap3A_275 = arith.constant 16 : index
        %swap3A_276 = tpu.vector_load %arg15[%swap3A_274, %swap3A_275] {strides = array<i32>} : memref<64x128xf32, #tpu.memory_space<vmem>>, vector<16xf32>,
        tpu.vector_store %arg15[%swap3A_274, %swap3A_275], %add3A_201 {strides = array<i32>} : memref<64x128xf32, #tpu.memory_space<vmem>>, vector<16xf32>,
        %swap3A_277 = arith.index_cast %scan3A_175 : i32 to index
        %swap3A_278 = arith.constant 80 : index
        %swap3A_279 = tpu.vector_load %arg15[%swap3A_277, %swap3A_278] {strides = array<i32>} : memref<64x128xf32, #tpu.memory_space<vmem>>, vector<16xf32>,
        tpu.vector_store %arg15[%swap3A_277, %swap3A_278], %add3A_241 {strides = array<i32>} : memref<64x128xf32, #tpu.memory_space<vmem>>, vector<16xf32>,
        %add3A_280 = arith.addf %scan3A_177, %add3A_201 : vector<16xf32>
        %add3A_281 = arith.addf %add3A_280, %add3A_241 : vector<16xf32>
        %mul3A_282 = arith.mulf %add3A_201, %add3A_201 : vector<16xf32>
        %add3A_283 = arith.addf %scan3A_181, %mul3A_282 : vector<16xf32>
        %mul3A_284 = arith.mulf %add3A_241, %add3A_241 : vector<16xf32>
        %add3A_285 = arith.addf %add3A_283, %mul3A_284 : vector<16xf32>
        %swap3A_286 = arith.index_cast %scan3A_175 : i32 to index
        %swap3A_287 = arith.constant 32 : index
        %swap3A_288 = tpu.vector_load %arg15[%swap3A_286, %swap3A_287] {strides = array<i32>} : memref<64x128xf32, #tpu.memory_space<vmem>>, vector<16xf32>,
        tpu.vector_store %arg15[%swap3A_286, %swap3A_287], %add3A_220 {strides = array<i32>} : memref<64x128xf32, #tpu.memory_space<vmem>>, vector<16xf32>,
        %swap3A_289 = arith.index_cast %scan3A_175 : i32 to index
        %swap3A_290 = arith.constant 96 : index
        %swap3A_291 = tpu.vector_load %arg15[%swap3A_289, %swap3A_290] {strides = array<i32>} : memref<64x128xf32, #tpu.memory_space<vmem>>, vector<16xf32>,
        tpu.vector_store %arg15[%swap3A_289, %swap3A_290], %add3A_260 {strides = array<i32>} : memref<64x128xf32, #tpu.memory_space<vmem>>, vector<16xf32>,
        %add3A_292 = arith.addf %scan3A_178, %add3A_220 : vector<16xf32>
        %add3A_293 = arith.addf %add3A_292, %add3A_260 : vector<16xf32>
        %mul3A_294 = arith.mulf %add3A_220, %add3A_220 : vector<16xf32>
        %add3A_295 = arith.addf %scan3A_182, %mul3A_294 : vector<16xf32>
        %mul3A_296 = arith.mulf %add3A_260, %add3A_260 : vector<16xf32>
        %add3A_297 = arith.addf %add3A_295, %mul3A_296 : vector<16xf32>
        %swap3A_298 = arith.index_cast %scan3A_175 : i32 to index
        %swap3A_299 = arith.constant 48 : index
        %swap3A_300 = tpu.vector_load %arg15[%swap3A_298, %swap3A_299] {strides = array<i32>} : memref<64x128xf32, #tpu.memory_space<vmem>>, vector<16xf32>,
        tpu.vector_store %arg15[%swap3A_298, %swap3A_299], %add3A_221 {strides = array<i32>} : memref<64x128xf32, #tpu.memory_space<vmem>>, vector<16xf32>,
        %swap3A_301 = arith.index_cast %scan3A_175 : i32 to index
        %swap3A_302 = arith.constant 112 : index
        %swap3A_303 = tpu.vector_load %arg15[%swap3A_301, %swap3A_302] {strides = array<i32>} : memref<64x128xf32, #tpu.memory_space<vmem>>, vector<16xf32>,
        tpu.vector_store %arg15[%swap3A_301, %swap3A_302], %add3A_261 {strides = array<i32>} : memref<64x128xf32, #tpu.memory_space<vmem>>, vector<16xf32>,
        %add3A_304 = arith.addf %scan3A_179, %add3A_221 : vector<16xf32>
        %add3A_305 = arith.addf %add3A_304, %add3A_261 : vector<16xf32>
        %mul3A_306 = arith.mulf %add3A_221, %add3A_221 : vector<16xf32>
        %add3A_307 = arith.addf %scan3A_183, %mul3A_306 : vector<16xf32>
        %mul3A_308 = arith.mulf %add3A_261, %add3A_261 : vector<16xf32>
        %add3A_309 = arith.addf %add3A_307, %mul3A_308 : vector<16xf32>
        scf.yield %add3A_269, %add3A_281, %add3A_293, %add3A_305, %add3A_273, %add3A_285, %add3A_297, %add3A_309 : vector<16xf32>, vector<16xf32>, vector<16xf32>, vector<16xf32>, vector<16xf32>, vector<16xf32>, vector<16xf32>, vector<16xf32>
      }
      %scan3A_167 = arith.constant 64 : i32
      %mul3A_168 = arith.constant 64 : i32
      %mul3A_169 = arith.muli %add3A_161, %mul3A_168 : i32
      %add3A_170 = arith.addi %mul3A_4, %mul3A_169 : i32
      %dma_start3A_171 = arith.constant 0 : i32
      %dma_start3A_172 = tpu.memref_slice %arg6[%add3A_170, %dma_start3A_171] : memref<81920x128xf32, #tpu.memory_space<hbm>> -> memref<64x128xf32, #tpu.memory_space<hbm>>
      %dma_start3A_173 = arith.constant 0 : i32
      %dma_start3A_174 = tpu.memref_slice %arg6[%add3A_170, %dma_start3A_173] : memref<81920x128xf32, #tpu.memory_space<hbm>> -> memref<64x128xf32, #tpu.memory_space<hbm>>
      tpu.enqueue_dma source(%arg15 : memref<64x128xf32, #tpu.memory_space<vmem>>) target(%dma_start3A_174 : memref<64x128xf32, #tpu.memory_space<hbm>>) target_semaphore(%arg20 : memref<!tpu.dma_semaphore, #tpu.memory_space<semaphore_mem>>)
      scf.yield %scan3A_166#0, %scan3A_166#1, %scan3A_166#2, %scan3A_166#3, %scan3A_166#4, %scan3A_166#5, %scan3A_166#6, %scan3A_166#7 : vector<16xf32>, vector<16xf32>, vector<16xf32>, vector<16xf32>, vector<16xf32>, vector<16xf32>, vector<16xf32>, vector<16xf32>
    }
    %dma_wait3A = arith.constant 0 : i32
    %dma_wait3A_46 = arith.constant 0 : i32
    %dma_wait3A_47 = tpu.memref_slice %arg6[%dma_wait3A, %dma_wait3A_46] : memref<81920x128xf32, #tpu.memory_space<hbm>> -> memref<64x128xf32, #tpu.memory_space<hbm>>
    %dma_wait3A_48 = arith.constant 0 : i32
    %dma_wait3A_49 = arith.constant 0 : i32
    %dma_wait3A_50 = tpu.memref_slice %arg6[%dma_wait3A_48, %dma_wait3A_49] : memref<81920x128xf32, #tpu.memory_space<hbm>> -> memref<64x128xf32, #tpu.memory_space<hbm>>
    tpu.wait_dma2 semaphore(%arg19 : memref<!tpu.dma_semaphore, #tpu.memory_space<semaphore_mem>>) src(%arg14 : memref<64x128xf32, #tpu.memory_space<vmem>>) dst(%dma_wait3A_50 : memref<64x128xf32, #tpu.memory_space<hbm>>)
    %dma_wait3A_51 = arith.constant 0 : i32
    %dma_wait3A_52 = arith.constant 0 : i32
    %dma_wait3A_53 = tpu.memref_slice %arg6[%dma_wait3A_51, %dma_wait3A_52] : memref<81920x128xf32, #tpu.memory_space<hbm>> -> memref<64x128xf32, #tpu.memory_space<hbm>>
    %dma_wait3A_54 = arith.constant 0 : i32
    %dma_wait3A_55 = arith.constant 0 : i32
    %dma_wait3A_56 = tpu.memref_slice %arg6[%dma_wait3A_54, %dma_wait3A_55] : memref<81920x128xf32, #tpu.memory_space<hbm>> -> memref<64x128xf32, #tpu.memory_space<hbm>>
    tpu.wait_dma2 semaphore(%arg20 : memref<!tpu.dma_semaphore, #tpu.memory_space<semaphore_mem>>) src(%arg15 : memref<64x128xf32, #tpu.memory_space<vmem>>) dst(%dma_wait3A_56 : memref<64x128xf32, #tpu.memory_space<hbm>>)
    %swap3A = arith.constant 0 : i32
    %swap3A_57 = arith.index_cast %swap3A : i32 to index
    %swap3A_58 = arith.constant 0 : index
    %swap3A_59 = tpu.vector_load %arg16[%swap3A_57, %swap3A_58] {strides = array<i32>} : memref<2x64xf32, #tpu.memory_space<vmem>>, vector<16xf32>,
    tpu.vector_store %arg16[%swap3A_57, %swap3A_58], %while3A_45#0 {strides = array<i32>} : memref<2x64xf32, #tpu.memory_space<vmem>>, vector<16xf32>,
    %swap3A_60 = arith.constant 1 : i32
    %swap3A_61 = arith.index_cast %swap3A_60 : i32 to index
    %swap3A_62 = arith.constant 0 : index
    %swap3A_63 = tpu.vector_load %arg16[%swap3A_61, %swap3A_62] {strides = array<i32>} : memref<2x64xf32, #tpu.memory_space<vmem>>, vector<16xf32>,
    tpu.vector_store %arg16[%swap3A_61, %swap3A_62], %while3A_45#4 {strides = array<i32>} : memref<2x64xf32, #tpu.memory_space<vmem>>, vector<16xf32>,
    %swap3A_64 = arith.constant 0 : i32
    %swap3A_65 = arith.index_cast %swap3A_64 : i32 to index
    %swap3A_66 = arith.constant 16 : index
    %swap3A_67 = tpu.vector_load %arg16[%swap3A_65, %swap3A_66] {strides = array<i32>} : memref<2x64xf32, #tpu.memory_space<vmem>>, vector<16xf32>,
    tpu.vector_store %arg16[%swap3A_65, %swap3A_66], %while3A_45#1 {strides = array<i32>} : memref<2x64xf32, #tpu.memory_space<vmem>>, vector<16xf32>,
    %swap3A_68 = arith.constant 1 : i32
    %swap3A_69 = arith.index_cast %swap3A_68 : i32 to index
    %swap3A_70 = arith.constant 16 : index
    %swap3A_71 = tpu.vector_load %arg16[%swap3A_69, %swap3A_70] {strides = array<i32>} : memref<2x64xf32, #tpu.memory_space<vmem>>, vector<16xf32>,
    tpu.vector_store %arg16[%swap3A_69, %swap3A_70], %while3A_45#5 {strides = array<i32>} : memref<2x64xf32, #tpu.memory_space<vmem>>, vector<16xf32>,
    %swap3A_72 = arith.constant 0 : i32
    %swap3A_73 = arith.index_cast %swap3A_72 : i32 to index
    %swap3A_74 = arith.constant 32 : index
    %swap3A_75 = tpu.vector_load %arg16[%swap3A_73, %swap3A_74] {strides = array<i32>} : memref<2x64xf32, #tpu.memory_space<vmem>>, vector<16xf32>,
    tpu.vector_store %arg16[%swap3A_73, %swap3A_74], %while3A_45#2 {strides = array<i32>} : memref<2x64xf32, #tpu.memory_space<vmem>>, vector<16xf32>,
    %swap3A_76 = arith.constant 1 : i32
    %swap3A_77 = arith.index_cast %swap3A_76 : i32 to index
    %swap3A_78 = arith.constant 32 : index
    %swap3A_79 = tpu.vector_load %arg16[%swap3A_77, %swap3A_78] {strides = array<i32>} : memref<2x64xf32, #tpu.memory_space<vmem>>, vector<16xf32>,
    tpu.vector_store %arg16[%swap3A_77, %swap3A_78], %while3A_45#6 {strides = array<i32>} : memref<2x64xf32, #tpu.memory_space<vmem>>, vector<16xf32>,
    %swap3A_80 = arith.constant 0 : i32
    %swap3A_81 = arith.index_cast %swap3A_80 : i32 to index
    %swap3A_82 = arith.constant 48 : index
    %swap3A_83 = tpu.vector_load %arg16[%swap3A_81, %swap3A_82] {strides = array<i32>} : memref<2x64xf32, #tpu.memory_space<vmem>>, vector<16xf32>,
    tpu.vector_store %arg16[%swap3A_81, %swap3A_82], %while3A_45#3 {strides = array<i32>} : memref<2x64xf32, #tpu.memory_space<vmem>>, vector<16xf32>,
    %swap3A_84 = arith.constant 1 : i32
    %swap3A_85 = arith.index_cast %swap3A_84 : i32 to index
    %swap3A_86 = arith.constant 48 : index
    %swap3A_87 = tpu.vector_load %arg16[%swap3A_85, %swap3A_86] {strides = array<i32>} : memref<2x64xf32, #tpu.memory_space<vmem>>, vector<16xf32>,
    tpu.vector_store %arg16[%swap3A_85, %swap3A_86], %while3A_45#7 {strides = array<i32>} : memref<2x64xf32, #tpu.memory_space<vmem>>, vector<16xf32>,
    "tpu.region"() ({
      %run_scoped3A = tpu.sem_alloc : memref<!tpu.dma_semaphore, #tpu.memory_space<semaphore_mem>>
      %dma_start3A_88 = arith.constant 0 : i32
      %dma_start3A_89 = arith.constant 0 : i32
      %dma_start3A_90 = tpu.memref_slice %arg7[%add3A, %dma_start3A_88, %dma_start3A_89] : memref<32x2x64xf32, #tpu.memory_space<hbm>> -> memref<1x2x64xf32, #tpu.memory_space<hbm>>
      %dma_start3A_91 = tpu.memref_squeeze %dma_start3A_90 : memref<1x2x64xf32, #tpu.memory_space<hbm>> -> memref<2x64xf32, #tpu.memory_space<hbm>>
      %dma_start3A_92 = arith.constant 0 : i32
      %dma_start3A_93 = arith.constant 0 : i32
      %dma_start3A_94 = tpu.memref_slice %arg7[%add3A, %dma_start3A_92, %dma_start3A_93] : memref<32x2x64xf32, #tpu.memory_space<hbm>> -> memref<1x2x64xf32, #tpu.memory_space<hbm>>
      %dma_start3A_95 = tpu.memref_squeeze %dma_start3A_94 : memref<1x2x64xf32, #tpu.memory_space<hbm>> -> memref<2x64xf32, #tpu.memory_space<hbm>>
      tpu.enqueue_dma source(%arg16 : memref<2x64xf32, #tpu.memory_space<vmem>>) target(%dma_start3A_95 : memref<2x64xf32, #tpu.memory_space<hbm>>) target_semaphore(%run_scoped3A : memref<!tpu.dma_semaphore, #tpu.memory_space<semaphore_mem>>)
      %dma_wait3A_96 = arith.constant 0 : i32
      %dma_wait3A_97 = arith.constant 0 : i32
      %dma_wait3A_98 = tpu.memref_slice %arg7[%add3A, %dma_wait3A_96, %dma_wait3A_97] : memref<32x2x64xf32, #tpu.memory_space<hbm>> -> memref<1x2x64xf32, #tpu.memory_space<hbm>>
      %dma_wait3A_99 = tpu.memref_squeeze %dma_wait3A_98 : memref<1x2x64xf32, #tpu.memory_space<hbm>> -> memref<2x64xf32, #tpu.memory_space<hbm>>
      %dma_wait3A_100 = arith.constant 0 : i32
      %dma_wait3A_101 = arith.constant 0 : i32
      %dma_wait3A_102 = tpu.memref_slice %arg7[%add3A, %dma_wait3A_100, %dma_wait3A_101] : memref<32x2x64xf32, #tpu.memory_space<hbm>> -> memref<1x2x64xf32, #tpu.memory_space<hbm>>
      %dma_wait3A_103 = tpu.memref_squeeze %dma_wait3A_102 : memref<1x2x64xf32, #tpu.memory_space<hbm>> -> memref<2x64xf32, #tpu.memory_space<hbm>>
      tpu.wait_dma2 semaphore(%run_scoped3A : memref<!tpu.dma_semaphore, #tpu.memory_space<semaphore_mem>>) src(%arg16 : memref<2x64xf32, #tpu.memory_space<vmem>>) dst(%dma_wait3A_103 : memref<2x64xf32, #tpu.memory_space<hbm>>)
      tpu.yield
    }) : () -> ()
    return
  }
}

#map = affine_map<(d0, d1) -> (0, 0)>
#map1 = affine_map<(d0, d1) -> (0, 0, 0)>
module attributes {stable_mosaic.version = 14 : i64} {
  func.func @_edge_scatter(%arg0: i32, %arg1: i32, %arg2: memref<81920x128xf32, #tpu.memory_space<hbm>>, %arg3: memref<2x64xf32, #tpu.memory_space<hbm>>, %arg4: memref<32x40x128xi32, #tpu.memory_space<hbm>>, %arg5: memref<2x10240x80xf32, #tpu.memory_space<hbm>>, %arg6: memref<40x128xi32, #tpu.memory_space<vmem>>, %arg7: memref<64x128xf32, #tpu.memory_space<vmem>>, %arg8: memref<64x128xf32, #tpu.memory_space<vmem>>, %arg9: memref<128x80xf32, #tpu.memory_space<vmem>>, %arg10: memref<128x80xf32, #tpu.memory_space<vmem>>, %arg11: memref<2x64xf32, #tpu.memory_space<vmem>>, %arg12: memref<10240x80xf32, #tpu.memory_space<vmem_shared>>, %arg13: memref<!tpu.dma_semaphore, #tpu.memory_space<semaphore_mem>>, %arg14: memref<!tpu.dma_semaphore, #tpu.memory_space<semaphore_mem>>, %arg15: memref<!tpu.dma_semaphore, #tpu.memory_space<semaphore_mem>>, %arg16: memref<!tpu.dma_semaphore, #tpu.memory_space<semaphore_mem>>) attributes {dimension_semantics = [#tpu.dimension_semantics<core_parallel>, #tpu.dimension_semantics<subcore_parallel>], iteration_bounds = array<i64: 2, 16>, scalar_prefetch = 0 : i64, scratch_operands = 11 : i64, tpu.core_type = #tpu.core_type<sc_vector_subcore>, window_params = [{transform_indices = #map}, {transform_indices = #map}, {transform_indices = #map1}, {transform_indices = #map1}]} {
    %mul3A = arith.constant 2 : i32
    %mul3A_0 = arith.muli %arg1, %mul3A : i32
    %add3A = arith.addi %mul3A_0, %arg0 : i32
    %mul3A_1 = arith.constant 2560 : i32
    %mul3A_2 = arith.muli %add3A, %mul3A_1 : i32
    %mul3A_3 = arith.constant 40 : i32
    %mul3A_4 = arith.muli %add3A, %mul3A_3 : i32
    %sub3A = arith.constant 1250 : i32
    %sub3A_5 = arith.subi %sub3A, %mul3A_4 : i32
    %max3A = arith.constant 0 : i32
    %max3A_6 = arith.maxsi %sub3A_5, %max3A : i32
    %min3A = arith.constant 40 : i32
    %min3A_7 = arith.minsi %max3A_6, %min3A : i32
    %broadcast_in_dim3A = arith.constant 0.000000e+00 : f32
    %broadcast_in_dim3A_8 = vector.broadcast %broadcast_in_dim3A : f32 to vector<16xf32>
    %iota3A = tpu.iota {dimensions = array<i32: 0>} : vector<16xi32>
    %eq3A = arith.constant 0 : i32
    %eq3A_9 = vector.broadcast %eq3A : i32 to vector<16xi32>
    %eq3A_10 = arith.cmpi eq, %iota3A, %eq3A_9 : vector<16xi32>
    %jit3A = arith.constant 1.000000e+00 : f32
    %jit3A_11 = arith.constant 0.000000e+00 : f32
    %broadcast_in_dim3A_12 = vector.broadcast %jit3A : f32 to vector<16xf32>
    %broadcast_in_dim3A_13 = vector.broadcast %jit3A_11 : f32 to vector<16xf32>
    %select_n3A = arith.select %eq3A_10, %broadcast_in_dim3A_12, %broadcast_in_dim3A_13 : vector<16xi1>, vector<16xf32>
    %scan3A = arith.constant 0 : i32
    %scan3A_14 = arith.constant 0 : i32
    %scan3A_15 = arith.constant 128 : i32
    %scan3A_16 = arith.addi %scan3A_14, %scan3A_15 : i32
    %scan3A_17 = arith.constant 1 : i32
    %scan3A_18 = scf.for %scan3A_179 = %scan3A_14 to %scan3A_16 step %scan3A_17 iter_args(%scan3A_180 = %scan3A) -> (i32)  : i32 {
      %swap3A = arith.index_cast %scan3A_179 : i32 to index
      %swap3A_181 = arith.constant 0 : index
      %swap3A_182 = tpu.vector_load %arg9[%swap3A, %swap3A_181] {strides = array<i32>} : memref<128x80xf32, #tpu.memory_space<vmem>>, vector<16xf32>,
      tpu.vector_store %arg9[%swap3A, %swap3A_181], %broadcast_in_dim3A_8 {strides = array<i32>} : memref<128x80xf32, #tpu.memory_space<vmem>>, vector<16xf32>,
      %swap3A_183 = arith.index_cast %scan3A_179 : i32 to index
      %swap3A_184 = arith.constant 16 : index
      %swap3A_185 = tpu.vector_load %arg9[%swap3A_183, %swap3A_184] {strides = array<i32>} : memref<128x80xf32, #tpu.memory_space<vmem>>, vector<16xf32>,
      tpu.vector_store %arg9[%swap3A_183, %swap3A_184], %broadcast_in_dim3A_8 {strides = array<i32>} : memref<128x80xf32, #tpu.memory_space<vmem>>, vector<16xf32>,
      %swap3A_186 = arith.index_cast %scan3A_179 : i32 to index
      %swap3A_187 = arith.constant 32 : index
      %swap3A_188 = tpu.vector_load %arg9[%swap3A_186, %swap3A_187] {strides = array<i32>} : memref<128x80xf32, #tpu.memory_space<vmem>>, vector<16xf32>,
      tpu.vector_store %arg9[%swap3A_186, %swap3A_187], %broadcast_in_dim3A_8 {strides = array<i32>} : memref<128x80xf32, #tpu.memory_space<vmem>>, vector<16xf32>,
      %swap3A_189 = arith.index_cast %scan3A_179 : i32 to index
      %swap3A_190 = arith.constant 48 : index
      %swap3A_191 = tpu.vector_load %arg9[%swap3A_189, %swap3A_190] {strides = array<i32>} : memref<128x80xf32, #tpu.memory_space<vmem>>, vector<16xf32>,
      tpu.vector_store %arg9[%swap3A_189, %swap3A_190], %broadcast_in_dim3A_8 {strides = array<i32>} : memref<128x80xf32, #tpu.memory_space<vmem>>, vector<16xf32>,
      %swap3A_192 = arith.index_cast %scan3A_179 : i32 to index
      %swap3A_193 = arith.constant 64 : index
      %swap3A_194 = tpu.vector_load %arg9[%swap3A_192, %swap3A_193] {strides = array<i32>} : memref<128x80xf32, #tpu.memory_space<vmem>>, vector<16xf32>,
      tpu.vector_store %arg9[%swap3A_192, %swap3A_193], %broadcast_in_dim3A_8 {strides = array<i32>} : memref<128x80xf32, #tpu.memory_space<vmem>>, vector<16xf32>,
      %scan3A_195 = arith.constant 0 : i32
      scf.yield %scan3A_195 : i32
    }
    %scan3A_19 = arith.constant 128 : i32
    %mul3A_20 = arith.constant 640 : i32
    %mul3A_21 = arith.muli %arg1, %mul3A_20 : i32
    %add3A_22 = arith.constant 0 : i32
    %add3A_23 = arith.addi %mul3A_21, %add3A_22 : i32
    %dma_start3A = arith.constant 0 : i32
    %dma_start3A_24 = tpu.memref_slice %arg12[%add3A_23, %dma_start3A] : memref<10240x80xf32, #tpu.memory_space<vmem_shared>> -> memref<128x80xf32, #tpu.memory_space<vmem_shared>>
    %dma_start3A_25 = arith.constant 0 : i32
    %dma_start3A_26 = tpu.memref_slice %arg12[%add3A_23, %dma_start3A_25] : memref<10240x80xf32, #tpu.memory_space<vmem_shared>> -> memref<128x80xf32, #tpu.memory_space<vmem_shared>>
    tpu.enqueue_dma source(%arg9 : memref<128x80xf32, #tpu.memory_space<vmem>>) target(%dma_start3A_26 : memref<128x80xf32, #tpu.memory_space<vmem_shared>>) target_semaphore(%arg15 : memref<!tpu.dma_semaphore, #tpu.memory_space<semaphore_mem>>)
    %mul3A_27 = arith.constant 640 : i32
    %mul3A_28 = arith.muli %arg1, %mul3A_27 : i32
    %add3A_29 = arith.constant 128 : i32
    %add3A_30 = arith.addi %mul3A_28, %add3A_29 : i32
    %dma_start3A_31 = arith.constant 0 : i32
    %dma_start3A_32 = tpu.memref_slice %arg12[%add3A_30, %dma_start3A_31] : memref<10240x80xf32, #tpu.memory_space<vmem_shared>> -> memref<128x80xf32, #tpu.memory_space<vmem_shared>>
    %dma_start3A_33 = arith.constant 0 : i32
    %dma_start3A_34 = tpu.memref_slice %arg12[%add3A_30, %dma_start3A_33] : memref<10240x80xf32, #tpu.memory_space<vmem_shared>> -> memref<128x80xf32, #tpu.memory_space<vmem_shared>>
    tpu.enqueue_dma source(%arg9 : memref<128x80xf32, #tpu.memory_space<vmem>>) target(%dma_start3A_34 : memref<128x80xf32, #tpu.memory_space<vmem_shared>>) target_semaphore(%arg15 : memref<!tpu.dma_semaphore, #tpu.memory_space<semaphore_mem>>)
    %mul3A_35 = arith.constant 640 : i32
    %mul3A_36 = arith.muli %arg1, %mul3A_35 : i32
    %add3A_37 = arith.constant 256 : i32
    %add3A_38 = arith.addi %mul3A_36, %add3A_37 : i32
    %dma_start3A_39 = arith.constant 0 : i32
    %dma_start3A_40 = tpu.memref_slice %arg12[%add3A_38, %dma_start3A_39] : memref<10240x80xf32, #tpu.memory_space<vmem_shared>> -> memref<128x80xf32, #tpu.memory_space<vmem_shared>>
    %dma_start3A_41 = arith.constant 0 : i32
    %dma_start3A_42 = tpu.memref_slice %arg12[%add3A_38, %dma_start3A_41] : memref<10240x80xf32, #tpu.memory_space<vmem_shared>> -> memref<128x80xf32, #tpu.memory_space<vmem_shared>>
    tpu.enqueue_dma source(%arg9 : memref<128x80xf32, #tpu.memory_space<vmem>>) target(%dma_start3A_42 : memref<128x80xf32, #tpu.memory_space<vmem_shared>>) target_semaphore(%arg15 : memref<!tpu.dma_semaphore, #tpu.memory_space<semaphore_mem>>)
    %mul3A_43 = arith.constant 640 : i32
    %mul3A_44 = arith.muli %arg1, %mul3A_43 : i32
    %add3A_45 = arith.constant 384 : i32
    %add3A_46 = arith.addi %mul3A_44, %add3A_45 : i32
    %dma_start3A_47 = arith.constant 0 : i32
    %dma_start3A_48 = tpu.memref_slice %arg12[%add3A_46, %dma_start3A_47] : memref<10240x80xf32, #tpu.memory_space<vmem_shared>> -> memref<128x80xf32, #tpu.memory_space<vmem_shared>>
    %dma_start3A_49 = arith.constant 0 : i32
    %dma_start3A_50 = tpu.memref_slice %arg12[%add3A_46, %dma_start3A_49] : memref<10240x80xf32, #tpu.memory_space<vmem_shared>> -> memref<128x80xf32, #tpu.memory_space<vmem_shared>>
    tpu.enqueue_dma source(%arg9 : memref<128x80xf32, #tpu.memory_space<vmem>>) target(%dma_start3A_50 : memref<128x80xf32, #tpu.memory_space<vmem_shared>>) target_semaphore(%arg15 : memref<!tpu.dma_semaphore, #tpu.memory_space<semaphore_mem>>)
    %mul3A_51 = arith.constant 640 : i32
    %mul3A_52 = arith.muli %arg1, %mul3A_51 : i32
    %add3A_53 = arith.constant 512 : i32
    %add3A_54 = arith.addi %mul3A_52, %add3A_53 : i32
    %dma_start3A_55 = arith.constant 0 : i32
    %dma_start3A_56 = tpu.memref_slice %arg12[%add3A_54, %dma_start3A_55] : memref<10240x80xf32, #tpu.memory_space<vmem_shared>> -> memref<128x80xf32, #tpu.memory_space<vmem_shared>>
    %dma_start3A_57 = arith.constant 0 : i32
    %dma_start3A_58 = tpu.memref_slice %arg12[%add3A_54, %dma_start3A_57] : memref<10240x80xf32, #tpu.memory_space<vmem_shared>> -> memref<128x80xf32, #tpu.memory_space<vmem_shared>>
    tpu.enqueue_dma source(%arg9 : memref<128x80xf32, #tpu.memory_space<vmem>>) target(%dma_start3A_58 : memref<128x80xf32, #tpu.memory_space<vmem_shared>>) target_semaphore(%arg15 : memref<!tpu.dma_semaphore, #tpu.memory_space<semaphore_mem>>)
    %dma_wait3A = arith.constant 0 : i32
    %dma_wait3A_59 = arith.constant 0 : i32
    %dma_wait3A_60 = tpu.memref_slice %arg12[%dma_wait3A, %dma_wait3A_59] : memref<10240x80xf32, #tpu.memory_space<vmem_shared>> -> memref<128x80xf32, #tpu.memory_space<vmem_shared>>
    %dma_wait3A_61 = arith.constant 0 : i32
    %dma_wait3A_62 = arith.constant 0 : i32
    %dma_wait3A_63 = tpu.memref_slice %arg12[%dma_wait3A_61, %dma_wait3A_62] : memref<10240x80xf32, #tpu.memory_space<vmem_shared>> -> memref<128x80xf32, #tpu.memory_space<vmem_shared>>
    tpu.wait_dma2 semaphore(%arg15 : memref<!tpu.dma_semaphore, #tpu.memory_space<semaphore_mem>>) src(%arg9 : memref<128x80xf32, #tpu.memory_space<vmem>>) dst(%dma_wait3A_63 : memref<128x80xf32, #tpu.memory_space<vmem_shared>>)
    %dma_wait3A_64 = arith.constant 0 : i32
    %dma_wait3A_65 = arith.constant 0 : i32
    %dma_wait3A_66 = tpu.memref_slice %arg12[%dma_wait3A_64, %dma_wait3A_65] : memref<10240x80xf32, #tpu.memory_space<vmem_shared>> -> memref<128x80xf32, #tpu.memory_space<vmem_shared>>
    %dma_wait3A_67 = arith.constant 0 : i32
    %dma_wait3A_68 = arith.constant 0 : i32
    %dma_wait3A_69 = tpu.memref_slice %arg12[%dma_wait3A_67, %dma_wait3A_68] : memref<10240x80xf32, #tpu.memory_space<vmem_shared>> -> memref<128x80xf32, #tpu.memory_space<vmem_shared>>
    tpu.wait_dma2 semaphore(%arg15 : memref<!tpu.dma_semaphore, #tpu.memory_space<semaphore_mem>>) src(%arg9 : memref<128x80xf32, #tpu.memory_space<vmem>>) dst(%dma_wait3A_69 : memref<128x80xf32, #tpu.memory_space<vmem_shared>>)
    %dma_wait3A_70 = arith.constant 0 : i32
    %dma_wait3A_71 = arith.constant 0 : i32
    %dma_wait3A_72 = tpu.memref_slice %arg12[%dma_wait3A_70, %dma_wait3A_71] : memref<10240x80xf32, #tpu.memory_space<vmem_shared>> -> memref<128x80xf32, #tpu.memory_space<vmem_shared>>
    %dma_wait3A_73 = arith.constant 0 : i32
    %dma_wait3A_74 = arith.constant 0 : i32
    %dma_wait3A_75 = tpu.memref_slice %arg12[%dma_wait3A_73, %dma_wait3A_74] : memref<10240x80xf32, #tpu.memory_space<vmem_shared>> -> memref<128x80xf32, #tpu.memory_space<vmem_shared>>
    tpu.wait_dma2 semaphore(%arg15 : memref<!tpu.dma_semaphore, #tpu.memory_space<semaphore_mem>>) src(%arg9 : memref<128x80xf32, #tpu.memory_space<vmem>>) dst(%dma_wait3A_75 : memref<128x80xf32, #tpu.memory_space<vmem_shared>>)
    %dma_wait3A_76 = arith.constant 0 : i32
    %dma_wait3A_77 = arith.constant 0 : i32
    %dma_wait3A_78 = tpu.memref_slice %arg12[%dma_wait3A_76, %dma_wait3A_77] : memref<10240x80xf32, #tpu.memory_space<vmem_shared>> -> memref<128x80xf32, #tpu.memory_space<vmem_shared>>
    %dma_wait3A_79 = arith.constant 0 : i32
    %dma_wait3A_80 = arith.constant 0 : i32
    %dma_wait3A_81 = tpu.memref_slice %arg12[%dma_wait3A_79, %dma_wait3A_80] : memref<10240x80xf32, #tpu.memory_space<vmem_shared>> -> memref<128x80xf32, #tpu.memory_space<vmem_shared>>
    tpu.wait_dma2 semaphore(%arg15 : memref<!tpu.dma_semaphore, #tpu.memory_space<semaphore_mem>>) src(%arg9 : memref<128x80xf32, #tpu.memory_space<vmem>>) dst(%dma_wait3A_81 : memref<128x80xf32, #tpu.memory_space<vmem_shared>>)
    %dma_wait3A_82 = arith.constant 0 : i32
    %dma_wait3A_83 = arith.constant 0 : i32
    %dma_wait3A_84 = tpu.memref_slice %arg12[%dma_wait3A_82, %dma_wait3A_83] : memref<10240x80xf32, #tpu.memory_space<vmem_shared>> -> memref<128x80xf32, #tpu.memory_space<vmem_shared>>
    %dma_wait3A_85 = arith.constant 0 : i32
    %dma_wait3A_86 = arith.constant 0 : i32
    %dma_wait3A_87 = tpu.memref_slice %arg12[%dma_wait3A_85, %dma_wait3A_86] : memref<10240x80xf32, #tpu.memory_space<vmem_shared>> -> memref<128x80xf32, #tpu.memory_space<vmem_shared>>
    tpu.wait_dma2 semaphore(%arg15 : memref<!tpu.dma_semaphore, #tpu.memory_space<semaphore_mem>>) src(%arg9 : memref<128x80xf32, #tpu.memory_space<vmem>>) dst(%dma_wait3A_87 : memref<128x80xf32, #tpu.memory_space<vmem_shared>>)
    %scan3A_88 = arith.constant 0 : i32
    %scan3A_89 = arith.constant 0 : i32
    %scan3A_90 = arith.constant 128 : i32
    %scan3A_91 = arith.addi %scan3A_89, %scan3A_90 : i32
    %scan3A_92 = arith.constant 1 : i32
    %scan3A_93 = scf.for %scan3A_179 = %scan3A_89 to %scan3A_91 step %scan3A_92 iter_args(%scan3A_180 = %scan3A_88) -> (i32)  : i32 {
      %swap3A = arith.index_cast %scan3A_179 : i32 to index
      %swap3A_181 = arith.constant 64 : index
      %swap3A_182 = tpu.vector_load %arg9[%swap3A, %swap3A_181] {strides = array<i32>} : memref<128x80xf32, #tpu.memory_space<vmem>>, vector<16xf32>,
      tpu.vector_store %arg9[%swap3A, %swap3A_181], %select_n3A {strides = array<i32>} : memref<128x80xf32, #tpu.memory_space<vmem>>, vector<16xf32>,
      %swap3A_183 = arith.index_cast %scan3A_179 : i32 to index
      %swap3A_184 = arith.constant 64 : index
      %swap3A_185 = tpu.vector_load %arg10[%swap3A_183, %swap3A_184] {strides = array<i32>} : memref<128x80xf32, #tpu.memory_space<vmem>>, vector<16xf32>,
      tpu.vector_store %arg10[%swap3A_183, %swap3A_184], %select_n3A {strides = array<i32>} : memref<128x80xf32, #tpu.memory_space<vmem>>, vector<16xf32>,
      %scan3A_186 = arith.constant 0 : i32
      scf.yield %scan3A_186 : i32
    }
    %scan3A_94 = arith.constant 128 : i32
    "tpu.region"() ({
      %run_scoped3A = tpu.sem_alloc : memref<!tpu.dma_semaphore, #tpu.memory_space<semaphore_mem>>
      tpu.enqueue_dma source(%arg3 : memref<2x64xf32, #tpu.memory_space<hbm>>) target(%arg11 : memref<2x64xf32, #tpu.memory_space<vmem>>) target_semaphore(%run_scoped3A : memref<!tpu.dma_semaphore, #tpu.memory_space<semaphore_mem>>)
      tpu.wait_dma2 semaphore(%run_scoped3A : memref<!tpu.dma_semaphore, #tpu.memory_space<semaphore_mem>>) src(%arg3 : memref<2x64xf32, #tpu.memory_space<hbm>>) dst(%arg11 : memref<2x64xf32, #tpu.memory_space<vmem>>)
      tpu.yield
    }) : () -> ()
    "tpu.region"() ({
      %run_scoped3A = tpu.sem_alloc : memref<!tpu.dma_semaphore, #tpu.memory_space<semaphore_mem>>
      %dma_start3A_179 = arith.constant 0 : i32
      %dma_start3A_180 = arith.constant 0 : i32
      %dma_start3A_181 = tpu.memref_slice %arg4[%add3A, %dma_start3A_179, %dma_start3A_180] : memref<32x40x128xi32, #tpu.memory_space<hbm>> -> memref<1x40x128xi32, #tpu.memory_space<hbm>>
      %dma_start3A_182 = tpu.memref_squeeze %dma_start3A_181 : memref<1x40x128xi32, #tpu.memory_space<hbm>> -> memref<40x128xi32, #tpu.memory_space<hbm>>
      %dma_start3A_183 = arith.constant 0 : i32
      %dma_start3A_184 = arith.constant 0 : i32
      %dma_start3A_185 = tpu.memref_slice %arg4[%add3A, %dma_start3A_183, %dma_start3A_184] : memref<32x40x128xi32, #tpu.memory_space<hbm>> -> memref<1x40x128xi32, #tpu.memory_space<hbm>>
      %dma_start3A_186 = tpu.memref_squeeze %dma_start3A_185 : memref<1x40x128xi32, #tpu.memory_space<hbm>> -> memref<40x128xi32, #tpu.memory_space<hbm>>
      tpu.enqueue_dma source(%dma_start3A_186 : memref<40x128xi32, #tpu.memory_space<hbm>>) target(%arg6 : memref<40x128xi32, #tpu.memory_space<vmem>>) target_semaphore(%run_scoped3A : memref<!tpu.dma_semaphore, #tpu.memory_space<semaphore_mem>>)
      %dma_wait3A_187 = arith.constant 0 : i32
      %dma_wait3A_188 = arith.constant 0 : i32
      %dma_wait3A_189 = tpu.memref_slice %arg4[%add3A, %dma_wait3A_187, %dma_wait3A_188] : memref<32x40x128xi32, #tpu.memory_space<hbm>> -> memref<1x40x128xi32, #tpu.memory_space<hbm>>
      %dma_wait3A_190 = tpu.memref_squeeze %dma_wait3A_189 : memref<1x40x128xi32, #tpu.memory_space<hbm>> -> memref<40x128xi32, #tpu.memory_space<hbm>>
      %dma_wait3A_191 = arith.constant 0 : i32
      %dma_wait3A_192 = arith.constant 0 : i32
      %dma_wait3A_193 = tpu.memref_slice %arg4[%add3A, %dma_wait3A_191, %dma_wait3A_192] : memref<32x40x128xi32, #tpu.memory_space<hbm>> -> memref<1x40x128xi32, #tpu.memory_space<hbm>>
      %dma_wait3A_194 = tpu.memref_squeeze %dma_wait3A_193 : memref<1x40x128xi32, #tpu.memory_space<hbm>> -> memref<40x128xi32, #tpu.memory_space<hbm>>
      tpu.wait_dma2 semaphore(%run_scoped3A : memref<!tpu.dma_semaphore, #tpu.memory_space<semaphore_mem>>) src(%dma_wait3A_194 : memref<40x128xi32, #tpu.memory_space<hbm>>) dst(%arg6 : memref<40x128xi32, #tpu.memory_space<vmem>>)
      tpu.yield
    }) : () -> ()
    %barrier3A = arith.constant 0 : index
    tpu.barrier barrier_id(%barrier3A)
    %get3A = arith.constant 0 : i32
    %get3A_95 = arith.index_cast %get3A : i32 to index
    %get3A_96 = arith.constant 0 : index
    %get3A_97 = tpu.vector_load %arg11[%get3A_95, %get3A_96] {strides = array<i32>} : memref<2x64xf32, #tpu.memory_space<vmem>>, vector<16xf32>,
    %get3A_98 = arith.constant 0 : i32
    %get3A_99 = arith.index_cast %get3A_98 : i32 to index
    %get3A_100 = arith.constant 16 : index
    %get3A_101 = tpu.vector_load %arg11[%get3A_99, %get3A_100] {strides = array<i32>} : memref<2x64xf32, #tpu.memory_space<vmem>>, vector<16xf32>,
    %get3A_102 = arith.constant 0 : i32
    %get3A_103 = arith.index_cast %get3A_102 : i32 to index
    %get3A_104 = arith.constant 32 : index
    %get3A_105 = tpu.vector_load %arg11[%get3A_103, %get3A_104] {strides = array<i32>} : memref<2x64xf32, #tpu.memory_space<vmem>>, vector<16xf32>,
    %get3A_106 = arith.constant 0 : i32
    %get3A_107 = arith.index_cast %get3A_106 : i32 to index
    %get3A_108 = arith.constant 48 : index
    %get3A_109 = tpu.vector_load %arg11[%get3A_107, %get3A_108] {strides = array<i32>} : memref<2x64xf32, #tpu.memory_space<vmem>>, vector<16xf32>,
    %get3A_110 = arith.constant 1 : i32
    %get3A_111 = arith.index_cast %get3A_110 : i32 to index
    %get3A_112 = arith.constant 0 : index
    %get3A_113 = tpu.vector_load %arg11[%get3A_111, %get3A_112] {strides = array<i32>} : memref<2x64xf32, #tpu.memory_space<vmem>>, vector<16xf32>,
    %get3A_114 = arith.constant 1 : i32
    %get3A_115 = arith.index_cast %get3A_114 : i32 to index
    %get3A_116 = arith.constant 16 : index
    %get3A_117 = tpu.vector_load %arg11[%get3A_115, %get3A_116] {strides = array<i32>} : memref<2x64xf32, #tpu.memory_space<vmem>>, vector<16xf32>,
    %get3A_118 = arith.constant 1 : i32
    %get3A_119 = arith.index_cast %get3A_118 : i32 to index
    %get3A_120 = arith.constant 32 : index
    %get3A_121 = tpu.vector_load %arg11[%get3A_119, %get3A_120] {strides = array<i32>} : memref<2x64xf32, #tpu.memory_space<vmem>>, vector<16xf32>,
    %get3A_122 = arith.constant 1 : i32
    %get3A_123 = arith.index_cast %get3A_122 : i32 to index
    %get3A_124 = arith.constant 48 : index
    %get3A_125 = tpu.vector_load %arg11[%get3A_123, %get3A_124] {strides = array<i32>} : memref<2x64xf32, #tpu.memory_space<vmem>>, vector<16xf32>,
    %add3A_126 = arith.constant 0 : i32
    %add3A_127 = arith.addi %mul3A_2, %add3A_126 : i32
    %dma_start3A_128 = arith.constant 0 : i32
    %dma_start3A_129 = tpu.memref_slice %arg2[%add3A_127, %dma_start3A_128] : memref<81920x128xf32, #tpu.memory_space<hbm>> -> memref<64x128xf32, #tpu.memory_space<hbm>>
    %dma_start3A_130 = arith.constant 0 : i32
    %dma_start3A_131 = tpu.memref_slice %arg2[%add3A_127, %dma_start3A_130] : memref<81920x128xf32, #tpu.memory_space<hbm>> -> memref<64x128xf32, #tpu.memory_space<hbm>>
    tpu.enqueue_dma source(%dma_start3A_131 : memref<64x128xf32, #tpu.memory_space<hbm>>) target(%arg7 : memref<64x128xf32, #tpu.memory_space<vmem>>) target_semaphore(%arg13 : memref<!tpu.dma_semaphore, #tpu.memory_space<semaphore_mem>>)
    %jit3A_132 = arith.constant 2 : i32
    %div3A = arith.divsi %min3A_7, %jit3A_132 : i32
    %sign3A = arith.constant 0 : i32
    %sign3A_133 = arith.cmpi sgt, %min3A_7, %sign3A : i32
    %sign3A_134 = arith.extui %sign3A_133 : i1 to i32
    %sign3A_135 = arith.constant 0 : i32
    %sign3A_136 = arith.cmpi slt, %min3A_7, %sign3A_135 : i32
    %sign3A_137 = arith.extui %sign3A_136 : i1 to i32
    %sign3A_138 = arith.subi %sign3A_134, %sign3A_137 : i32
    %sign3A_139 = arith.constant 0 : i32
    %sign3A_140 = arith.cmpi sgt, %jit3A_132, %sign3A_139 : i32
    %sign3A_141 = arith.extui %sign3A_140 : i1 to i32
    %sign3A_142 = arith.constant 0 : i32
    %sign3A_143 = arith.cmpi slt, %jit3A_132, %sign3A_142 : i32
    %sign3A_144 = arith.extui %sign3A_143 : i1 to i32
    %sign3A_145 = arith.subi %sign3A_141, %sign3A_144 : i32
    %ne3A = arith.cmpi ne, %sign3A_138, %sign3A_145 : i32
    %rem3A = arith.remsi %min3A_7, %jit3A_132 : i32
    %ne3A_146 = arith.constant 0 : i32
    %ne3A_147 = arith.cmpi ne, %rem3A, %ne3A_146 : i32
    %and3A = arith.andi %ne3A, %ne3A_147 : i1
    %sub3A_148 = arith.constant 1 : i32
    %sub3A_149 = arith.subi %div3A, %sub3A_148 : i32
    %select_n3A_150 = arith.select %and3A, %sub3A_149, %div3A : i32
    %while3A = arith.constant 0 : i32
    %while3A_151 = arith.constant 0 : i32
    %while3A_152 = arith.subi %select_n3A_150, %while3A : i32
    %while3A_153 = arith.addi %while3A, %while3A_152 : i32
    %while3A_154 = arith.constant 1 : i32
    %while3A_155 = arith.divsi %while3A_152, %while3A_154 : i32
    %while3A_156 = arith.muli %while3A_155, %while3A_154 : i32
    %while3A_157 = arith.addi %while3A, %while3A_156 : i32
    %while3A_158 = arith.constant 1 : i32
    %while3A_159 = scf.for %while3A_179 = %while3A to %while3A_157 step %while3A_158 iter_args(%while3A_180 = %while3A_151) -> (i32)  : i32 {
      %mul3A_181 = arith.constant 2 : i32
      %mul3A_182 = arith.muli %mul3A_181, %while3A_179 : i32
      %add3A_183 = arith.constant 1 : i32
      %add3A_184 = arith.addi %mul3A_182, %add3A_183 : i32
      %mul3A_185 = arith.constant 64 : i32
      %mul3A_186 = arith.muli %add3A_184, %mul3A_185 : i32
      %add3A_187 = arith.addi %mul3A_2, %mul3A_186 : i32
      %dma_start3A_188 = arith.constant 0 : i32
      %dma_start3A_189 = tpu.memref_slice %arg2[%add3A_187, %dma_start3A_188] : memref<81920x128xf32, #tpu.memory_space<hbm>> -> memref<64x128xf32, #tpu.memory_space<hbm>>
      %dma_start3A_190 = arith.constant 0 : i32
      %dma_start3A_191 = tpu.memref_slice %arg2[%add3A_187, %dma_start3A_190] : memref<81920x128xf32, #tpu.memory_space<hbm>> -> memref<64x128xf32, #tpu.memory_space<hbm>>
      tpu.enqueue_dma source(%dma_start3A_191 : memref<64x128xf32, #tpu.memory_space<hbm>>) target(%arg8 : memref<64x128xf32, #tpu.memory_space<vmem>>) target_semaphore(%arg14 : memref<!tpu.dma_semaphore, #tpu.memory_space<semaphore_mem>>)
      %dma_wait3A_192 = arith.constant 0 : i32
      %dma_wait3A_193 = arith.constant 0 : i32
      %dma_wait3A_194 = tpu.memref_slice %arg2[%dma_wait3A_192, %dma_wait3A_193] : memref<81920x128xf32, #tpu.memory_space<hbm>> -> memref<64x128xf32, #tpu.memory_space<hbm>>
      %dma_wait3A_195 = arith.constant 0 : i32
      %dma_wait3A_196 = arith.constant 0 : i32
      %dma_wait3A_197 = tpu.memref_slice %arg2[%dma_wait3A_195, %dma_wait3A_196] : memref<81920x128xf32, #tpu.memory_space<hbm>> -> memref<64x128xf32, #tpu.memory_space<hbm>>
      tpu.wait_dma2 semaphore(%arg13 : memref<!tpu.dma_semaphore, #tpu.memory_space<semaphore_mem>>) src(%dma_wait3A_197 : memref<64x128xf32, #tpu.memory_space<hbm>>) dst(%arg7 : memref<64x128xf32, #tpu.memory_space<vmem>>)
      %ge3A = arith.constant 1 : i32
      %ge3A_198 = arith.cmpi sge, %while3A_179, %ge3A : i32
      %convert_element_type3A = arith.extui %ge3A_198 : i1 to i32
      %cond3A = arith.constant 0 : i32
      %cond3A_199 = arith.cmpi ne, %convert_element_type3A, %cond3A : i32
      scf.if %cond3A_199 {
        %dma_wait3A_245 = arith.constant 0 : i32
        %dma_wait3A_246 = arith.constant 0 : i32
        %dma_wait3A_247 = tpu.memref_slice %arg12[%dma_wait3A_245, %dma_wait3A_246] : memref<10240x80xf32, #tpu.memory_space<vmem_shared>> -> memref<128x80xf32, #tpu.memory_space<vmem_shared>>
        %dma_wait3A_248 = arith.constant 0 : i32
        %dma_wait3A_249 = arith.constant 0 : i32
        %dma_wait3A_250 = tpu.memref_slice %arg12[%dma_wait3A_248, %dma_wait3A_249] : memref<10240x80xf32, #tpu.memory_space<vmem_shared>> -> memref<128x80xf32, #tpu.memory_space<vmem_shared>>
        tpu.wait_dma2 semaphore(%arg15 : memref<!tpu.dma_semaphore, #tpu.memory_space<semaphore_mem>>) src(%arg9 : memref<128x80xf32, #tpu.memory_space<vmem>>) dst(%dma_wait3A_250 : memref<128x80xf32, #tpu.memory_space<vmem_shared>>)
      } else {
      }
      %scan3A_200 = arith.constant 0 : i32
      %scan3A_201 = arith.constant 0 : i32
      %scan3A_202 = arith.constant 64 : i32
      %scan3A_203 = arith.addi %scan3A_201, %scan3A_202 : i32
      %scan3A_204 = arith.constant 1 : i32
      %scan3A_205 = scf.for %scan3A_245 = %scan3A_201 to %scan3A_203 step %scan3A_204 iter_args(%scan3A_246 = %scan3A_200) -> (i32)  : i32 {
        %get3A_247 = arith.index_cast %scan3A_245 : i32 to index
        %get3A_248 = arith.constant 0 : index
        %get3A_249 = tpu.vector_load %arg7[%get3A_247, %get3A_248] {strides = array<i32>} : memref<64x128xf32, #tpu.memory_space<vmem>>, vector<16xf32>,
        %get3A_250 = arith.index_cast %scan3A_245 : i32 to index
        %get3A_251 = arith.constant 64 : index
        %get3A_252 = tpu.vector_load %arg7[%get3A_250, %get3A_251] {strides = array<i32>} : memref<64x128xf32, #tpu.memory_space<vmem>>, vector<16xf32>,
        %mul3A_253 = arith.mulf %get3A_249, %get3A_97 : vector<16xf32>
        %add3A_254 = arith.addf %mul3A_253, %get3A_113 : vector<16xf32>
        %max3A_255 = arith.constant 0.000000e+00 : f32
        %max3A_256 = vector.broadcast %max3A_255 : f32 to vector<16xf32>
        %max3A_257 = arith.maximumf %add3A_254, %max3A_256 : vector<16xf32>
        %mul3A_258 = arith.constant 2 : i32
        %mul3A_259 = arith.muli %mul3A_258, %scan3A_245 : i32
        %swap3A = arith.index_cast %mul3A_259 : i32 to index
        %swap3A_260 = arith.constant 0 : index
        %swap3A_261 = tpu.vector_load %arg9[%swap3A, %swap3A_260] {strides = array<i32>} : memref<128x80xf32, #tpu.memory_space<vmem>>, vector<16xf32>,
        tpu.vector_store %arg9[%swap3A, %swap3A_260], %max3A_257 {strides = array<i32>} : memref<128x80xf32, #tpu.memory_space<vmem>>, vector<16xf32>,
        %mul3A_262 = arith.mulf %get3A_252, %get3A_97 : vector<16xf32>
        %add3A_263 = arith.addf %mul3A_262, %get3A_113 : vector<16xf32>
        %max3A_264 = arith.constant 0.000000e+00 : f32
        %max3A_265 = vector.broadcast %max3A_264 : f32 to vector<16xf32>
        %max3A_266 = arith.maximumf %add3A_263, %max3A_265 : vector<16xf32>
        %mul3A_267 = arith.constant 2 : i32
        %mul3A_268 = arith.muli %mul3A_267, %scan3A_245 : i32
        %add3A_269 = arith.constant 1 : i32
        %add3A_270 = arith.addi %mul3A_268, %add3A_269 : i32
        %swap3A_271 = arith.index_cast %add3A_270 : i32 to index
        %swap3A_272 = arith.constant 0 : index
        %swap3A_273 = tpu.vector_load %arg9[%swap3A_271, %swap3A_272] {strides = array<i32>} : memref<128x80xf32, #tpu.memory_space<vmem>>, vector<16xf32>,
        tpu.vector_store %arg9[%swap3A_271, %swap3A_272], %max3A_266 {strides = array<i32>} : memref<128x80xf32, #tpu.memory_space<vmem>>, vector<16xf32>,
        %get3A_274 = arith.index_cast %scan3A_245 : i32 to index
        %get3A_275 = arith.constant 16 : index
        %get3A_276 = tpu.vector_load %arg7[%get3A_274, %get3A_275] {strides = array<i32>} : memref<64x128xf32, #tpu.memory_space<vmem>>, vector<16xf32>,
        %get3A_277 = arith.index_cast %scan3A_245 : i32 to index
        %get3A_278 = arith.constant 80 : index
        %get3A_279 = tpu.vector_load %arg7[%get3A_277, %get3A_278] {strides = array<i32>} : memref<64x128xf32, #tpu.memory_space<vmem>>, vector<16xf32>,
        %mul3A_280 = arith.mulf %get3A_276, %get3A_101 : vector<16xf32>
        %add3A_281 = arith.addf %mul3A_280, %get3A_117 : vector<16xf32>
        %max3A_282 = arith.constant 0.000000e+00 : f32
        %max3A_283 = vector.broadcast %max3A_282 : f32 to vector<16xf32>
        %max3A_284 = arith.maximumf %add3A_281, %max3A_283 : vector<16xf32>
        %mul3A_285 = arith.constant 2 : i32
        %mul3A_286 = arith.muli %mul3A_285, %scan3A_245 : i32
        %swap3A_287 = arith.index_cast %mul3A_286 : i32 to index
        %swap3A_288 = arith.constant 16 : index
        %swap3A_289 = tpu.vector_load %arg9[%swap3A_287, %swap3A_288] {strides = array<i32>} : memref<128x80xf32, #tpu.memory_space<vmem>>, vector<16xf32>,
        tpu.vector_store %arg9[%swap3A_287, %swap3A_288], %max3A_284 {strides = array<i32>} : memref<128x80xf32, #tpu.memory_space<vmem>>, vector<16xf32>,
        %mul3A_290 = arith.mulf %get3A_279, %get3A_101 : vector<16xf32>
        %add3A_291 = arith.addf %mul3A_290, %get3A_117 : vector<16xf32>
        %max3A_292 = arith.constant 0.000000e+00 : f32
        %max3A_293 = vector.broadcast %max3A_292 : f32 to vector<16xf32>
        %max3A_294 = arith.maximumf %add3A_291, %max3A_293 : vector<16xf32>
        %mul3A_295 = arith.constant 2 : i32
        %mul3A_296 = arith.muli %mul3A_295, %scan3A_245 : i32
        %add3A_297 = arith.constant 1 : i32
        %add3A_298 = arith.addi %mul3A_296, %add3A_297 : i32
        %swap3A_299 = arith.index_cast %add3A_298 : i32 to index
        %swap3A_300 = arith.constant 16 : index
        %swap3A_301 = tpu.vector_load %arg9[%swap3A_299, %swap3A_300] {strides = array<i32>} : memref<128x80xf32, #tpu.memory_space<vmem>>, vector<16xf32>,
        tpu.vector_store %arg9[%swap3A_299, %swap3A_300], %max3A_294 {strides = array<i32>} : memref<128x80xf32, #tpu.memory_space<vmem>>, vector<16xf32>,
        %get3A_302 = arith.index_cast %scan3A_245 : i32 to index
        %get3A_303 = arith.constant 32 : index
        %get3A_304 = tpu.vector_load %arg7[%get3A_302, %get3A_303] {strides = array<i32>} : memref<64x128xf32, #tpu.memory_space<vmem>>, vector<16xf32>,
        %get3A_305 = arith.index_cast %scan3A_245 : i32 to index
        %get3A_306 = arith.constant 96 : index
        %get3A_307 = tpu.vector_load %arg7[%get3A_305, %get3A_306] {strides = array<i32>} : memref<64x128xf32, #tpu.memory_space<vmem>>, vector<16xf32>,
        %mul3A_308 = arith.mulf %get3A_304, %get3A_105 : vector<16xf32>
        %add3A_309 = arith.addf %mul3A_308, %get3A_121 : vector<16xf32>
        %max3A_310 = arith.constant 0.000000e+00 : f32
        %max3A_311 = vector.broadcast %max3A_310 : f32 to vector<16xf32>
        %max3A_312 = arith.maximumf %add3A_309, %max3A_311 : vector<16xf32>
        %mul3A_313 = arith.constant 2 : i32
        %mul3A_314 = arith.muli %mul3A_313, %scan3A_245 : i32
        %swap3A_315 = arith.index_cast %mul3A_314 : i32 to index
        %swap3A_316 = arith.constant 32 : index
        %swap3A_317 = tpu.vector_load %arg9[%swap3A_315, %swap3A_316] {strides = array<i32>} : memref<128x80xf32, #tpu.memory_space<vmem>>, vector<16xf32>,
        tpu.vector_store %arg9[%swap3A_315, %swap3A_316], %max3A_312 {strides = array<i32>} : memref<128x80xf32, #tpu.memory_space<vmem>>, vector<16xf32>,
        %mul3A_318 = arith.mulf %get3A_307, %get3A_105 : vector<16xf32>
        %add3A_319 = arith.addf %mul3A_318, %get3A_121 : vector<16xf32>
        %max3A_320 = arith.constant 0.000000e+00 : f32
        %max3A_321 = vector.broadcast %max3A_320 : f32 to vector<16xf32>
        %max3A_322 = arith.maximumf %add3A_319, %max3A_321 : vector<16xf32>
        %mul3A_323 = arith.constant 2 : i32
        %mul3A_324 = arith.muli %mul3A_323, %scan3A_245 : i32
        %add3A_325 = arith.constant 1 : i32
        %add3A_326 = arith.addi %mul3A_324, %add3A_325 : i32
        %swap3A_327 = arith.index_cast %add3A_326 : i32 to index
        %swap3A_328 = arith.constant 32 : index
        %swap3A_329 = tpu.vector_load %arg9[%swap3A_327, %swap3A_328] {strides = array<i32>} : memref<128x80xf32, #tpu.memory_space<vmem>>, vector<16xf32>,
        tpu.vector_store %arg9[%swap3A_327, %swap3A_328], %max3A_322 {strides = array<i32>} : memref<128x80xf32, #tpu.memory_space<vmem>>, vector<16xf32>,
        %get3A_330 = arith.index_cast %scan3A_245 : i32 to index
        %get3A_331 = arith.constant 48 : index
        %get3A_332 = tpu.vector_load %arg7[%get3A_330, %get3A_331] {strides = array<i32>} : memref<64x128xf32, #tpu.memory_space<vmem>>, vector<16xf32>,
        %get3A_333 = arith.index_cast %scan3A_245 : i32 to index
        %get3A_334 = arith.constant 112 : index
        %get3A_335 = tpu.vector_load %arg7[%get3A_333, %get3A_334] {strides = array<i32>} : memref<64x128xf32, #tpu.memory_space<vmem>>, vector<16xf32>,
        %mul3A_336 = arith.mulf %get3A_332, %get3A_109 : vector<16xf32>
        %add3A_337 = arith.addf %mul3A_336, %get3A_125 : vector<16xf32>
        %max3A_338 = arith.constant 0.000000e+00 : f32
        %max3A_339 = vector.broadcast %max3A_338 : f32 to vector<16xf32>
        %max3A_340 = arith.maximumf %add3A_337, %max3A_339 : vector<16xf32>
        %mul3A_341 = arith.constant 2 : i32
        %mul3A_342 = arith.muli %mul3A_341, %scan3A_245 : i32
        %swap3A_343 = arith.index_cast %mul3A_342 : i32 to index
        %swap3A_344 = arith.constant 48 : index
        %swap3A_345 = tpu.vector_load %arg9[%swap3A_343, %swap3A_344] {strides = array<i32>} : memref<128x80xf32, #tpu.memory_space<vmem>>, vector<16xf32>,
        tpu.vector_store %arg9[%swap3A_343, %swap3A_344], %max3A_340 {strides = array<i32>} : memref<128x80xf32, #tpu.memory_space<vmem>>, vector<16xf32>,
        %mul3A_346 = arith.mulf %get3A_335, %get3A_109 : vector<16xf32>
        %add3A_347 = arith.addf %mul3A_346, %get3A_125 : vector<16xf32>
        %max3A_348 = arith.constant 0.000000e+00 : f32
        %max3A_349 = vector.broadcast %max3A_348 : f32 to vector<16xf32>
        %max3A_350 = arith.maximumf %add3A_347, %max3A_349 : vector<16xf32>
        %mul3A_351 = arith.constant 2 : i32
        %mul3A_352 = arith.muli %mul3A_351, %scan3A_245 : i32
        %add3A_353 = arith.constant 1 : i32
        %add3A_354 = arith.addi %mul3A_352, %add3A_353 : i32
        %swap3A_355 = arith.index_cast %add3A_354 : i32 to index
        %swap3A_356 = arith.constant 48 : index
        %swap3A_357 = tpu.vector_load %arg9[%swap3A_355, %swap3A_356] {strides = array<i32>} : memref<128x80xf32, #tpu.memory_space<vmem>>, vector<16xf32>,
        tpu.vector_store %arg9[%swap3A_355, %swap3A_356], %max3A_350 {strides = array<i32>} : memref<128x80xf32, #tpu.memory_space<vmem>>, vector<16xf32>,
        %scan3A_358 = arith.constant 0 : i32
        scf.yield %scan3A_358 : i32
      }
      %scan3A_206 = arith.constant 64 : i32
      %dma_start3A_207 = arith.constant 0 : i32
      %dma_start3A_208 = tpu.memref_slice %arg6[%mul3A_182, %dma_start3A_207] : memref<40x128xi32, #tpu.memory_space<vmem>> -> memref<1x128xi32, #tpu.memory_space<vmem>>
      %dma_start3A_209 = tpu.memref_squeeze %dma_start3A_208 : memref<1x128xi32, #tpu.memory_space<vmem>> -> memref<128xi32, #tpu.memory_space<vmem>>
      %dma_start3A_210 = arith.constant 0 : i32
      %dma_start3A_211 = arith.constant 0 : i32
      %dma_start3A_212 = tpu.memref_slice %arg12[%dma_start3A_210, %dma_start3A_211] : memref<10240x80xf32, #tpu.memory_space<vmem_shared>> -> memref<10240x80xf32, #tpu.memory_space<vmem_shared>>
      tpu.enqueue_indirect_dma source(%arg9 : memref<128x80xf32, #tpu.memory_space<vmem>>) target(%dma_start3A_212 : memref<10240x80xf32, #tpu.memory_space<vmem_shared>>) offsets(%dma_start3A_209 : memref<128xi32, #tpu.memory_space<vmem>>) semaphore(%arg15 : memref<!tpu.dma_semaphore, #tpu.memory_space<semaphore_mem>>) {add = true}
      %add3A_213 = arith.constant 2 : i32
      %add3A_214 = arith.addi %mul3A_182, %add3A_213 : i32
      %lt3A = arith.cmpi slt, %add3A_214, %min3A_7 : i32
      %convert_element_type3A_215 = arith.extui %lt3A : i1 to i32
      %cond3A_216 = arith.constant 0 : i32
      %cond3A_217 = arith.cmpi ne, %convert_element_type3A_215, %cond3A_216 : i32
      scf.if %cond3A_217 {
        %add3A_245 = arith.constant 2 : i32
        %add3A_246 = arith.addi %mul3A_182, %add3A_245 : i32
        %mul3A_247 = arith.constant 64 : i32
        %mul3A_248 = arith.muli %add3A_246, %mul3A_247 : i32
        %add3A_249 = arith.addi %mul3A_2, %mul3A_248 : i32
        %dma_start3A_250 = arith.constant 0 : i32
        %dma_start3A_251 = tpu.memref_slice %arg2[%add3A_249, %dma_start3A_250] : memref<81920x128xf32, #tpu.memory_space<hbm>> -> memref<64x128xf32, #tpu.memory_space<hbm>>
        %dma_start3A_252 = arith.constant 0 : i32
        %dma_start3A_253 = tpu.memref_slice %arg2[%add3A_249, %dma_start3A_252] : memref<81920x128xf32, #tpu.memory_space<hbm>> -> memref<64x128xf32, #tpu.memory_space<hbm>>
        tpu.enqueue_dma source(%dma_start3A_253 : memref<64x128xf32, #tpu.memory_space<hbm>>) target(%arg7 : memref<64x128xf32, #tpu.memory_space<vmem>>) target_semaphore(%arg13 : memref<!tpu.dma_semaphore, #tpu.memory_space<semaphore_mem>>)
      } else {
      }
      %dma_wait3A_218 = arith.constant 0 : i32
      %dma_wait3A_219 = arith.constant 0 : i32
      %dma_wait3A_220 = tpu.memref_slice %arg2[%dma_wait3A_218, %dma_wait3A_219] : memref<81920x128xf32, #tpu.memory_space<hbm>> -> memref<64x128xf32, #tpu.memory_space<hbm>>
      %dma_wait3A_221 = arith.constant 0 : i32
      %dma_wait3A_222 = arith.constant 0 : i32
      %dma_wait3A_223 = tpu.memref_slice %arg2[%dma_wait3A_221, %dma_wait3A_222] : memref<81920x128xf32, #tpu.memory_space<hbm>> -> memref<64x128xf32, #tpu.memory_space<hbm>>
      tpu.wait_dma2 semaphore(%arg14 : memref<!tpu.dma_semaphore, #tpu.memory_space<semaphore_mem>>) src(%dma_wait3A_223 : memref<64x128xf32, #tpu.memory_space<hbm>>) dst(%arg8 : memref<64x128xf32, #tpu.memory_space<vmem>>)
      %ge3A_224 = arith.constant 1 : i32
      %ge3A_225 = arith.cmpi sge, %while3A_179, %ge3A_224 : i32
      %convert_element_type3A_226 = arith.extui %ge3A_225 : i1 to i32
      %cond3A_227 = arith.constant 0 : i32
      %cond3A_228 = arith.cmpi ne, %convert_element_type3A_226, %cond3A_227 : i32
      scf.if %cond3A_228 {
        %dma_wait3A_245 = arith.constant 0 : i32
        %dma_wait3A_246 = arith.constant 0 : i32
        %dma_wait3A_247 = tpu.memref_slice %arg12[%dma_wait3A_245, %dma_wait3A_246] : memref<10240x80xf32, #tpu.memory_space<vmem_shared>> -> memref<128x80xf32, #tpu.memory_space<vmem_shared>>
        %dma_wait3A_248 = arith.constant 0 : i32
        %dma_wait3A_249 = arith.constant 0 : i32
        %dma_wait3A_250 = tpu.memref_slice %arg12[%dma_wait3A_248, %dma_wait3A_249] : memref<10240x80xf32, #tpu.memory_space<vmem_shared>> -> memref<128x80xf32, #tpu.memory_space<vmem_shared>>
        tpu.wait_dma2 semaphore(%arg16 : memref<!tpu.dma_semaphore, #tpu.memory_space<semaphore_mem>>) src(%arg10 : memref<128x80xf32, #tpu.memory_space<vmem>>) dst(%dma_wait3A_250 : memref<128x80xf32, #tpu.memory_space<vmem_shared>>)
      } else {
      }
      %add3A_229 = arith.constant 1 : i32
      %add3A_230 = arith.addi %mul3A_182, %add3A_229 : i32
      %scan3A_231 = arith.constant 0 : i32
      %scan3A_232 = arith.constant 0 : i32
      %scan3A_233 = arith.constant 64 : i32
      %scan3A_234 = arith.addi %scan3A_232, %scan3A_233 : i32
      %scan3A_235 = arith.constant 1 : i32
      %scan3A_236 = scf.for %scan3A_245 = %scan3A_232 to %scan3A_234 step %scan3A_235 iter_args(%scan3A_246 = %scan3A_231) -> (i32)  : i32 {
        %get3A_247 = arith.index_cast %scan3A_245 : i32 to index
        %get3A_248 = arith.constant 0 : index
        %get3A_249 = tpu.vector_load %arg8[%get3A_247, %get3A_248] {strides = array<i32>} : memref<64x128xf32, #tpu.memory_space<vmem>>, vector<16xf32>,
        %get3A_250 = arith.index_cast %scan3A_245 : i32 to index
        %get3A_251 = arith.constant 64 : index
        %get3A_252 = tpu.vector_load %arg8[%get3A_250, %get3A_251] {strides = array<i32>} : memref<64x128xf32, #tpu.memory_space<vmem>>, vector<16xf32>,
        %mul3A_253 = arith.mulf %get3A_249, %get3A_97 : vector<16xf32>
        %add3A_254 = arith.addf %mul3A_253, %get3A_113 : vector<16xf32>
        %max3A_255 = arith.constant 0.000000e+00 : f32
        %max3A_256 = vector.broadcast %max3A_255 : f32 to vector<16xf32>
        %max3A_257 = arith.maximumf %add3A_254, %max3A_256 : vector<16xf32>
        %mul3A_258 = arith.constant 2 : i32
        %mul3A_259 = arith.muli %mul3A_258, %scan3A_245 : i32
        %swap3A = arith.index_cast %mul3A_259 : i32 to index
        %swap3A_260 = arith.constant 0 : index
        %swap3A_261 = tpu.vector_load %arg10[%swap3A, %swap3A_260] {strides = array<i32>} : memref<128x80xf32, #tpu.memory_space<vmem>>, vector<16xf32>,
        tpu.vector_store %arg10[%swap3A, %swap3A_260], %max3A_257 {strides = array<i32>} : memref<128x80xf32, #tpu.memory_space<vmem>>, vector<16xf32>,
        %mul3A_262 = arith.mulf %get3A_252, %get3A_97 : vector<16xf32>
        %add3A_263 = arith.addf %mul3A_262, %get3A_113 : vector<16xf32>
        %max3A_264 = arith.constant 0.000000e+00 : f32
        %max3A_265 = vector.broadcast %max3A_264 : f32 to vector<16xf32>
        %max3A_266 = arith.maximumf %add3A_263, %max3A_265 : vector<16xf32>
        %mul3A_267 = arith.constant 2 : i32
        %mul3A_268 = arith.muli %mul3A_267, %scan3A_245 : i32
        %add3A_269 = arith.constant 1 : i32
        %add3A_270 = arith.addi %mul3A_268, %add3A_269 : i32
        %swap3A_271 = arith.index_cast %add3A_270 : i32 to index
        %swap3A_272 = arith.constant 0 : index
        %swap3A_273 = tpu.vector_load %arg10[%swap3A_271, %swap3A_272] {strides = array<i32>} : memref<128x80xf32, #tpu.memory_space<vmem>>, vector<16xf32>,
        tpu.vector_store %arg10[%swap3A_271, %swap3A_272], %max3A_266 {strides = array<i32>} : memref<128x80xf32, #tpu.memory_space<vmem>>, vector<16xf32>,
        %get3A_274 = arith.index_cast %scan3A_245 : i32 to index
        %get3A_275 = arith.constant 16 : index
        %get3A_276 = tpu.vector_load %arg8[%get3A_274, %get3A_275] {strides = array<i32>} : memref<64x128xf32, #tpu.memory_space<vmem>>, vector<16xf32>,
        %get3A_277 = arith.index_cast %scan3A_245 : i32 to index
        %get3A_278 = arith.constant 80 : index
        %get3A_279 = tpu.vector_load %arg8[%get3A_277, %get3A_278] {strides = array<i32>} : memref<64x128xf32, #tpu.memory_space<vmem>>, vector<16xf32>,
        %mul3A_280 = arith.mulf %get3A_276, %get3A_101 : vector<16xf32>
        %add3A_281 = arith.addf %mul3A_280, %get3A_117 : vector<16xf32>
        %max3A_282 = arith.constant 0.000000e+00 : f32
        %max3A_283 = vector.broadcast %max3A_282 : f32 to vector<16xf32>
        %max3A_284 = arith.maximumf %add3A_281, %max3A_283 : vector<16xf32>
        %mul3A_285 = arith.constant 2 : i32
        %mul3A_286 = arith.muli %mul3A_285, %scan3A_245 : i32
        %swap3A_287 = arith.index_cast %mul3A_286 : i32 to index
        %swap3A_288 = arith.constant 16 : index
        %swap3A_289 = tpu.vector_load %arg10[%swap3A_287, %swap3A_288] {strides = array<i32>} : memref<128x80xf32, #tpu.memory_space<vmem>>, vector<16xf32>,
        tpu.vector_store %arg10[%swap3A_287, %swap3A_288], %max3A_284 {strides = array<i32>} : memref<128x80xf32, #tpu.memory_space<vmem>>, vector<16xf32>,
        %mul3A_290 = arith.mulf %get3A_279, %get3A_101 : vector<16xf32>
        %add3A_291 = arith.addf %mul3A_290, %get3A_117 : vector<16xf32>
        %max3A_292 = arith.constant 0.000000e+00 : f32
        %max3A_293 = vector.broadcast %max3A_292 : f32 to vector<16xf32>
        %max3A_294 = arith.maximumf %add3A_291, %max3A_293 : vector<16xf32>
        %mul3A_295 = arith.constant 2 : i32
        %mul3A_296 = arith.muli %mul3A_295, %scan3A_245 : i32
        %add3A_297 = arith.constant 1 : i32
        %add3A_298 = arith.addi %mul3A_296, %add3A_297 : i32
        %swap3A_299 = arith.index_cast %add3A_298 : i32 to index
        %swap3A_300 = arith.constant 16 : index
        %swap3A_301 = tpu.vector_load %arg10[%swap3A_299, %swap3A_300] {strides = array<i32>} : memref<128x80xf32, #tpu.memory_space<vmem>>, vector<16xf32>,
        tpu.vector_store %arg10[%swap3A_299, %swap3A_300], %max3A_294 {strides = array<i32>} : memref<128x80xf32, #tpu.memory_space<vmem>>, vector<16xf32>,
        %get3A_302 = arith.index_cast %scan3A_245 : i32 to index
        %get3A_303 = arith.constant 32 : index
        %get3A_304 = tpu.vector_load %arg8[%get3A_302, %get3A_303] {strides = array<i32>} : memref<64x128xf32, #tpu.memory_space<vmem>>, vector<16xf32>,
        %get3A_305 = arith.index_cast %scan3A_245 : i32 to index
        %get3A_306 = arith.constant 96 : index
        %get3A_307 = tpu.vector_load %arg8[%get3A_305, %get3A_306] {strides = array<i32>} : memref<64x128xf32, #tpu.memory_space<vmem>>, vector<16xf32>,
        %mul3A_308 = arith.mulf %get3A_304, %get3A_105 : vector<16xf32>
        %add3A_309 = arith.addf %mul3A_308, %get3A_121 : vector<16xf32>
        %max3A_310 = arith.constant 0.000000e+00 : f32
        %max3A_311 = vector.broadcast %max3A_310 : f32 to vector<16xf32>
        %max3A_312 = arith.maximumf %add3A_309, %max3A_311 : vector<16xf32>
        %mul3A_313 = arith.constant 2 : i32
        %mul3A_314 = arith.muli %mul3A_313, %scan3A_245 : i32
        %swap3A_315 = arith.index_cast %mul3A_314 : i32 to index
        %swap3A_316 = arith.constant 32 : index
        %swap3A_317 = tpu.vector_load %arg10[%swap3A_315, %swap3A_316] {strides = array<i32>} : memref<128x80xf32, #tpu.memory_space<vmem>>, vector<16xf32>,
        tpu.vector_store %arg10[%swap3A_315, %swap3A_316], %max3A_312 {strides = array<i32>} : memref<128x80xf32, #tpu.memory_space<vmem>>, vector<16xf32>,
        %mul3A_318 = arith.mulf %get3A_307, %get3A_105 : vector<16xf32>
        %add3A_319 = arith.addf %mul3A_318, %get3A_121 : vector<16xf32>
        %max3A_320 = arith.constant 0.000000e+00 : f32
        %max3A_321 = vector.broadcast %max3A_320 : f32 to vector<16xf32>
        %max3A_322 = arith.maximumf %add3A_319, %max3A_321 : vector<16xf32>
        %mul3A_323 = arith.constant 2 : i32
        %mul3A_324 = arith.muli %mul3A_323, %scan3A_245 : i32
        %add3A_325 = arith.constant 1 : i32
        %add3A_326 = arith.addi %mul3A_324, %add3A_325 : i32
        %swap3A_327 = arith.index_cast %add3A_326 : i32 to index
        %swap3A_328 = arith.constant 32 : index
        %swap3A_329 = tpu.vector_load %arg10[%swap3A_327, %swap3A_328] {strides = array<i32>} : memref<128x80xf32, #tpu.memory_space<vmem>>, vector<16xf32>,
        tpu.vector_store %arg10[%swap3A_327, %swap3A_328], %max3A_322 {strides = array<i32>} : memref<128x80xf32, #tpu.memory_space<vmem>>, vector<16xf32>,
        %get3A_330 = arith.index_cast %scan3A_245 : i32 to index
        %get3A_331 = arith.constant 48 : index
        %get3A_332 = tpu.vector_load %arg8[%get3A_330, %get3A_331] {strides = array<i32>} : memref<64x128xf32, #tpu.memory_space<vmem>>, vector<16xf32>,
        %get3A_333 = arith.index_cast %scan3A_245 : i32 to index
        %get3A_334 = arith.constant 112 : index
        %get3A_335 = tpu.vector_load %arg8[%get3A_333, %get3A_334] {strides = array<i32>} : memref<64x128xf32, #tpu.memory_space<vmem>>, vector<16xf32>,
        %mul3A_336 = arith.mulf %get3A_332, %get3A_109 : vector<16xf32>
        %add3A_337 = arith.addf %mul3A_336, %get3A_125 : vector<16xf32>
        %max3A_338 = arith.constant 0.000000e+00 : f32
        %max3A_339 = vector.broadcast %max3A_338 : f32 to vector<16xf32>
        %max3A_340 = arith.maximumf %add3A_337, %max3A_339 : vector<16xf32>
        %mul3A_341 = arith.constant 2 : i32
        %mul3A_342 = arith.muli %mul3A_341, %scan3A_245 : i32
        %swap3A_343 = arith.index_cast %mul3A_342 : i32 to index
        %swap3A_344 = arith.constant 48 : index
        %swap3A_345 = tpu.vector_load %arg10[%swap3A_343, %swap3A_344] {strides = array<i32>} : memref<128x80xf32, #tpu.memory_space<vmem>>, vector<16xf32>,
        tpu.vector_store %arg10[%swap3A_343, %swap3A_344], %max3A_340 {strides = array<i32>} : memref<128x80xf32, #tpu.memory_space<vmem>>, vector<16xf32>,
        %mul3A_346 = arith.mulf %get3A_335, %get3A_109 : vector<16xf32>
        %add3A_347 = arith.addf %mul3A_346, %get3A_125 : vector<16xf32>
        %max3A_348 = arith.constant 0.000000e+00 : f32
        %max3A_349 = vector.broadcast %max3A_348 : f32 to vector<16xf32>
        %max3A_350 = arith.maximumf %add3A_347, %max3A_349 : vector<16xf32>
        %mul3A_351 = arith.constant 2 : i32
        %mul3A_352 = arith.muli %mul3A_351, %scan3A_245 : i32
        %add3A_353 = arith.constant 1 : i32
        %add3A_354 = arith.addi %mul3A_352, %add3A_353 : i32
        %swap3A_355 = arith.index_cast %add3A_354 : i32 to index
        %swap3A_356 = arith.constant 48 : index
        %swap3A_357 = tpu.vector_load %arg10[%swap3A_355, %swap3A_356] {strides = array<i32>} : memref<128x80xf32, #tpu.memory_space<vmem>>, vector<16xf32>,
        tpu.vector_store %arg10[%swap3A_355, %swap3A_356], %max3A_350 {strides = array<i32>} : memref<128x80xf32, #tpu.memory_space<vmem>>, vector<16xf32>,
        %scan3A_358 = arith.constant 0 : i32
        scf.yield %scan3A_358 : i32
      }
      %scan3A_237 = arith.constant 64 : i32
      %dma_start3A_238 = arith.constant 0 : i32
      %dma_start3A_239 = tpu.memref_slice %arg6[%add3A_230, %dma_start3A_238] : memref<40x128xi32, #tpu.memory_space<vmem>> -> memref<1x128xi32, #tpu.memory_space<vmem>>
      %dma_start3A_240 = tpu.memref_squeeze %dma_start3A_239 : memref<1x128xi32, #tpu.memory_space<vmem>> -> memref<128xi32, #tpu.memory_space<vmem>>
      %dma_start3A_241 = arith.constant 0 : i32
      %dma_start3A_242 = arith.constant 0 : i32
      %dma_start3A_243 = tpu.memref_slice %arg12[%dma_start3A_241, %dma_start3A_242] : memref<10240x80xf32, #tpu.memory_space<vmem_shared>> -> memref<10240x80xf32, #tpu.memory_space<vmem_shared>>
      tpu.enqueue_indirect_dma source(%arg10 : memref<128x80xf32, #tpu.memory_space<vmem>>) target(%dma_start3A_243 : memref<10240x80xf32, #tpu.memory_space<vmem_shared>>) offsets(%dma_start3A_240 : memref<128xi32, #tpu.memory_space<vmem>>) semaphore(%arg16 : memref<!tpu.dma_semaphore, #tpu.memory_space<semaphore_mem>>) {add = true}
      %while3A_244 = arith.constant 0 : i32
      scf.yield %while3A_244 : i32
    }
    %while3A_160 = arith.constant 1 : i32
    %while3A_161 = scf.for %while3A_179 = %while3A_157 to %while3A_153 step %while3A_160 iter_args(%while3A_180 = %while3A_159) -> (i32)  : i32 {
      %mul3A_181 = arith.constant 2 : i32
      %mul3A_182 = arith.muli %mul3A_181, %while3A_179 : i32
      %add3A_183 = arith.constant 1 : i32
      %add3A_184 = arith.addi %mul3A_182, %add3A_183 : i32
      %mul3A_185 = arith.constant 64 : i32
      %mul3A_186 = arith.muli %add3A_184, %mul3A_185 : i32
      %add3A_187 = arith.addi %mul3A_2, %mul3A_186 : i32
      %dma_start3A_188 = arith.constant 0 : i32
      %dma_start3A_189 = tpu.memref_slice %arg2[%add3A_187, %dma_start3A_188] : memref<81920x128xf32, #tpu.memory_space<hbm>> -> memref<64x128xf32, #tpu.memory_space<hbm>>
      %dma_start3A_190 = arith.constant 0 : i32
      %dma_start3A_191 = tpu.memref_slice %arg2[%add3A_187, %dma_start3A_190] : memref<81920x128xf32, #tpu.memory_space<hbm>> -> memref<64x128xf32, #tpu.memory_space<hbm>>
      tpu.enqueue_dma source(%dma_start3A_191 : memref<64x128xf32, #tpu.memory_space<hbm>>) target(%arg8 : memref<64x128xf32, #tpu.memory_space<vmem>>) target_semaphore(%arg14 : memref<!tpu.dma_semaphore, #tpu.memory_space<semaphore_mem>>)
      %dma_wait3A_192 = arith.constant 0 : i32
      %dma_wait3A_193 = arith.constant 0 : i32
      %dma_wait3A_194 = tpu.memref_slice %arg2[%dma_wait3A_192, %dma_wait3A_193] : memref<81920x128xf32, #tpu.memory_space<hbm>> -> memref<64x128xf32, #tpu.memory_space<hbm>>
      %dma_wait3A_195 = arith.constant 0 : i32
      %dma_wait3A_196 = arith.constant 0 : i32
      %dma_wait3A_197 = tpu.memref_slice %arg2[%dma_wait3A_195, %dma_wait3A_196] : memref<81920x128xf32, #tpu.memory_space<hbm>> -> memref<64x128xf32, #tpu.memory_space<hbm>>
      tpu.wait_dma2 semaphore(%arg13 : memref<!tpu.dma_semaphore, #tpu.memory_space<semaphore_mem>>) src(%dma_wait3A_197 : memref<64x128xf32, #tpu.memory_space<hbm>>) dst(%arg7 : memref<64x128xf32, #tpu.memory_space<vmem>>)
      %ge3A = arith.constant 1 : i32
      %ge3A_198 = arith.cmpi sge, %while3A_179, %ge3A : i32
      %convert_element_type3A = arith.extui %ge3A_198 : i1 to i32
      %cond3A = arith.constant 0 : i32
      %cond3A_199 = arith.cmpi ne, %convert_element_type3A, %cond3A : i32
      scf.if %cond3A_199 {
        %dma_wait3A_245 = arith.constant 0 : i32
        %dma_wait3A_246 = arith.constant 0 : i32
        %dma_wait3A_247 = tpu.memref_slice %arg12[%dma_wait3A_245, %dma_wait3A_246] : memref<10240x80xf32, #tpu.memory_space<vmem_shared>> -> memref<128x80xf32, #tpu.memory_space<vmem_shared>>
        %dma_wait3A_248 = arith.constant 0 : i32
        %dma_wait3A_249 = arith.constant 0 : i32
        %dma_wait3A_250 = tpu.memref_slice %arg12[%dma_wait3A_248, %dma_wait3A_249] : memref<10240x80xf32, #tpu.memory_space<vmem_shared>> -> memref<128x80xf32, #tpu.memory_space<vmem_shared>>
        tpu.wait_dma2 semaphore(%arg15 : memref<!tpu.dma_semaphore, #tpu.memory_space<semaphore_mem>>) src(%arg9 : memref<128x80xf32, #tpu.memory_space<vmem>>) dst(%dma_wait3A_250 : memref<128x80xf32, #tpu.memory_space<vmem_shared>>)
      } else {
      }
      %scan3A_200 = arith.constant 0 : i32
      %scan3A_201 = arith.constant 0 : i32
      %scan3A_202 = arith.constant 64 : i32
      %scan3A_203 = arith.addi %scan3A_201, %scan3A_202 : i32
      %scan3A_204 = arith.constant 1 : i32
      %scan3A_205 = scf.for %scan3A_245 = %scan3A_201 to %scan3A_203 step %scan3A_204 iter_args(%scan3A_246 = %scan3A_200) -> (i32)  : i32 {
        %get3A_247 = arith.index_cast %scan3A_245 : i32 to index
        %get3A_248 = arith.constant 0 : index
        %get3A_249 = tpu.vector_load %arg7[%get3A_247, %get3A_248] {strides = array<i32>} : memref<64x128xf32, #tpu.memory_space<vmem>>, vector<16xf32>,
        %get3A_250 = arith.index_cast %scan3A_245 : i32 to index
        %get3A_251 = arith.constant 64 : index
        %get3A_252 = tpu.vector_load %arg7[%get3A_250, %get3A_251] {strides = array<i32>} : memref<64x128xf32, #tpu.memory_space<vmem>>, vector<16xf32>,
        %mul3A_253 = arith.mulf %get3A_249, %get3A_97 : vector<16xf32>
        %add3A_254 = arith.addf %mul3A_253, %get3A_113 : vector<16xf32>
        %max3A_255 = arith.constant 0.000000e+00 : f32
        %max3A_256 = vector.broadcast %max3A_255 : f32 to vector<16xf32>
        %max3A_257 = arith.maximumf %add3A_254, %max3A_256 : vector<16xf32>
        %mul3A_258 = arith.constant 2 : i32
        %mul3A_259 = arith.muli %mul3A_258, %scan3A_245 : i32
        %swap3A = arith.index_cast %mul3A_259 : i32 to index
        %swap3A_260 = arith.constant 0 : index
        %swap3A_261 = tpu.vector_load %arg9[%swap3A, %swap3A_260] {strides = array<i32>} : memref<128x80xf32, #tpu.memory_space<vmem>>, vector<16xf32>,
        tpu.vector_store %arg9[%swap3A, %swap3A_260], %max3A_257 {strides = array<i32>} : memref<128x80xf32, #tpu.memory_space<vmem>>, vector<16xf32>,
        %mul3A_262 = arith.mulf %get3A_252, %get3A_97 : vector<16xf32>
        %add3A_263 = arith.addf %mul3A_262, %get3A_113 : vector<16xf32>
        %max3A_264 = arith.constant 0.000000e+00 : f32
        %max3A_265 = vector.broadcast %max3A_264 : f32 to vector<16xf32>
        %max3A_266 = arith.maximumf %add3A_263, %max3A_265 : vector<16xf32>
        %mul3A_267 = arith.constant 2 : i32
        %mul3A_268 = arith.muli %mul3A_267, %scan3A_245 : i32
        %add3A_269 = arith.constant 1 : i32
        %add3A_270 = arith.addi %mul3A_268, %add3A_269 : i32
        %swap3A_271 = arith.index_cast %add3A_270 : i32 to index
        %swap3A_272 = arith.constant 0 : index
        %swap3A_273 = tpu.vector_load %arg9[%swap3A_271, %swap3A_272] {strides = array<i32>} : memref<128x80xf32, #tpu.memory_space<vmem>>, vector<16xf32>,
        tpu.vector_store %arg9[%swap3A_271, %swap3A_272], %max3A_266 {strides = array<i32>} : memref<128x80xf32, #tpu.memory_space<vmem>>, vector<16xf32>,
        %get3A_274 = arith.index_cast %scan3A_245 : i32 to index
        %get3A_275 = arith.constant 16 : index
        %get3A_276 = tpu.vector_load %arg7[%get3A_274, %get3A_275] {strides = array<i32>} : memref<64x128xf32, #tpu.memory_space<vmem>>, vector<16xf32>,
        %get3A_277 = arith.index_cast %scan3A_245 : i32 to index
        %get3A_278 = arith.constant 80 : index
        %get3A_279 = tpu.vector_load %arg7[%get3A_277, %get3A_278] {strides = array<i32>} : memref<64x128xf32, #tpu.memory_space<vmem>>, vector<16xf32>,
        %mul3A_280 = arith.mulf %get3A_276, %get3A_101 : vector<16xf32>
        %add3A_281 = arith.addf %mul3A_280, %get3A_117 : vector<16xf32>
        %max3A_282 = arith.constant 0.000000e+00 : f32
        %max3A_283 = vector.broadcast %max3A_282 : f32 to vector<16xf32>
        %max3A_284 = arith.maximumf %add3A_281, %max3A_283 : vector<16xf32>
        %mul3A_285 = arith.constant 2 : i32
        %mul3A_286 = arith.muli %mul3A_285, %scan3A_245 : i32
        %swap3A_287 = arith.index_cast %mul3A_286 : i32 to index
        %swap3A_288 = arith.constant 16 : index
        %swap3A_289 = tpu.vector_load %arg9[%swap3A_287, %swap3A_288] {strides = array<i32>} : memref<128x80xf32, #tpu.memory_space<vmem>>, vector<16xf32>,
        tpu.vector_store %arg9[%swap3A_287, %swap3A_288], %max3A_284 {strides = array<i32>} : memref<128x80xf32, #tpu.memory_space<vmem>>, vector<16xf32>,
        %mul3A_290 = arith.mulf %get3A_279, %get3A_101 : vector<16xf32>
        %add3A_291 = arith.addf %mul3A_290, %get3A_117 : vector<16xf32>
        %max3A_292 = arith.constant 0.000000e+00 : f32
        %max3A_293 = vector.broadcast %max3A_292 : f32 to vector<16xf32>
        %max3A_294 = arith.maximumf %add3A_291, %max3A_293 : vector<16xf32>
        %mul3A_295 = arith.constant 2 : i32
        %mul3A_296 = arith.muli %mul3A_295, %scan3A_245 : i32
        %add3A_297 = arith.constant 1 : i32
        %add3A_298 = arith.addi %mul3A_296, %add3A_297 : i32
        %swap3A_299 = arith.index_cast %add3A_298 : i32 to index
        %swap3A_300 = arith.constant 16 : index
        %swap3A_301 = tpu.vector_load %arg9[%swap3A_299, %swap3A_300] {strides = array<i32>} : memref<128x80xf32, #tpu.memory_space<vmem>>, vector<16xf32>,
        tpu.vector_store %arg9[%swap3A_299, %swap3A_300], %max3A_294 {strides = array<i32>} : memref<128x80xf32, #tpu.memory_space<vmem>>, vector<16xf32>,
        %get3A_302 = arith.index_cast %scan3A_245 : i32 to index
        %get3A_303 = arith.constant 32 : index
        %get3A_304 = tpu.vector_load %arg7[%get3A_302, %get3A_303] {strides = array<i32>} : memref<64x128xf32, #tpu.memory_space<vmem>>, vector<16xf32>,
        %get3A_305 = arith.index_cast %scan3A_245 : i32 to index
        %get3A_306 = arith.constant 96 : index
        %get3A_307 = tpu.vector_load %arg7[%get3A_305, %get3A_306] {strides = array<i32>} : memref<64x128xf32, #tpu.memory_space<vmem>>, vector<16xf32>,
        %mul3A_308 = arith.mulf %get3A_304, %get3A_105 : vector<16xf32>
        %add3A_309 = arith.addf %mul3A_308, %get3A_121 : vector<16xf32>
        %max3A_310 = arith.constant 0.000000e+00 : f32
        %max3A_311 = vector.broadcast %max3A_310 : f32 to vector<16xf32>
        %max3A_312 = arith.maximumf %add3A_309, %max3A_311 : vector<16xf32>
        %mul3A_313 = arith.constant 2 : i32
        %mul3A_314 = arith.muli %mul3A_313, %scan3A_245 : i32
        %swap3A_315 = arith.index_cast %mul3A_314 : i32 to index
        %swap3A_316 = arith.constant 32 : index
        %swap3A_317 = tpu.vector_load %arg9[%swap3A_315, %swap3A_316] {strides = array<i32>} : memref<128x80xf32, #tpu.memory_space<vmem>>, vector<16xf32>,
        tpu.vector_store %arg9[%swap3A_315, %swap3A_316], %max3A_312 {strides = array<i32>} : memref<128x80xf32, #tpu.memory_space<vmem>>, vector<16xf32>,
        %mul3A_318 = arith.mulf %get3A_307, %get3A_105 : vector<16xf32>
        %add3A_319 = arith.addf %mul3A_318, %get3A_121 : vector<16xf32>
        %max3A_320 = arith.constant 0.000000e+00 : f32
        %max3A_321 = vector.broadcast %max3A_320 : f32 to vector<16xf32>
        %max3A_322 = arith.maximumf %add3A_319, %max3A_321 : vector<16xf32>
        %mul3A_323 = arith.constant 2 : i32
        %mul3A_324 = arith.muli %mul3A_323, %scan3A_245 : i32
        %add3A_325 = arith.constant 1 : i32
        %add3A_326 = arith.addi %mul3A_324, %add3A_325 : i32
        %swap3A_327 = arith.index_cast %add3A_326 : i32 to index
        %swap3A_328 = arith.constant 32 : index
        %swap3A_329 = tpu.vector_load %arg9[%swap3A_327, %swap3A_328] {strides = array<i32>} : memref<128x80xf32, #tpu.memory_space<vmem>>, vector<16xf32>,
        tpu.vector_store %arg9[%swap3A_327, %swap3A_328], %max3A_322 {strides = array<i32>} : memref<128x80xf32, #tpu.memory_space<vmem>>, vector<16xf32>,
        %get3A_330 = arith.index_cast %scan3A_245 : i32 to index
        %get3A_331 = arith.constant 48 : index
        %get3A_332 = tpu.vector_load %arg7[%get3A_330, %get3A_331] {strides = array<i32>} : memref<64x128xf32, #tpu.memory_space<vmem>>, vector<16xf32>,
        %get3A_333 = arith.index_cast %scan3A_245 : i32 to index
        %get3A_334 = arith.constant 112 : index
        %get3A_335 = tpu.vector_load %arg7[%get3A_333, %get3A_334] {strides = array<i32>} : memref<64x128xf32, #tpu.memory_space<vmem>>, vector<16xf32>,
        %mul3A_336 = arith.mulf %get3A_332, %get3A_109 : vector<16xf32>
        %add3A_337 = arith.addf %mul3A_336, %get3A_125 : vector<16xf32>
        %max3A_338 = arith.constant 0.000000e+00 : f32
        %max3A_339 = vector.broadcast %max3A_338 : f32 to vector<16xf32>
        %max3A_340 = arith.maximumf %add3A_337, %max3A_339 : vector<16xf32>
        %mul3A_341 = arith.constant 2 : i32
        %mul3A_342 = arith.muli %mul3A_341, %scan3A_245 : i32
        %swap3A_343 = arith.index_cast %mul3A_342 : i32 to index
        %swap3A_344 = arith.constant 48 : index
        %swap3A_345 = tpu.vector_load %arg9[%swap3A_343, %swap3A_344] {strides = array<i32>} : memref<128x80xf32, #tpu.memory_space<vmem>>, vector<16xf32>,
        tpu.vector_store %arg9[%swap3A_343, %swap3A_344], %max3A_340 {strides = array<i32>} : memref<128x80xf32, #tpu.memory_space<vmem>>, vector<16xf32>,
        %mul3A_346 = arith.mulf %get3A_335, %get3A_109 : vector<16xf32>
        %add3A_347 = arith.addf %mul3A_346, %get3A_125 : vector<16xf32>
        %max3A_348 = arith.constant 0.000000e+00 : f32
        %max3A_349 = vector.broadcast %max3A_348 : f32 to vector<16xf32>
        %max3A_350 = arith.maximumf %add3A_347, %max3A_349 : vector<16xf32>
        %mul3A_351 = arith.constant 2 : i32
        %mul3A_352 = arith.muli %mul3A_351, %scan3A_245 : i32
        %add3A_353 = arith.constant 1 : i32
        %add3A_354 = arith.addi %mul3A_352, %add3A_353 : i32
        %swap3A_355 = arith.index_cast %add3A_354 : i32 to index
        %swap3A_356 = arith.constant 48 : index
        %swap3A_357 = tpu.vector_load %arg9[%swap3A_355, %swap3A_356] {strides = array<i32>} : memref<128x80xf32, #tpu.memory_space<vmem>>, vector<16xf32>,
        tpu.vector_store %arg9[%swap3A_355, %swap3A_356], %max3A_350 {strides = array<i32>} : memref<128x80xf32, #tpu.memory_space<vmem>>, vector<16xf32>,
        %scan3A_358 = arith.constant 0 : i32
        scf.yield %scan3A_358 : i32
      }
      %scan3A_206 = arith.constant 64 : i32
      %dma_start3A_207 = arith.constant 0 : i32
      %dma_start3A_208 = tpu.memref_slice %arg6[%mul3A_182, %dma_start3A_207] : memref<40x128xi32, #tpu.memory_space<vmem>> -> memref<1x128xi32, #tpu.memory_space<vmem>>
      %dma_start3A_209 = tpu.memref_squeeze %dma_start3A_208 : memref<1x128xi32, #tpu.memory_space<vmem>> -> memref<128xi32, #tpu.memory_space<vmem>>
      %dma_start3A_210 = arith.constant 0 : i32
      %dma_start3A_211 = arith.constant 0 : i32
      %dma_start3A_212 = tpu.memref_slice %arg12[%dma_start3A_210, %dma_start3A_211] : memref<10240x80xf32, #tpu.memory_space<vmem_shared>> -> memref<10240x80xf32, #tpu.memory_space<vmem_shared>>
      tpu.enqueue_indirect_dma source(%arg9 : memref<128x80xf32, #tpu.memory_space<vmem>>) target(%dma_start3A_212 : memref<10240x80xf32, #tpu.memory_space<vmem_shared>>) offsets(%dma_start3A_209 : memref<128xi32, #tpu.memory_space<vmem>>) semaphore(%arg15 : memref<!tpu.dma_semaphore, #tpu.memory_space<semaphore_mem>>) {add = true}
      %add3A_213 = arith.constant 2 : i32
      %add3A_214 = arith.addi %mul3A_182, %add3A_213 : i32
      %lt3A = arith.cmpi slt, %add3A_214, %min3A_7 : i32
      %convert_element_type3A_215 = arith.extui %lt3A : i1 to i32
      %cond3A_216 = arith.constant 0 : i32
      %cond3A_217 = arith.cmpi ne, %convert_element_type3A_215, %cond3A_216 : i32
      scf.if %cond3A_217 {
        %add3A_245 = arith.constant 2 : i32
        %add3A_246 = arith.addi %mul3A_182, %add3A_245 : i32
        %mul3A_247 = arith.constant 64 : i32
        %mul3A_248 = arith.muli %add3A_246, %mul3A_247 : i32
        %add3A_249 = arith.addi %mul3A_2, %mul3A_248 : i32
        %dma_start3A_250 = arith.constant 0 : i32
        %dma_start3A_251 = tpu.memref_slice %arg2[%add3A_249, %dma_start3A_250] : memref<81920x128xf32, #tpu.memory_space<hbm>> -> memref<64x128xf32, #tpu.memory_space<hbm>>
        %dma_start3A_252 = arith.constant 0 : i32
        %dma_start3A_253 = tpu.memref_slice %arg2[%add3A_249, %dma_start3A_252] : memref<81920x128xf32, #tpu.memory_space<hbm>> -> memref<64x128xf32, #tpu.memory_space<hbm>>
        tpu.enqueue_dma source(%dma_start3A_253 : memref<64x128xf32, #tpu.memory_space<hbm>>) target(%arg7 : memref<64x128xf32, #tpu.memory_space<vmem>>) target_semaphore(%arg13 : memref<!tpu.dma_semaphore, #tpu.memory_space<semaphore_mem>>)
      } else {
      }
      %dma_wait3A_218 = arith.constant 0 : i32
      %dma_wait3A_219 = arith.constant 0 : i32
      %dma_wait3A_220 = tpu.memref_slice %arg2[%dma_wait3A_218, %dma_wait3A_219] : memref<81920x128xf32, #tpu.memory_space<hbm>> -> memref<64x128xf32, #tpu.memory_space<hbm>>
      %dma_wait3A_221 = arith.constant 0 : i32
      %dma_wait3A_222 = arith.constant 0 : i32
      %dma_wait3A_223 = tpu.memref_slice %arg2[%dma_wait3A_221, %dma_wait3A_222] : memref<81920x128xf32, #tpu.memory_space<hbm>> -> memref<64x128xf32, #tpu.memory_space<hbm>>
      tpu.wait_dma2 semaphore(%arg14 : memref<!tpu.dma_semaphore, #tpu.memory_space<semaphore_mem>>) src(%dma_wait3A_223 : memref<64x128xf32, #tpu.memory_space<hbm>>) dst(%arg8 : memref<64x128xf32, #tpu.memory_space<vmem>>)
      %ge3A_224 = arith.constant 1 : i32
      %ge3A_225 = arith.cmpi sge, %while3A_179, %ge3A_224 : i32
      %convert_element_type3A_226 = arith.extui %ge3A_225 : i1 to i32
      %cond3A_227 = arith.constant 0 : i32
      %cond3A_228 = arith.cmpi ne, %convert_element_type3A_226, %cond3A_227 : i32
      scf.if %cond3A_228 {
        %dma_wait3A_245 = arith.constant 0 : i32
        %dma_wait3A_246 = arith.constant 0 : i32
        %dma_wait3A_247 = tpu.memref_slice %arg12[%dma_wait3A_245, %dma_wait3A_246] : memref<10240x80xf32, #tpu.memory_space<vmem_shared>> -> memref<128x80xf32, #tpu.memory_space<vmem_shared>>
        %dma_wait3A_248 = arith.constant 0 : i32
        %dma_wait3A_249 = arith.constant 0 : i32
        %dma_wait3A_250 = tpu.memref_slice %arg12[%dma_wait3A_248, %dma_wait3A_249] : memref<10240x80xf32, #tpu.memory_space<vmem_shared>> -> memref<128x80xf32, #tpu.memory_space<vmem_shared>>
        tpu.wait_dma2 semaphore(%arg16 : memref<!tpu.dma_semaphore, #tpu.memory_space<semaphore_mem>>) src(%arg10 : memref<128x80xf32, #tpu.memory_space<vmem>>) dst(%dma_wait3A_250 : memref<128x80xf32, #tpu.memory_space<vmem_shared>>)
      } else {
      }
      %add3A_229 = arith.constant 1 : i32
      %add3A_230 = arith.addi %mul3A_182, %add3A_229 : i32
      %scan3A_231 = arith.constant 0 : i32
      %scan3A_232 = arith.constant 0 : i32
      %scan3A_233 = arith.constant 64 : i32
      %scan3A_234 = arith.addi %scan3A_232, %scan3A_233 : i32
      %scan3A_235 = arith.constant 1 : i32
      %scan3A_236 = scf.for %scan3A_245 = %scan3A_232 to %scan3A_234 step %scan3A_235 iter_args(%scan3A_246 = %scan3A_231) -> (i32)  : i32 {
        %get3A_247 = arith.index_cast %scan3A_245 : i32 to index
        %get3A_248 = arith.constant 0 : index
        %get3A_249 = tpu.vector_load %arg8[%get3A_247, %get3A_248] {strides = array<i32>} : memref<64x128xf32, #tpu.memory_space<vmem>>, vector<16xf32>,
        %get3A_250 = arith.index_cast %scan3A_245 : i32 to index
        %get3A_251 = arith.constant 64 : index
        %get3A_252 = tpu.vector_load %arg8[%get3A_250, %get3A_251] {strides = array<i32>} : memref<64x128xf32, #tpu.memory_space<vmem>>, vector<16xf32>,
        %mul3A_253 = arith.mulf %get3A_249, %get3A_97 : vector<16xf32>
        %add3A_254 = arith.addf %mul3A_253, %get3A_113 : vector<16xf32>
        %max3A_255 = arith.constant 0.000000e+00 : f32
        %max3A_256 = vector.broadcast %max3A_255 : f32 to vector<16xf32>
        %max3A_257 = arith.maximumf %add3A_254, %max3A_256 : vector<16xf32>
        %mul3A_258 = arith.constant 2 : i32
        %mul3A_259 = arith.muli %mul3A_258, %scan3A_245 : i32
        %swap3A = arith.index_cast %mul3A_259 : i32 to index
        %swap3A_260 = arith.constant 0 : index
        %swap3A_261 = tpu.vector_load %arg10[%swap3A, %swap3A_260] {strides = array<i32>} : memref<128x80xf32, #tpu.memory_space<vmem>>, vector<16xf32>,
        tpu.vector_store %arg10[%swap3A, %swap3A_260], %max3A_257 {strides = array<i32>} : memref<128x80xf32, #tpu.memory_space<vmem>>, vector<16xf32>,
        %mul3A_262 = arith.mulf %get3A_252, %get3A_97 : vector<16xf32>
        %add3A_263 = arith.addf %mul3A_262, %get3A_113 : vector<16xf32>
        %max3A_264 = arith.constant 0.000000e+00 : f32
        %max3A_265 = vector.broadcast %max3A_264 : f32 to vector<16xf32>
        %max3A_266 = arith.maximumf %add3A_263, %max3A_265 : vector<16xf32>
        %mul3A_267 = arith.constant 2 : i32
        %mul3A_268 = arith.muli %mul3A_267, %scan3A_245 : i32
        %add3A_269 = arith.constant 1 : i32
        %add3A_270 = arith.addi %mul3A_268, %add3A_269 : i32
        %swap3A_271 = arith.index_cast %add3A_270 : i32 to index
        %swap3A_272 = arith.constant 0 : index
        %swap3A_273 = tpu.vector_load %arg10[%swap3A_271, %swap3A_272] {strides = array<i32>} : memref<128x80xf32, #tpu.memory_space<vmem>>, vector<16xf32>,
        tpu.vector_store %arg10[%swap3A_271, %swap3A_272], %max3A_266 {strides = array<i32>} : memref<128x80xf32, #tpu.memory_space<vmem>>, vector<16xf32>,
        %get3A_274 = arith.index_cast %scan3A_245 : i32 to index
        %get3A_275 = arith.constant 16 : index
        %get3A_276 = tpu.vector_load %arg8[%get3A_274, %get3A_275] {strides = array<i32>} : memref<64x128xf32, #tpu.memory_space<vmem>>, vector<16xf32>,
        %get3A_277 = arith.index_cast %scan3A_245 : i32 to index
        %get3A_278 = arith.constant 80 : index
        %get3A_279 = tpu.vector_load %arg8[%get3A_277, %get3A_278] {strides = array<i32>} : memref<64x128xf32, #tpu.memory_space<vmem>>, vector<16xf32>,
        %mul3A_280 = arith.mulf %get3A_276, %get3A_101 : vector<16xf32>
        %add3A_281 = arith.addf %mul3A_280, %get3A_117 : vector<16xf32>
        %max3A_282 = arith.constant 0.000000e+00 : f32
        %max3A_283 = vector.broadcast %max3A_282 : f32 to vector<16xf32>
        %max3A_284 = arith.maximumf %add3A_281, %max3A_283 : vector<16xf32>
        %mul3A_285 = arith.constant 2 : i32
        %mul3A_286 = arith.muli %mul3A_285, %scan3A_245 : i32
        %swap3A_287 = arith.index_cast %mul3A_286 : i32 to index
        %swap3A_288 = arith.constant 16 : index
        %swap3A_289 = tpu.vector_load %arg10[%swap3A_287, %swap3A_288] {strides = array<i32>} : memref<128x80xf32, #tpu.memory_space<vmem>>, vector<16xf32>,
        tpu.vector_store %arg10[%swap3A_287, %swap3A_288], %max3A_284 {strides = array<i32>} : memref<128x80xf32, #tpu.memory_space<vmem>>, vector<16xf32>,
        %mul3A_290 = arith.mulf %get3A_279, %get3A_101 : vector<16xf32>
        %add3A_291 = arith.addf %mul3A_290, %get3A_117 : vector<16xf32>
        %max3A_292 = arith.constant 0.000000e+00 : f32
        %max3A_293 = vector.broadcast %max3A_292 : f32 to vector<16xf32>
        %max3A_294 = arith.maximumf %add3A_291, %max3A_293 : vector<16xf32>
        %mul3A_295 = arith.constant 2 : i32
        %mul3A_296 = arith.muli %mul3A_295, %scan3A_245 : i32
        %add3A_297 = arith.constant 1 : i32
        %add3A_298 = arith.addi %mul3A_296, %add3A_297 : i32
        %swap3A_299 = arith.index_cast %add3A_298 : i32 to index
        %swap3A_300 = arith.constant 16 : index
        %swap3A_301 = tpu.vector_load %arg10[%swap3A_299, %swap3A_300] {strides = array<i32>} : memref<128x80xf32, #tpu.memory_space<vmem>>, vector<16xf32>,
        tpu.vector_store %arg10[%swap3A_299, %swap3A_300], %max3A_294 {strides = array<i32>} : memref<128x80xf32, #tpu.memory_space<vmem>>, vector<16xf32>,
        %get3A_302 = arith.index_cast %scan3A_245 : i32 to index
        %get3A_303 = arith.constant 32 : index
        %get3A_304 = tpu.vector_load %arg8[%get3A_302, %get3A_303] {strides = array<i32>} : memref<64x128xf32, #tpu.memory_space<vmem>>, vector<16xf32>,
        %get3A_305 = arith.index_cast %scan3A_245 : i32 to index
        %get3A_306 = arith.constant 96 : index
        %get3A_307 = tpu.vector_load %arg8[%get3A_305, %get3A_306] {strides = array<i32>} : memref<64x128xf32, #tpu.memory_space<vmem>>, vector<16xf32>,
        %mul3A_308 = arith.mulf %get3A_304, %get3A_105 : vector<16xf32>
        %add3A_309 = arith.addf %mul3A_308, %get3A_121 : vector<16xf32>
        %max3A_310 = arith.constant 0.000000e+00 : f32
        %max3A_311 = vector.broadcast %max3A_310 : f32 to vector<16xf32>
        %max3A_312 = arith.maximumf %add3A_309, %max3A_311 : vector<16xf32>
        %mul3A_313 = arith.constant 2 : i32
        %mul3A_314 = arith.muli %mul3A_313, %scan3A_245 : i32
        %swap3A_315 = arith.index_cast %mul3A_314 : i32 to index
        %swap3A_316 = arith.constant 32 : index
        %swap3A_317 = tpu.vector_load %arg10[%swap3A_315, %swap3A_316] {strides = array<i32>} : memref<128x80xf32, #tpu.memory_space<vmem>>, vector<16xf32>,
        tpu.vector_store %arg10[%swap3A_315, %swap3A_316], %max3A_312 {strides = array<i32>} : memref<128x80xf32, #tpu.memory_space<vmem>>, vector<16xf32>,
        %mul3A_318 = arith.mulf %get3A_307, %get3A_105 : vector<16xf32>
        %add3A_319 = arith.addf %mul3A_318, %get3A_121 : vector<16xf32>
        %max3A_320 = arith.constant 0.000000e+00 : f32
        %max3A_321 = vector.broadcast %max3A_320 : f32 to vector<16xf32>
        %max3A_322 = arith.maximumf %add3A_319, %max3A_321 : vector<16xf32>
        %mul3A_323 = arith.constant 2 : i32
        %mul3A_324 = arith.muli %mul3A_323, %scan3A_245 : i32
        %add3A_325 = arith.constant 1 : i32
        %add3A_326 = arith.addi %mul3A_324, %add3A_325 : i32
        %swap3A_327 = arith.index_cast %add3A_326 : i32 to index
        %swap3A_328 = arith.constant 32 : index
        %swap3A_329 = tpu.vector_load %arg10[%swap3A_327, %swap3A_328] {strides = array<i32>} : memref<128x80xf32, #tpu.memory_space<vmem>>, vector<16xf32>,
        tpu.vector_store %arg10[%swap3A_327, %swap3A_328], %max3A_322 {strides = array<i32>} : memref<128x80xf32, #tpu.memory_space<vmem>>, vector<16xf32>,
        %get3A_330 = arith.index_cast %scan3A_245 : i32 to index
        %get3A_331 = arith.constant 48 : index
        %get3A_332 = tpu.vector_load %arg8[%get3A_330, %get3A_331] {strides = array<i32>} : memref<64x128xf32, #tpu.memory_space<vmem>>, vector<16xf32>,
        %get3A_333 = arith.index_cast %scan3A_245 : i32 to index
        %get3A_334 = arith.constant 112 : index
        %get3A_335 = tpu.vector_load %arg8[%get3A_333, %get3A_334] {strides = array<i32>} : memref<64x128xf32, #tpu.memory_space<vmem>>, vector<16xf32>,
        %mul3A_336 = arith.mulf %get3A_332, %get3A_109 : vector<16xf32>
        %add3A_337 = arith.addf %mul3A_336, %get3A_125 : vector<16xf32>
        %max3A_338 = arith.constant 0.000000e+00 : f32
        %max3A_339 = vector.broadcast %max3A_338 : f32 to vector<16xf32>
        %max3A_340 = arith.maximumf %add3A_337, %max3A_339 : vector<16xf32>
        %mul3A_341 = arith.constant 2 : i32
        %mul3A_342 = arith.muli %mul3A_341, %scan3A_245 : i32
        %swap3A_343 = arith.index_cast %mul3A_342 : i32 to index
        %swap3A_344 = arith.constant 48 : index
        %swap3A_345 = tpu.vector_load %arg10[%swap3A_343, %swap3A_344] {strides = array<i32>} : memref<128x80xf32, #tpu.memory_space<vmem>>, vector<16xf32>,
        tpu.vector_store %arg10[%swap3A_343, %swap3A_344], %max3A_340 {strides = array<i32>} : memref<128x80xf32, #tpu.memory_space<vmem>>, vector<16xf32>,
        %mul3A_346 = arith.mulf %get3A_335, %get3A_109 : vector<16xf32>
        %add3A_347 = arith.addf %mul3A_346, %get3A_125 : vector<16xf32>
        %max3A_348 = arith.constant 0.000000e+00 : f32
        %max3A_349 = vector.broadcast %max3A_348 : f32 to vector<16xf32>
        %max3A_350 = arith.maximumf %add3A_347, %max3A_349 : vector<16xf32>
        %mul3A_351 = arith.constant 2 : i32
        %mul3A_352 = arith.muli %mul3A_351, %scan3A_245 : i32
        %add3A_353 = arith.constant 1 : i32
        %add3A_354 = arith.addi %mul3A_352, %add3A_353 : i32
        %swap3A_355 = arith.index_cast %add3A_354 : i32 to index
        %swap3A_356 = arith.constant 48 : index
        %swap3A_357 = tpu.vector_load %arg10[%swap3A_355, %swap3A_356] {strides = array<i32>} : memref<128x80xf32, #tpu.memory_space<vmem>>, vector<16xf32>,
        tpu.vector_store %arg10[%swap3A_355, %swap3A_356], %max3A_350 {strides = array<i32>} : memref<128x80xf32, #tpu.memory_space<vmem>>, vector<16xf32>,
        %scan3A_358 = arith.constant 0 : i32
        scf.yield %scan3A_358 : i32
      }
      %scan3A_237 = arith.constant 64 : i32
      %dma_start3A_238 = arith.constant 0 : i32
      %dma_start3A_239 = tpu.memref_slice %arg6[%add3A_230, %dma_start3A_238] : memref<40x128xi32, #tpu.memory_space<vmem>> -> memref<1x128xi32, #tpu.memory_space<vmem>>
      %dma_start3A_240 = tpu.memref_squeeze %dma_start3A_239 : memref<1x128xi32, #tpu.memory_space<vmem>> -> memref<128xi32, #tpu.memory_space<vmem>>
      %dma_start3A_241 = arith.constant 0 : i32
      %dma_start3A_242 = arith.constant 0 : i32
      %dma_start3A_243 = tpu.memref_slice %arg12[%dma_start3A_241, %dma_start3A_242] : memref<10240x80xf32, #tpu.memory_space<vmem_shared>> -> memref<10240x80xf32, #tpu.memory_space<vmem_shared>>
      tpu.enqueue_indirect_dma source(%arg10 : memref<128x80xf32, #tpu.memory_space<vmem>>) target(%dma_start3A_243 : memref<10240x80xf32, #tpu.memory_space<vmem_shared>>) offsets(%dma_start3A_240 : memref<128xi32, #tpu.memory_space<vmem>>) semaphore(%arg16 : memref<!tpu.dma_semaphore, #tpu.memory_space<semaphore_mem>>) {add = true}
      %while3A_244 = arith.constant 0 : i32
      scf.yield %while3A_244 : i32
    }
    %dma_wait3A_162 = arith.constant 0 : i32
    %dma_wait3A_163 = arith.constant 0 : i32
    %dma_wait3A_164 = tpu.memref_slice %arg12[%dma_wait3A_162, %dma_wait3A_163] : memref<10240x80xf32, #tpu.memory_space<vmem_shared>> -> memref<128x80xf32, #tpu.memory_space<vmem_shared>>
    %dma_wait3A_165 = arith.constant 0 : i32
    %dma_wait3A_166 = arith.constant 0 : i32
    %dma_wait3A_167 = tpu.memref_slice %arg12[%dma_wait3A_165, %dma_wait3A_166] : memref<10240x80xf32, #tpu.memory_space<vmem_shared>> -> memref<128x80xf32, #tpu.memory_space<vmem_shared>>
    tpu.wait_dma2 semaphore(%arg15 : memref<!tpu.dma_semaphore, #tpu.memory_space<semaphore_mem>>) src(%arg9 : memref<128x80xf32, #tpu.memory_space<vmem>>) dst(%dma_wait3A_167 : memref<128x80xf32, #tpu.memory_space<vmem_shared>>)
    %dma_wait3A_168 = arith.constant 0 : i32
    %dma_wait3A_169 = arith.constant 0 : i32
    %dma_wait3A_170 = tpu.memref_slice %arg12[%dma_wait3A_168, %dma_wait3A_169] : memref<10240x80xf32, #tpu.memory_space<vmem_shared>> -> memref<128x80xf32, #tpu.memory_space<vmem_shared>>
    %dma_wait3A_171 = arith.constant 0 : i32
    %dma_wait3A_172 = arith.constant 0 : i32
    %dma_wait3A_173 = tpu.memref_slice %arg12[%dma_wait3A_171, %dma_wait3A_172] : memref<10240x80xf32, #tpu.memory_space<vmem_shared>> -> memref<128x80xf32, #tpu.memory_space<vmem_shared>>
    tpu.wait_dma2 semaphore(%arg16 : memref<!tpu.dma_semaphore, #tpu.memory_space<semaphore_mem>>) src(%arg10 : memref<128x80xf32, #tpu.memory_space<vmem>>) dst(%dma_wait3A_173 : memref<128x80xf32, #tpu.memory_space<vmem_shared>>)
    %barrier3A_174 = arith.constant 0 : index
    tpu.barrier barrier_id(%barrier3A_174)
    %mul3A_175 = arith.constant 640 : i32
    %mul3A_176 = arith.muli %arg1, %mul3A_175 : i32
    %mul3A_177 = arith.constant 640 : i32
    %mul3A_178 = arith.muli %arg1, %mul3A_177 : i32
    "tpu.region"() ({
      %run_scoped3A = tpu.sem_alloc : memref<!tpu.dma_semaphore, #tpu.memory_space<semaphore_mem>>
      %dma_start3A_179 = arith.constant 0 : i32
      %dma_start3A_180 = tpu.memref_slice %arg5[%arg0, %mul3A_178, %dma_start3A_179] : memref<2x10240x80xf32, #tpu.memory_space<hbm>> -> memref<1x640x80xf32, #tpu.memory_space<hbm>>
      %dma_start3A_181 = tpu.memref_squeeze %dma_start3A_180 : memref<1x640x80xf32, #tpu.memory_space<hbm>> -> memref<640x80xf32, #tpu.memory_space<hbm>>
      %dma_start3A_182 = arith.constant 0 : i32
      %dma_start3A_183 = tpu.memref_slice %arg12[%mul3A_176, %dma_start3A_182] : memref<10240x80xf32, #tpu.memory_space<vmem_shared>> -> memref<640x80xf32, #tpu.memory_space<vmem_shared>>
      tpu.enqueue_dma source(%dma_start3A_183 : memref<640x80xf32, #tpu.memory_space<vmem_shared>>) target(%dma_start3A_181 : memref<640x80xf32, #tpu.memory_space<hbm>>) target_semaphore(%run_scoped3A : memref<!tpu.dma_semaphore, #tpu.memory_space<semaphore_mem>>)
      %dma_wait3A_184 = arith.constant 0 : i32
      %dma_wait3A_185 = tpu.memref_slice %arg5[%arg0, %mul3A_178, %dma_wait3A_184] : memref<2x10240x80xf32, #tpu.memory_space<hbm>> -> memref<1x640x80xf32, #tpu.memory_space<hbm>>
      %dma_wait3A_186 = tpu.memref_squeeze %dma_wait3A_185 : memref<1x640x80xf32, #tpu.memory_space<hbm>> -> memref<640x80xf32, #tpu.memory_space<hbm>>
      %dma_wait3A_187 = arith.constant 0 : i32
      %dma_wait3A_188 = tpu.memref_slice %arg12[%mul3A_176, %dma_wait3A_187] : memref<10240x80xf32, #tpu.memory_space<vmem_shared>> -> memref<640x80xf32, #tpu.memory_space<vmem_shared>>
      tpu.wait_dma2 semaphore(%run_scoped3A : memref<!tpu.dma_semaphore, #tpu.memory_space<semaphore_mem>>) src(%dma_wait3A_188 : memref<640x80xf32, #tpu.memory_space<vmem_shared>>) dst(%dma_wait3A_186 : memref<640x80xf32, #tpu.memory_space<hbm>>)
      tpu.yield
    }) : () -> ()
    return
  }
}

module attributes {stable_mosaic.version = 14 : i64} {
  func.func @_proj_body(%arg0: i32, %arg1: memref<1000x256xf32, #tpu.memory_space<vmem>>, %arg2: memref<256x64xf32, #tpu.memory_space<vmem>>, %arg3: memref<256x64xf32, #tpu.memory_space<vmem>>, %arg4: memref<1000x64xbf16, #tpu.memory_space<vmem>>, %arg5: memref<1000x64xbf16, #tpu.memory_space<vmem>>) attributes {dimension_semantics = [#tpu.dimension_semantics<arbitrary>], iteration_bounds = array<i64: 10>, scalar_prefetch = 0 : i64, scratch_operands = 0 : i64, tpu.core_type = #tpu.core_type<tc>, window_params = [{transform_indices = @transform_0, window_bounds = array<i64: 1000, 256>}, {pipeline_mode = #tpu.pipeline_mode<synchronous>, transform_indices = @transform_1, window_bounds = array<i64: 256, 64>}, {pipeline_mode = #tpu.pipeline_mode<synchronous>, transform_indices = @transform_2, window_bounds = array<i64: 256, 64>}, {transform_indices = @transform_3, window_bounds = array<i64: 1000, 64>}, {transform_indices = @transform_4, window_bounds = array<i64: 1000, 64>}]} {
    %get3A = arith.constant 0 : index
    %get3A_0 = arith.constant 0 : index
    %get3A_1 = vector.load %arg1[%get3A, %get3A_0] : memref<1000x256xf32, #tpu.memory_space<vmem>>, vector<1000x256xf32>
    %get3A_2 = arith.constant 0 : index
    %get3A_3 = arith.constant 0 : index
    %get3A_4 = vector.load %arg2[%get3A_2, %get3A_3] : memref<256x64xf32, #tpu.memory_space<vmem>>, vector<256x64xf32>
    %dot_general3A = arith.constant dense<0.000000e+00> : vector<1000x64xf32>
    %dot_general3A_5 = tpu.matmul %get3A_1, %get3A_4, %dot_general3A {dimension_numbers = #tpu.dot_dimension_numbers<[1], [0], [0], [1], [0, 0, 1, 1], [], []>, transpose_lhs_hint = false} : vector<1000x256xf32>, vector<256x64xf32>, vector<1000x64xf32> -> vector<1000x64xf32>
    %convert_element_type3A = arith.truncf %dot_general3A_5 : vector<1000x64xf32> to vector<1000x64xbf16>
    %swap3A = arith.constant 0 : index
    %swap3A_6 = arith.constant 0 : index
    %swap3A_7 = vector.load %arg4[%swap3A, %swap3A_6] : memref<1000x64xbf16, #tpu.memory_space<vmem>>, vector<1000x64xbf16>
    tpu.vector_store %arg4[%swap3A, %swap3A_6], %convert_element_type3A {strides = array<i32>} : memref<1000x64xbf16, #tpu.memory_space<vmem>>, vector<1000x64xbf16>,
    %get3A_8 = arith.constant 0 : index
    %get3A_9 = arith.constant 0 : index
    %get3A_10 = vector.load %arg3[%get3A_8, %get3A_9] : memref<256x64xf32, #tpu.memory_space<vmem>>, vector<256x64xf32>
    %dot_general3A_11 = arith.constant dense<0.000000e+00> : vector<1000x64xf32>
    %dot_general3A_12 = tpu.matmul %get3A_1, %get3A_10, %dot_general3A_11 {dimension_numbers = #tpu.dot_dimension_numbers<[1], [0], [0], [1], [0, 0, 1, 1], [], []>, transpose_lhs_hint = false} : vector<1000x256xf32>, vector<256x64xf32>, vector<1000x64xf32> -> vector<1000x64xf32>
    %convert_element_type3A_13 = arith.truncf %dot_general3A_12 : vector<1000x64xf32> to vector<1000x64xbf16>
    %swap3A_14 = arith.constant 0 : index
    %swap3A_15 = arith.constant 0 : index
    %swap3A_16 = vector.load %arg5[%swap3A_14, %swap3A_15] : memref<1000x64xbf16, #tpu.memory_space<vmem>>, vector<1000x64xbf16>
    tpu.vector_store %arg5[%swap3A_14, %swap3A_15], %convert_element_type3A_13 {strides = array<i32>} : memref<1000x64xbf16, #tpu.memory_space<vmem>>, vector<1000x64xbf16>,
    return
  }
  func.func @transform_0(%arg0: i32) -> (i32, i32) {
    %c0_i32 = arith.constant 0 : i32
    %c0_i32_0 = arith.constant 0 : i32
    return %arg0, %c0_i32 : i32, i32
  }
  func.func @transform_1(%arg0: i32) -> (i32, i32) {
    %c0_i32 = arith.constant 0 : i32
    %c0_i32_0 = arith.constant 0 : i32
    %c0_i32_1 = arith.constant 0 : i32
    return %c0_i32, %c0_i32_0 : i32, i32
  }
  func.func @transform_2(%arg0: i32) -> (i32, i32) {
    %c0_i32 = arith.constant 0 : i32
    %c0_i32_0 = arith.constant 0 : i32
    %c0_i32_1 = arith.constant 0 : i32
    return %c0_i32, %c0_i32_0 : i32, i32
  }
  func.func @transform_3(%arg0: i32) -> (i32, i32) {
    %c0_i32 = arith.constant 0 : i32
    %c0_i32_0 = arith.constant 0 : i32
    return %arg0, %c0_i32 : i32, i32
  }
  func.func @transform_4(%arg0: i32) -> (i32, i32) {
    %c0_i32 = arith.constant 0 : i32
    %c0_i32_0 = arith.constant 0 : i32
    return %arg0, %c0_i32 : i32, i32
  }
}

module attributes {stable_mosaic.version = 14 : i64} {
  func.func @_mlp_body(%arg0: i32, %arg1: memref<32x2x64xf32, #tpu.memory_space<vmem>>, %arg2: memref<64xf32, #tpu.memory_space<vmem>>, %arg3: memref<64xf32, #tpu.memory_space<vmem>>, %arg4: memref<4096x128xf32, #tpu.memory_space<vmem>>, %arg5: memref<128x128xf32, #tpu.memory_space<vmem>>, %arg6: memref<4096x128xbf16, #tpu.memory_space<vmem>>, %arg7: memref<2x64xf32, #tpu.memory_space<vmem>>, %arg8: memref<2x64xf32, #tpu.memory_space<vmem>>) attributes {dimension_semantics = [#tpu.dimension_semantics<arbitrary>], iteration_bounds = array<i64: 20>, scalar_prefetch = 0 : i64, scratch_operands = 1 : i64, tpu.core_type = #tpu.core_type<tc>, window_params = [{pipeline_mode = #tpu.pipeline_mode<synchronous>, transform_indices = @transform_0, window_bounds = array<i64: 32, 2, 64>}, {pipeline_mode = #tpu.pipeline_mode<synchronous>, transform_indices = @transform_1, window_bounds = array<i64: 64>}, {pipeline_mode = #tpu.pipeline_mode<synchronous>, transform_indices = @transform_2, window_bounds = array<i64: 64>}, {transform_indices = @transform_3, window_bounds = array<i64: 4096, 128>}, {pipeline_mode = #tpu.pipeline_mode<synchronous>, transform_indices = @transform_4, window_bounds = array<i64: 128, 128>}, {transform_indices = @transform_5, window_bounds = array<i64: 4096, 128>}, {pipeline_mode = #tpu.pipeline_mode<synchronous>, transform_indices = @transform_6, window_bounds = array<i64: 2, 64>}]} {
    %get3A = arith.constant 0 : index
    %get3A_0 = arith.constant 0 : index
    %get3A_1 = arith.constant 0 : index
    %get3A_2 = vector.load %arg1[%get3A, %get3A_0, %get3A_1] : memref<32x2x64xf32, #tpu.memory_space<vmem>>, vector<32x2x64xf32>
    %reduce_sum3A = arith.constant dense<0.000000e+00> : vector<2x64xf32>
    %reduce_sum3A_3 = vector.multi_reduction <add>, %get3A_2, %reduce_sum3A [0] : vector<32x2x64xf32> to vector<2x64xf32>
    %slice3A = vector.extract_strided_slice %reduce_sum3A_3 {offsets = [0, 0], sizes = [1, 64], strides = [1, 1]} : vector<2x64xf32> to vector<1x64xf32>
    %squeeze3A = vector.shape_cast %slice3A : vector<1x64xf32> to vector<64xf32>
    %mul3A = arith.constant 6.250000e-06 : f32
    %mul3A_4 = vector.broadcast %mul3A : f32 to vector<64xf32>
    %mul3A_5 = arith.mulf %squeeze3A, %mul3A_4 : vector<64xf32>
    %slice3A_6 = vector.extract_strided_slice %reduce_sum3A_3 {offsets = [1, 0], sizes = [1, 64], strides = [1, 1]} : vector<2x64xf32> to vector<1x64xf32>
    %squeeze3A_7 = vector.shape_cast %slice3A_6 : vector<1x64xf32> to vector<64xf32>
    %mul3A_8 = arith.constant 6.250000e-06 : f32
    %mul3A_9 = vector.broadcast %mul3A_8 : f32 to vector<64xf32>
    %mul3A_10 = arith.mulf %squeeze3A_7, %mul3A_9 : vector<64xf32>
    %mul3A_11 = arith.mulf %mul3A_5, %mul3A_5 : vector<64xf32>
    %sub3A = arith.subf %mul3A_10, %mul3A_11 : vector<64xf32>
    %get3A_12 = arith.constant 0 : index
    %get3A_13 = vector.load %arg2[%get3A_12] : memref<64xf32, #tpu.memory_space<vmem>>, vector<64xf32>
    %add3A = arith.constant 9.99999974E-6 : f32
    %add3A_14 = vector.broadcast %add3A : f32 to vector<64xf32>
    %add3A_15 = arith.addf %sub3A, %add3A_14 : vector<64xf32>
    %rsqrt3A = math.rsqrt %add3A_15 : vector<64xf32>
    %mul3A_16 = arith.mulf %get3A_13, %rsqrt3A : vector<64xf32>
    %get3A_17 = arith.constant 0 : index
    %get3A_18 = vector.load %arg3[%get3A_17] : memref<64xf32, #tpu.memory_space<vmem>>, vector<64xf32>
    %mul3A_19 = arith.mulf %mul3A_5, %mul3A_16 : vector<64xf32>
    %sub3A_20 = arith.subf %get3A_18, %mul3A_19 : vector<64xf32>
    %concatenate3A = tpu.concatenate %mul3A_16, %mul3A_16 in 0 : vector<64xf32>, vector<64xf32> -> vector<128xf32>
    %concatenate3A_21 = tpu.concatenate %sub3A_20, %sub3A_20 in 0 : vector<64xf32>, vector<64xf32> -> vector<128xf32>
    %get3A_22 = arith.constant 0 : index
    %get3A_23 = arith.constant 0 : index
    %get3A_24 = vector.load %arg4[%get3A_22, %get3A_23] : memref<4096x128xf32, #tpu.memory_space<vmem>>, vector<4096x128xf32>
    %broadcast_in_dim3A = vector.shape_cast %concatenate3A : vector<128xf32> to vector<1x128xf32>
    %mul3A_25 = vector.broadcast %broadcast_in_dim3A : vector<1x128xf32> to vector<4096x128xf32>
    %mul3A_26 = arith.mulf %get3A_24, %mul3A_25 : vector<4096x128xf32>
    %broadcast_in_dim3A_27 = vector.shape_cast %concatenate3A_21 : vector<128xf32> to vector<1x128xf32>
    %add3A_28 = vector.broadcast %broadcast_in_dim3A_27 : vector<1x128xf32> to vector<4096x128xf32>
    %add3A_29 = arith.addf %mul3A_26, %add3A_28 : vector<4096x128xf32>
    %max3A = arith.constant 0.000000e+00 : f32
    %max3A_30 = vector.broadcast %max3A : f32 to vector<4096x128xf32>
    %max3A_31 = arith.maximumf %add3A_29, %max3A_30 : vector<4096x128xf32>
    %get3A_32 = arith.constant 0 : index
    %get3A_33 = arith.constant 0 : index
    %get3A_34 = vector.load %arg5[%get3A_32, %get3A_33] : memref<128x128xf32, #tpu.memory_space<vmem>>, vector<128x128xf32>
    %dot_general3A = arith.constant dense<0.000000e+00> : vector<4096x128xf32>
    %dot_general3A_35 = tpu.matmul %max3A_31, %get3A_34, %dot_general3A {dimension_numbers = #tpu.dot_dimension_numbers<[1], [0], [0], [1], [0, 0, 1, 1], [], []>, transpose_lhs_hint = false} : vector<4096x128xf32>, vector<128x128xf32>, vector<4096x128xf32> -> vector<4096x128xf32>
    %convert_element_type3A = arith.truncf %dot_general3A_35 : vector<4096x128xf32> to vector<4096x128xbf16>
    %swap3A = arith.constant 0 : index
    %swap3A_36 = arith.constant 0 : index
    %swap3A_37 = vector.load %arg6[%swap3A, %swap3A_36] : memref<4096x128xbf16, #tpu.memory_space<vmem>>, vector<4096x128xbf16>
    tpu.vector_store %arg6[%swap3A, %swap3A_36], %convert_element_type3A {strides = array<i32>} : memref<4096x128xbf16, #tpu.memory_space<vmem>>, vector<4096x128xbf16>,
    %mul3A_38 = arith.constant 4096 : i32
    %mul3A_39 = arith.muli %arg0, %mul3A_38 : i32
    %iota3A = tpu.iota {dimensions = array<i32: 0>} : vector<4096x1xi32>
    %add3A_40 = vector.broadcast %mul3A_39 : i32 to vector<4096x1xi32>
    %add3A_41 = arith.addi %add3A_40, %iota3A : vector<4096x1xi32>
    %lt3A = arith.constant 80000 : i32
    %lt3A_42 = vector.broadcast %lt3A : i32 to vector<4096x1xi32>
    %lt3A_43 = arith.cmpi slt, %add3A_41, %lt3A_42 : vector<4096x1xi32>
    %jit3A = arith.constant 0.000000e+00 : f32
    %broadcast_in_dim3A_44 = vector.shape_cast %lt3A_43 : vector<4096x1xi1> to vector<4096x1xi1>
    %broadcast_in_dim3A_45 = vector.broadcast %broadcast_in_dim3A_44 : vector<4096x1xi1> to vector<4096x128xi1>
    %broadcast_in_dim3A_46 = vector.broadcast %jit3A : f32 to vector<4096x128xf32>
    %select_n3A = arith.select %broadcast_in_dim3A_45, %dot_general3A_35, %broadcast_in_dim3A_46 : vector<4096x128xi1>, vector<4096x128xf32>
    %reduce_sum3A_47 = arith.constant dense<0.000000e+00> : vector<128xf32>
    %reduce_sum3A_48 = vector.multi_reduction <add>, %select_n3A, %reduce_sum3A_47 [0] : vector<4096x128xf32> to vector<128xf32>
    %mul3A_49 = arith.mulf %select_n3A, %select_n3A : vector<4096x128xf32>
    %reduce_sum3A_50 = arith.constant dense<0.000000e+00> : vector<128xf32>
    %reduce_sum3A_51 = vector.multi_reduction <add>, %mul3A_49, %reduce_sum3A_50 [0] : vector<4096x128xf32> to vector<128xf32>
    %slice3A_52 = vector.extract_strided_slice %reduce_sum3A_48 {offsets = [0], sizes = [64], strides = [1]} : vector<128xf32> to vector<64xf32>
    %slice3A_53 = vector.extract_strided_slice %reduce_sum3A_48 {offsets = [64], sizes = [64], strides = [1]} : vector<128xf32> to vector<64xf32>
    %add3A_54 = arith.addf %slice3A_52, %slice3A_53 : vector<64xf32>
    %slice3A_55 = vector.extract_strided_slice %reduce_sum3A_51 {offsets = [0], sizes = [64], strides = [1]} : vector<128xf32> to vector<64xf32>
    %slice3A_56 = vector.extract_strided_slice %reduce_sum3A_51 {offsets = [64], sizes = [64], strides = [1]} : vector<128xf32> to vector<64xf32>
    %add3A_57 = arith.addf %slice3A_55, %slice3A_56 : vector<64xf32>
    %stack3A = vector.shape_cast %add3A_54 : vector<64xf32> to vector<1x64xf32>
    %stack3A_58 = vector.shape_cast %add3A_57 : vector<64xf32> to vector<1x64xf32>
    %stack3A_59 = tpu.concatenate %stack3A, %stack3A_58 in 0 : vector<1x64xf32>, vector<1x64xf32> -> vector<2x64xf32>
    %eq3A = arith.constant 0 : i32
    %eq3A_60 = arith.cmpi eq, %arg0, %eq3A : i32
    %convert_element_type3A_61 = arith.extui %eq3A_60 : i1 to i32
    %cond3A = arith.constant 0 : i32
    %cond3A_62 = arith.cmpi ne, %convert_element_type3A_61, %cond3A : i32
    scf.if %cond3A_62 {
      %broadcast_in_dim3A_76 = arith.constant 0.000000e+00 : f32
      %broadcast_in_dim3A_77 = vector.broadcast %broadcast_in_dim3A_76 : f32 to vector<2x64xf32>
      %swap3A_78 = arith.constant 0 : index
      %swap3A_79 = arith.constant 0 : index
      %swap3A_80 = vector.load %arg8[%swap3A_78, %swap3A_79] : memref<2x64xf32, #tpu.memory_space<vmem>>, vector<2x64xf32>
      tpu.vector_store %arg8[%swap3A_78, %swap3A_79], %broadcast_in_dim3A_77 {strides = array<i32>} : memref<2x64xf32, #tpu.memory_space<vmem>>, vector<2x64xf32>,
    } else {
    }
    %get3A_63 = arith.constant 0 : index
    %get3A_64 = arith.constant 0 : index
    %get3A_65 = vector.load %arg8[%get3A_63, %get3A_64] : memref<2x64xf32, #tpu.memory_space<vmem>>, vector<2x64xf32>
    %add3A_66 = arith.addf %get3A_65, %stack3A_59 : vector<2x64xf32>
    %swap3A_67 = arith.constant 0 : index
    %swap3A_68 = arith.constant 0 : index
    %swap3A_69 = vector.load %arg8[%swap3A_67, %swap3A_68] : memref<2x64xf32, #tpu.memory_space<vmem>>, vector<2x64xf32>
    tpu.vector_store %arg8[%swap3A_67, %swap3A_68], %add3A_66 {strides = array<i32>} : memref<2x64xf32, #tpu.memory_space<vmem>>, vector<2x64xf32>,
    %get3A_70 = arith.constant 0 : index
    %get3A_71 = arith.constant 0 : index
    %get3A_72 = vector.load %arg8[%get3A_70, %get3A_71] : memref<2x64xf32, #tpu.memory_space<vmem>>, vector<2x64xf32>
    %swap3A_73 = arith.constant 0 : index
    %swap3A_74 = arith.constant 0 : index
    %swap3A_75 = vector.load %arg7[%swap3A_73, %swap3A_74] : memref<2x64xf32, #tpu.memory_space<vmem>>, vector<2x64xf32>
    tpu.vector_store %arg7[%swap3A_73, %swap3A_74], %get3A_72 {strides = array<i32>} : memref<2x64xf32, #tpu.memory_space<vmem>>, vector<2x64xf32>,
    return
  }
  func.func @transform_0(%arg0: i32) -> (i32, i32, i32) {
    %c0_i32 = arith.constant 0 : i32
    %c0_i32_0 = arith.constant 0 : i32
    %c0_i32_1 = arith.constant 0 : i32
    %c0_i32_2 = arith.constant 0 : i32
    return %c0_i32, %c0_i32_0, %c0_i32_1 : i32, i32, i32
  }
  func.func @transform_1(%arg0: i32) -> i32 {
    %c0_i32 = arith.constant 0 : i32
    %c0_i32_0 = arith.constant 0 : i32
    return %c0_i32 : i32
  }
  func.func @transform_2(%arg0: i32) -> i32 {
    %c0_i32 = arith.constant 0 : i32
    %c0_i32_0 = arith.constant 0 : i32
    return %c0_i32 : i32
  }
  func.func @transform_3(%arg0: i32) -> (i32, i32) {
    %c0_i32 = arith.constant 0 : i32
    %c0_i32_0 = arith.constant 0 : i32
    return %arg0, %c0_i32 : i32, i32
  }
  func.func @transform_4(%arg0: i32) -> (i32, i32) {
    %c0_i32 = arith.constant 0 : i32
    %c0_i32_0 = arith.constant 0 : i32
    %c0_i32_1 = arith.constant 0 : i32
    return %c0_i32, %c0_i32_0 : i32, i32
  }
  func.func @transform_5(%arg0: i32) -> (i32, i32) {
    %c0_i32 = arith.constant 0 : i32
    %c0_i32_0 = arith.constant 0 : i32
    return %arg0, %c0_i32 : i32, i32
  }
  func.func @transform_6(%arg0: i32) -> (i32, i32) {
    %c0_i32 = arith.constant 0 : i32
    %c0_i32_0 = arith.constant 0 : i32
    %c0_i32_1 = arith.constant 0 : i32
    return %c0_i32, %c0_i32_0 : i32, i32
  }
}

module attributes {stable_mosaic.version = 14 : i64} {
  func.func @_mlp_body(%arg0: i32, %arg1: memref<1x2x64xf32, #tpu.memory_space<vmem>>, %arg2: memref<64xf32, #tpu.memory_space<vmem>>, %arg3: memref<64xf32, #tpu.memory_space<vmem>>, %arg4: memref<64xf32, #tpu.memory_space<vmem>>, %arg5: memref<64xf32, #tpu.memory_space<vmem>>, %arg6: memref<4096x128xbf16, #tpu.memory_space<vmem>>, %arg7: memref<128x128xf32, #tpu.memory_space<vmem>>, %arg8: memref<4096x128xf32, #tpu.memory_space<vmem>>, %arg9: memref<2x64xf32, #tpu.memory_space<vmem>>, %arg10: memref<2x64xf32, #tpu.memory_space<vmem>>, %arg11: memref<2x64xf32, #tpu.memory_space<vmem>>) attributes {dimension_semantics = [#tpu.dimension_semantics<arbitrary>], iteration_bounds = array<i64: 20>, scalar_prefetch = 0 : i64, scratch_operands = 1 : i64, tpu.core_type = #tpu.core_type<tc>, window_params = [{pipeline_mode = #tpu.pipeline_mode<synchronous>, transform_indices = @transform_0, window_bounds = array<i64: 1, 2, 64>}, {pipeline_mode = #tpu.pipeline_mode<synchronous>, transform_indices = @transform_1, window_bounds = array<i64: 64>}, {pipeline_mode = #tpu.pipeline_mode<synchronous>, transform_indices = @transform_2, window_bounds = array<i64: 64>}, {pipeline_mode = #tpu.pipeline_mode<synchronous>, transform_indices = @transform_3, window_bounds = array<i64: 64>}, {pipeline_mode = #tpu.pipeline_mode<synchronous>, transform_indices = @transform_4, window_bounds = array<i64: 64>}, {transform_indices = @transform_5, window_bounds = array<i64: 4096, 128>}, {pipeline_mode = #tpu.pipeline_mode<synchronous>, transform_indices = @transform_6, window_bounds = array<i64: 128, 128>}, {transform_indices = @transform_7, window_bounds = array<i64: 4096, 128>}, {pipeline_mode = #tpu.pipeline_mode<synchronous>, transform_indices = @transform_8, window_bounds = array<i64: 2, 64>}, {pipeline_mode = #tpu.pipeline_mode<synchronous>, transform_indices = @transform_9, window_bounds = array<i64: 2, 64>}]} {
    %get3A = arith.constant 0 : index
    %get3A_0 = arith.constant 0 : index
    %get3A_1 = arith.constant 0 : index
    %get3A_2 = vector.load %arg1[%get3A, %get3A_0, %get3A_1] : memref<1x2x64xf32, #tpu.memory_space<vmem>>, vector<1x2x64xf32>
    %reduce_sum3A = arith.constant dense<0.000000e+00> : vector<2x64xf32>
    %reduce_sum3A_3 = vector.multi_reduction <add>, %get3A_2, %reduce_sum3A [0] : vector<1x2x64xf32> to vector<2x64xf32>
    %slice3A = vector.extract_strided_slice %reduce_sum3A_3 {offsets = [0, 0], sizes = [1, 64], strides = [1, 1]} : vector<2x64xf32> to vector<1x64xf32>
    %squeeze3A = vector.shape_cast %slice3A : vector<1x64xf32> to vector<64xf32>
    %mul3A = arith.constant 6.250000e-06 : f32
    %mul3A_4 = vector.broadcast %mul3A : f32 to vector<64xf32>
    %mul3A_5 = arith.mulf %squeeze3A, %mul3A_4 : vector<64xf32>
    %slice3A_6 = vector.extract_strided_slice %reduce_sum3A_3 {offsets = [1, 0], sizes = [1, 64], strides = [1, 1]} : vector<2x64xf32> to vector<1x64xf32>
    %squeeze3A_7 = vector.shape_cast %slice3A_6 : vector<1x64xf32> to vector<64xf32>
    %mul3A_8 = arith.constant 6.250000e-06 : f32
    %mul3A_9 = vector.broadcast %mul3A_8 : f32 to vector<64xf32>
    %mul3A_10 = arith.mulf %squeeze3A_7, %mul3A_9 : vector<64xf32>
    %mul3A_11 = arith.mulf %mul3A_5, %mul3A_5 : vector<64xf32>
    %sub3A = arith.subf %mul3A_10, %mul3A_11 : vector<64xf32>
    %get3A_12 = arith.constant 0 : index
    %get3A_13 = vector.load %arg2[%get3A_12] : memref<64xf32, #tpu.memory_space<vmem>>, vector<64xf32>
    %add3A = arith.constant 9.99999974E-6 : f32
    %add3A_14 = vector.broadcast %add3A : f32 to vector<64xf32>
    %add3A_15 = arith.addf %sub3A, %add3A_14 : vector<64xf32>
    %rsqrt3A = math.rsqrt %add3A_15 : vector<64xf32>
    %mul3A_16 = arith.mulf %get3A_13, %rsqrt3A : vector<64xf32>
    %get3A_17 = arith.constant 0 : index
    %get3A_18 = vector.load %arg3[%get3A_17] : memref<64xf32, #tpu.memory_space<vmem>>, vector<64xf32>
    %mul3A_19 = arith.mulf %mul3A_5, %mul3A_16 : vector<64xf32>
    %sub3A_20 = arith.subf %get3A_18, %mul3A_19 : vector<64xf32>
    %concatenate3A = tpu.concatenate %mul3A_16, %mul3A_16 in 0 : vector<64xf32>, vector<64xf32> -> vector<128xf32>
    %concatenate3A_21 = tpu.concatenate %sub3A_20, %sub3A_20 in 0 : vector<64xf32>, vector<64xf32> -> vector<128xf32>
    %get3A_22 = arith.constant 0 : index
    %get3A_23 = arith.constant 0 : index
    %get3A_24 = vector.load %arg6[%get3A_22, %get3A_23] : memref<4096x128xbf16, #tpu.memory_space<vmem>>, vector<4096x128xbf16>
    %convert_element_type3A = arith.extf %get3A_24 : vector<4096x128xbf16> to vector<4096x128xf32>
    %broadcast_in_dim3A = vector.shape_cast %concatenate3A : vector<128xf32> to vector<1x128xf32>
    %mul3A_25 = vector.broadcast %broadcast_in_dim3A : vector<1x128xf32> to vector<4096x128xf32>
    %mul3A_26 = arith.mulf %convert_element_type3A, %mul3A_25 : vector<4096x128xf32>
    %broadcast_in_dim3A_27 = vector.shape_cast %concatenate3A_21 : vector<128xf32> to vector<1x128xf32>
    %add3A_28 = vector.broadcast %broadcast_in_dim3A_27 : vector<1x128xf32> to vector<4096x128xf32>
    %add3A_29 = arith.addf %mul3A_26, %add3A_28 : vector<4096x128xf32>
    %max3A = arith.constant 0.000000e+00 : f32
    %max3A_30 = vector.broadcast %max3A : f32 to vector<4096x128xf32>
    %max3A_31 = arith.maximumf %add3A_29, %max3A_30 : vector<4096x128xf32>
    %get3A_32 = arith.constant 0 : index
    %get3A_33 = arith.constant 0 : index
    %get3A_34 = vector.load %arg7[%get3A_32, %get3A_33] : memref<128x128xf32, #tpu.memory_space<vmem>>, vector<128x128xf32>
    %dot_general3A = arith.constant dense<0.000000e+00> : vector<4096x128xf32>
    %dot_general3A_35 = tpu.matmul %max3A_31, %get3A_34, %dot_general3A {dimension_numbers = #tpu.dot_dimension_numbers<[1], [0], [0], [1], [0, 0, 1, 1], [], []>, transpose_lhs_hint = false} : vector<4096x128xf32>, vector<128x128xf32>, vector<4096x128xf32> -> vector<4096x128xf32>
    %swap3A = arith.constant 0 : index
    %swap3A_36 = arith.constant 0 : index
    %swap3A_37 = vector.load %arg8[%swap3A, %swap3A_36] : memref<4096x128xf32, #tpu.memory_space<vmem>>, vector<4096x128xf32>
    tpu.vector_store %arg8[%swap3A, %swap3A_36], %dot_general3A_35 {strides = array<i32>} : memref<4096x128xf32, #tpu.memory_space<vmem>>, vector<4096x128xf32>,
    %mul3A_38 = arith.constant 4096 : i32
    %mul3A_39 = arith.muli %arg0, %mul3A_38 : i32
    %iota3A = tpu.iota {dimensions = array<i32: 0>} : vector<4096x1xi32>
    %add3A_40 = vector.broadcast %mul3A_39 : i32 to vector<4096x1xi32>
    %add3A_41 = arith.addi %add3A_40, %iota3A : vector<4096x1xi32>
    %lt3A = arith.constant 80000 : i32
    %lt3A_42 = vector.broadcast %lt3A : i32 to vector<4096x1xi32>
    %lt3A_43 = arith.cmpi slt, %add3A_41, %lt3A_42 : vector<4096x1xi32>
    %jit3A = arith.constant 0.000000e+00 : f32
    %broadcast_in_dim3A_44 = vector.shape_cast %lt3A_43 : vector<4096x1xi1> to vector<4096x1xi1>
    %broadcast_in_dim3A_45 = vector.broadcast %broadcast_in_dim3A_44 : vector<4096x1xi1> to vector<4096x128xi1>
    %broadcast_in_dim3A_46 = vector.broadcast %jit3A : f32 to vector<4096x128xf32>
    %select_n3A = arith.select %broadcast_in_dim3A_45, %dot_general3A_35, %broadcast_in_dim3A_46 : vector<4096x128xi1>, vector<4096x128xf32>
    %reduce_sum3A_47 = arith.constant dense<0.000000e+00> : vector<128xf32>
    %reduce_sum3A_48 = vector.multi_reduction <add>, %select_n3A, %reduce_sum3A_47 [0] : vector<4096x128xf32> to vector<128xf32>
    %mul3A_49 = arith.mulf %select_n3A, %select_n3A : vector<4096x128xf32>
    %reduce_sum3A_50 = arith.constant dense<0.000000e+00> : vector<128xf32>
    %reduce_sum3A_51 = vector.multi_reduction <add>, %mul3A_49, %reduce_sum3A_50 [0] : vector<4096x128xf32> to vector<128xf32>
    %slice3A_52 = vector.extract_strided_slice %reduce_sum3A_48 {offsets = [0], sizes = [64], strides = [1]} : vector<128xf32> to vector<64xf32>
    %slice3A_53 = vector.extract_strided_slice %reduce_sum3A_48 {offsets = [64], sizes = [64], strides = [1]} : vector<128xf32> to vector<64xf32>
    %add3A_54 = arith.addf %slice3A_52, %slice3A_53 : vector<64xf32>
    %slice3A_55 = vector.extract_strided_slice %reduce_sum3A_51 {offsets = [0], sizes = [64], strides = [1]} : vector<128xf32> to vector<64xf32>
    %slice3A_56 = vector.extract_strided_slice %reduce_sum3A_51 {offsets = [64], sizes = [64], strides = [1]} : vector<128xf32> to vector<64xf32>
    %add3A_57 = arith.addf %slice3A_55, %slice3A_56 : vector<64xf32>
    %stack3A = vector.shape_cast %add3A_54 : vector<64xf32> to vector<1x64xf32>
    %stack3A_58 = vector.shape_cast %add3A_57 : vector<64xf32> to vector<1x64xf32>
    %stack3A_59 = tpu.concatenate %stack3A, %stack3A_58 in 0 : vector<1x64xf32>, vector<1x64xf32> -> vector<2x64xf32>
    %eq3A = arith.constant 0 : i32
    %eq3A_60 = arith.cmpi eq, %arg0, %eq3A : i32
    %convert_element_type3A_61 = arith.extui %eq3A_60 : i1 to i32
    %cond3A = arith.constant 0 : i32
    %cond3A_62 = arith.cmpi ne, %convert_element_type3A_61, %cond3A : i32
    scf.if %cond3A_62 {
      %broadcast_in_dim3A_105 = arith.constant 0.000000e+00 : f32
      %broadcast_in_dim3A_106 = vector.broadcast %broadcast_in_dim3A_105 : f32 to vector<2x64xf32>
      %swap3A_107 = arith.constant 0 : index
      %swap3A_108 = arith.constant 0 : index
      %swap3A_109 = vector.load %arg11[%swap3A_107, %swap3A_108] : memref<2x64xf32, #tpu.memory_space<vmem>>, vector<2x64xf32>
      tpu.vector_store %arg11[%swap3A_107, %swap3A_108], %broadcast_in_dim3A_106 {strides = array<i32>} : memref<2x64xf32, #tpu.memory_space<vmem>>, vector<2x64xf32>,
    } else {
    }
    %get3A_63 = arith.constant 0 : index
    %get3A_64 = arith.constant 0 : index
    %get3A_65 = vector.load %arg11[%get3A_63, %get3A_64] : memref<2x64xf32, #tpu.memory_space<vmem>>, vector<2x64xf32>
    %add3A_66 = arith.addf %get3A_65, %stack3A_59 : vector<2x64xf32>
    %swap3A_67 = arith.constant 0 : index
    %swap3A_68 = arith.constant 0 : index
    %swap3A_69 = vector.load %arg11[%swap3A_67, %swap3A_68] : memref<2x64xf32, #tpu.memory_space<vmem>>, vector<2x64xf32>
    tpu.vector_store %arg11[%swap3A_67, %swap3A_68], %add3A_66 {strides = array<i32>} : memref<2x64xf32, #tpu.memory_space<vmem>>, vector<2x64xf32>,
    %get3A_70 = arith.constant 0 : index
    %get3A_71 = arith.constant 0 : index
    %get3A_72 = vector.load %arg11[%get3A_70, %get3A_71] : memref<2x64xf32, #tpu.memory_space<vmem>>, vector<2x64xf32>
    %swap3A_73 = arith.constant 0 : index
    %swap3A_74 = arith.constant 0 : index
    %swap3A_75 = vector.load %arg9[%swap3A_73, %swap3A_74] : memref<2x64xf32, #tpu.memory_space<vmem>>, vector<2x64xf32>
    tpu.vector_store %arg9[%swap3A_73, %swap3A_74], %get3A_72 {strides = array<i32>} : memref<2x64xf32, #tpu.memory_space<vmem>>, vector<2x64xf32>,
    %slice3A_76 = vector.extract_strided_slice %get3A_72 {offsets = [0, 0], sizes = [1, 64], strides = [1, 1]} : vector<2x64xf32> to vector<1x64xf32>
    %squeeze3A_77 = vector.shape_cast %slice3A_76 : vector<1x64xf32> to vector<64xf32>
    %mul3A_78 = arith.constant 6.250000e-06 : f32
    %mul3A_79 = vector.broadcast %mul3A_78 : f32 to vector<64xf32>
    %mul3A_80 = arith.mulf %squeeze3A_77, %mul3A_79 : vector<64xf32>
    %slice3A_81 = vector.extract_strided_slice %get3A_72 {offsets = [1, 0], sizes = [1, 64], strides = [1, 1]} : vector<2x64xf32> to vector<1x64xf32>
    %squeeze3A_82 = vector.shape_cast %slice3A_81 : vector<1x64xf32> to vector<64xf32>
    %mul3A_83 = arith.constant 6.250000e-06 : f32
    %mul3A_84 = vector.broadcast %mul3A_83 : f32 to vector<64xf32>
    %mul3A_85 = arith.mulf %squeeze3A_82, %mul3A_84 : vector<64xf32>
    %mul3A_86 = arith.mulf %mul3A_80, %mul3A_80 : vector<64xf32>
    %sub3A_87 = arith.subf %mul3A_85, %mul3A_86 : vector<64xf32>
    %get3A_88 = arith.constant 0 : index
    %get3A_89 = vector.load %arg4[%get3A_88] : memref<64xf32, #tpu.memory_space<vmem>>, vector<64xf32>
    %add3A_90 = arith.constant 9.99999974E-6 : f32
    %add3A_91 = vector.broadcast %add3A_90 : f32 to vector<64xf32>
    %add3A_92 = arith.addf %sub3A_87, %add3A_91 : vector<64xf32>
    %rsqrt3A_93 = math.rsqrt %add3A_92 : vector<64xf32>
    %mul3A_94 = arith.mulf %get3A_89, %rsqrt3A_93 : vector<64xf32>
    %get3A_95 = arith.constant 0 : index
    %get3A_96 = vector.load %arg5[%get3A_95] : memref<64xf32, #tpu.memory_space<vmem>>, vector<64xf32>
    %mul3A_97 = arith.mulf %mul3A_80, %mul3A_94 : vector<64xf32>
    %sub3A_98 = arith.subf %get3A_96, %mul3A_97 : vector<64xf32>
    %stack3A_99 = vector.shape_cast %mul3A_94 : vector<64xf32> to vector<1x64xf32>
    %stack3A_100 = vector.shape_cast %sub3A_98 : vector<64xf32> to vector<1x64xf32>
    %stack3A_101 = tpu.concatenate %stack3A_99, %stack3A_100 in 0 : vector<1x64xf32>, vector<1x64xf32> -> vector<2x64xf32>
    %swap3A_102 = arith.constant 0 : index
    %swap3A_103 = arith.constant 0 : index
    %swap3A_104 = vector.load %arg10[%swap3A_102, %swap3A_103] : memref<2x64xf32, #tpu.memory_space<vmem>>, vector<2x64xf32>
    tpu.vector_store %arg10[%swap3A_102, %swap3A_103], %stack3A_101 {strides = array<i32>} : memref<2x64xf32, #tpu.memory_space<vmem>>, vector<2x64xf32>,
    return
  }
  func.func @transform_0(%arg0: i32) -> (i32, i32, i32) {
    %c0_i32 = arith.constant 0 : i32
    %c0_i32_0 = arith.constant 0 : i32
    %c0_i32_1 = arith.constant 0 : i32
    %c0_i32_2 = arith.constant 0 : i32
    return %c0_i32, %c0_i32_0, %c0_i32_1 : i32, i32, i32
  }
  func.func @transform_1(%arg0: i32) -> i32 {
    %c0_i32 = arith.constant 0 : i32
    %c0_i32_0 = arith.constant 0 : i32
    return %c0_i32 : i32
  }
  func.func @transform_2(%arg0: i32) -> i32 {
    %c0_i32 = arith.constant 0 : i32
    %c0_i32_0 = arith.constant 0 : i32
    return %c0_i32 : i32
  }
  func.func @transform_3(%arg0: i32) -> i32 {
    %c0_i32 = arith.constant 0 : i32
    %c0_i32_0 = arith.constant 0 : i32
    return %c0_i32 : i32
  }
  func.func @transform_4(%arg0: i32) -> i32 {
    %c0_i32 = arith.constant 0 : i32
    %c0_i32_0 = arith.constant 0 : i32
    return %c0_i32 : i32
  }
  func.func @transform_5(%arg0: i32) -> (i32, i32) {
    %c0_i32 = arith.constant 0 : i32
    %c0_i32_0 = arith.constant 0 : i32
    return %arg0, %c0_i32 : i32, i32
  }
  func.func @transform_6(%arg0: i32) -> (i32, i32) {
    %c0_i32 = arith.constant 0 : i32
    %c0_i32_0 = arith.constant 0 : i32
    %c0_i32_1 = arith.constant 0 : i32
    return %c0_i32, %c0_i32_0 : i32, i32
  }
  func.func @transform_7(%arg0: i32) -> (i32, i32) {
    %c0_i32 = arith.constant 0 : i32
    %c0_i32_0 = arith.constant 0 : i32
    return %arg0, %c0_i32 : i32, i32
  }
  func.func @transform_8(%arg0: i32) -> (i32, i32) {
    %c0_i32 = arith.constant 0 : i32
    %c0_i32_0 = arith.constant 0 : i32
    %c0_i32_1 = arith.constant 0 : i32
    return %c0_i32, %c0_i32_0 : i32, i32
  }
  func.func @transform_9(%arg0: i32) -> (i32, i32) {
    %c0_i32 = arith.constant 0 : i32
    %c0_i32_0 = arith.constant 0 : i32
    %c0_i32_1 = arith.constant 0 : i32
    return %c0_i32, %c0_i32_0 : i32, i32
  }
}

module attributes {stable_mosaic.version = 14 : i64} {
  func.func @_poolx_body(%arg0: i32, %arg1: memref<1000x256xf32, #tpu.memory_space<vmem>>, %arg2: memref<1x1x1000xi32, #tpu.memory_space<vmem>>, %arg3: memref<64x256xf32, #tpu.memory_space<vmem>>, %arg4: memref<64x128xf32, #tpu.memory_space<vmem>>, %arg5: memref<64x256xf32, #tpu.memory_space<vmem>>, %arg6: memref<64x128xf32, #tpu.memory_space<vmem>>) attributes {dimension_semantics = [#tpu.dimension_semantics<arbitrary>], iteration_bounds = array<i64: 10>, scalar_prefetch = 0 : i64, scratch_operands = 2 : i64, tpu.core_type = #tpu.core_type<tc>, window_params = [{transform_indices = @transform_0, window_bounds = array<i64: 1000, 256>}, {transform_indices = @transform_1, window_bounds = array<i64: 1, 1, 1000>}, {pipeline_mode = #tpu.pipeline_mode<synchronous>, transform_indices = @transform_2, window_bounds = array<i64: 64, 256>}, {pipeline_mode = #tpu.pipeline_mode<synchronous>, transform_indices = @transform_3, window_bounds = array<i64: 64, 128>}]} {
    %eq3A = arith.constant 0 : i32
    %eq3A_0 = arith.cmpi eq, %arg0, %eq3A : i32
    %convert_element_type3A = arith.extui %eq3A_0 : i1 to i32
    %cond3A = arith.constant 0 : i32
    %cond3A_1 = arith.cmpi ne, %convert_element_type3A, %cond3A : i32
    scf.if %cond3A_1 {
      %broadcast_in_dim3A_40 = arith.constant 0.000000e+00 : f32
      %broadcast_in_dim3A_41 = vector.broadcast %broadcast_in_dim3A_40 : f32 to vector<64x256xf32>
      %swap3A_42 = arith.constant 0 : index
      %swap3A_43 = arith.constant 0 : index
      %swap3A_44 = vector.load %arg5[%swap3A_42, %swap3A_43] : memref<64x256xf32, #tpu.memory_space<vmem>>, vector<64x256xf32>
      tpu.vector_store %arg5[%swap3A_42, %swap3A_43], %broadcast_in_dim3A_41 {strides = array<i32>} : memref<64x256xf32, #tpu.memory_space<vmem>>, vector<64x256xf32>,
      %broadcast_in_dim3A_45 = arith.constant 0.000000e+00 : f32
      %broadcast_in_dim3A_46 = vector.broadcast %broadcast_in_dim3A_45 : f32 to vector<64x128xf32>
      %swap3A_47 = arith.constant 0 : index
      %swap3A_48 = arith.constant 0 : index
      %swap3A_49 = vector.load %arg6[%swap3A_47, %swap3A_48] : memref<64x128xf32, #tpu.memory_space<vmem>>, vector<64x128xf32>
      tpu.vector_store %arg6[%swap3A_47, %swap3A_48], %broadcast_in_dim3A_46 {strides = array<i32>} : memref<64x128xf32, #tpu.memory_space<vmem>>, vector<64x128xf32>,
    } else {
    }
    %get3A = arith.constant 0 : index
    %get3A_2 = arith.constant 0 : index
    %get3A_3 = arith.constant 0 : index
    %get3A_4 = vector.load %arg2[%get3A, %get3A_2, %get3A_3] : memref<1x1x1000xi32, #tpu.memory_space<vmem>>, vector<1x1x1000xi32>
    %reshape3A = vector.shape_cast %get3A_4 : vector<1x1x1000xi32> to vector<1x1000xi32>
    %iota3A = tpu.iota {dimensions = array<i32: 0>} : vector<64x1000xi32>
    %eq3A_5 = vector.broadcast %reshape3A : vector<1x1000xi32> to vector<64x1000xi32>
    %eq3A_6 = arith.cmpi eq, %iota3A, %eq3A_5 : vector<64x1000xi32>
    %convert_element_type3A_7 = arith.extui %eq3A_6 : vector<64x1000xi1> to vector<64x1000xi32>
    %convert_element_type3A_8 = arith.sitofp %convert_element_type3A_7 : vector<64x1000xi32> to vector<64x1000xf32>
    %get3A_9 = arith.constant 0 : index
    %get3A_10 = arith.constant 0 : index
    %get3A_11 = vector.load %arg5[%get3A_9, %get3A_10] : memref<64x256xf32, #tpu.memory_space<vmem>>, vector<64x256xf32>
    %get3A_12 = arith.constant 0 : index
    %get3A_13 = arith.constant 0 : index
    %get3A_14 = vector.load %arg1[%get3A_12, %get3A_13] : memref<1000x256xf32, #tpu.memory_space<vmem>>, vector<1000x256xf32>
    %dot_general3A = arith.constant dense<0.000000e+00> : vector<64x256xf32>
    %dot_general3A_15 = tpu.matmul %convert_element_type3A_8, %get3A_14, %dot_general3A {dimension_numbers = #tpu.dot_dimension_numbers<[1], [0], [0], [1], [0, 0, 1, 1], [], []>, transpose_lhs_hint = false} : vector<64x1000xf32>, vector<1000x256xf32>, vector<64x256xf32> -> vector<64x256xf32>
    %add3A = arith.addf %get3A_11, %dot_general3A_15 : vector<64x256xf32>
    %swap3A = arith.constant 0 : index
    %swap3A_16 = arith.constant 0 : index
    %swap3A_17 = vector.load %arg5[%swap3A, %swap3A_16] : memref<64x256xf32, #tpu.memory_space<vmem>>, vector<64x256xf32>
    tpu.vector_store %arg5[%swap3A, %swap3A_16], %add3A {strides = array<i32>} : memref<64x256xf32, #tpu.memory_space<vmem>>, vector<64x256xf32>,
    %get3A_18 = arith.constant 0 : index
    %get3A_19 = arith.constant 0 : index
    %get3A_20 = vector.load %arg6[%get3A_18, %get3A_19] : memref<64x128xf32, #tpu.memory_space<vmem>>, vector<64x128xf32>
    %reduce_sum3A = arith.constant dense<0.000000e+00> : vector<64xf32>
    %reduce_sum3A_21 = vector.multi_reduction <add>, %convert_element_type3A_8, %reduce_sum3A [1] : vector<64x1000xf32> to vector<64xf32>
    %broadcast_in_dim3A = vector.shape_cast %reduce_sum3A_21 : vector<64xf32> to vector<64x1xf32>
    %broadcast_in_dim3A_22 = vector.shape_cast %broadcast_in_dim3A : vector<64x1xf32> to vector<64x1xf32>
    %broadcast_in_dim3A_23 = vector.broadcast %broadcast_in_dim3A_22 : vector<64x1xf32> to vector<64x128xf32>
    %add3A_24 = arith.addf %get3A_20, %broadcast_in_dim3A_23 : vector<64x128xf32>
    %swap3A_25 = arith.constant 0 : index
    %swap3A_26 = arith.constant 0 : index
    %swap3A_27 = vector.load %arg6[%swap3A_25, %swap3A_26] : memref<64x128xf32, #tpu.memory_space<vmem>>, vector<64x128xf32>
    tpu.vector_store %arg6[%swap3A_25, %swap3A_26], %add3A_24 {strides = array<i32>} : memref<64x128xf32, #tpu.memory_space<vmem>>, vector<64x128xf32>,
    %get3A_28 = arith.constant 0 : index
    %get3A_29 = arith.constant 0 : index
    %get3A_30 = vector.load %arg5[%get3A_28, %get3A_29] : memref<64x256xf32, #tpu.memory_space<vmem>>, vector<64x256xf32>
    %swap3A_31 = arith.constant 0 : index
    %swap3A_32 = arith.constant 0 : index
    %swap3A_33 = vector.load %arg3[%swap3A_31, %swap3A_32] : memref<64x256xf32, #tpu.memory_space<vmem>>, vector<64x256xf32>
    tpu.vector_store %arg3[%swap3A_31, %swap3A_32], %get3A_30 {strides = array<i32>} : memref<64x256xf32, #tpu.memory_space<vmem>>, vector<64x256xf32>,
    %get3A_34 = arith.constant 0 : index
    %get3A_35 = arith.constant 0 : index
    %get3A_36 = vector.load %arg6[%get3A_34, %get3A_35] : memref<64x128xf32, #tpu.memory_space<vmem>>, vector<64x128xf32>
    %swap3A_37 = arith.constant 0 : index
    %swap3A_38 = arith.constant 0 : index
    %swap3A_39 = vector.load %arg4[%swap3A_37, %swap3A_38] : memref<64x128xf32, #tpu.memory_space<vmem>>, vector<64x128xf32>
    tpu.vector_store %arg4[%swap3A_37, %swap3A_38], %get3A_36 {strides = array<i32>} : memref<64x128xf32, #tpu.memory_space<vmem>>, vector<64x128xf32>,
    return
  }
  func.func @transform_0(%arg0: i32) -> (i32, i32) {
    %c0_i32 = arith.constant 0 : i32
    %c0_i32_0 = arith.constant 0 : i32
    return %arg0, %c0_i32 : i32, i32
  }
  func.func @transform_1(%arg0: i32) -> (i32, i32, i32) {
    %c0_i32 = arith.constant 0 : i32
    %c0_i32_0 = arith.constant 0 : i32
    %c0_i32_1 = arith.constant 0 : i32
    return %arg0, %c0_i32, %c0_i32_0 : i32, i32, i32
  }
  func.func @transform_2(%arg0: i32) -> (i32, i32) {
    %c0_i32 = arith.constant 0 : i32
    %c0_i32_0 = arith.constant 0 : i32
    %c0_i32_1 = arith.constant 0 : i32
    return %c0_i32, %c0_i32_0 : i32, i32
  }
  func.func @transform_3(%arg0: i32) -> (i32, i32) {
    %c0_i32 = arith.constant 0 : i32
    %c0_i32_0 = arith.constant 0 : i32
    %c0_i32_1 = arith.constant 0 : i32
    return %c0_i32, %c0_i32_0 : i32, i32
  }
}

module attributes {stable_mosaic.version = 14 : i64} {
  func.func @_final_body(%arg0: i32, %arg1: memref<2x1000x80xf32, #tpu.memory_space<vmem>>, %arg2: memref<64x256xf32, #tpu.memory_space<vmem>>, %arg3: memref<64x128xf32, #tpu.memory_space<vmem>>, %arg4: memref<1x1x1000xi32, #tpu.memory_space<vmem>>, %arg5: memref<64x128xf32, #tpu.memory_space<vmem>>, %arg6: memref<256x128xf32, #tpu.memory_space<vmem>>, %arg7: memref<128xf32, #tpu.memory_space<vmem>>, %arg8: memref<128x1xf32, #tpu.memory_space<vmem>>, %arg9: memref<1xf32, #tpu.memory_space<vmem>>, %arg10: memref<64x1xf32, #tpu.memory_space<vmem>>, %arg11: memref<64x64xf32, #tpu.memory_space<vmem>>) attributes {dimension_semantics = [#tpu.dimension_semantics<arbitrary>], iteration_bounds = array<i64: 10>, scalar_prefetch = 0 : i64, scratch_operands = 1 : i64, tpu.core_type = #tpu.core_type<tc>, window_params = [{transform_indices = @transform_0, window_bounds = array<i64: 2, 1000, 80>}, {pipeline_mode = #tpu.pipeline_mode<synchronous>, transform_indices = @transform_1, window_bounds = array<i64: 64, 256>}, {pipeline_mode = #tpu.pipeline_mode<synchronous>, transform_indices = @transform_2, window_bounds = array<i64: 64, 128>}, {transform_indices = @transform_3, window_bounds = array<i64: 1, 1, 1000>}, {pipeline_mode = #tpu.pipeline_mode<synchronous>, transform_indices = @transform_4, window_bounds = array<i64: 64, 128>}, {pipeline_mode = #tpu.pipeline_mode<synchronous>, transform_indices = @transform_5, window_bounds = array<i64: 256, 128>}, {pipeline_mode = #tpu.pipeline_mode<synchronous>, transform_indices = @transform_6, window_bounds = array<i64: 128>}, {pipeline_mode = #tpu.pipeline_mode<synchronous>, transform_indices = @transform_7, window_bounds = array<i64: 128, 1>}, {pipeline_mode = #tpu.pipeline_mode<synchronous>, transform_indices = @transform_8, window_bounds = array<i64: 1>}, {pipeline_mode = #tpu.pipeline_mode<synchronous>, transform_indices = @transform_9, window_bounds = array<i64: 64, 1>}]} {
    %eq3A = arith.constant 0 : i32
    %eq3A_0 = arith.cmpi eq, %arg0, %eq3A : i32
    %convert_element_type3A = arith.extui %eq3A_0 : i1 to i32
    %cond3A = arith.constant 0 : i32
    %cond3A_1 = arith.cmpi ne, %convert_element_type3A, %cond3A : i32
    scf.if %cond3A_1 {
      %broadcast_in_dim3A_88 = arith.constant 0.000000e+00 : f32
      %broadcast_in_dim3A_89 = vector.broadcast %broadcast_in_dim3A_88 : f32 to vector<64x64xf32>
      %swap3A_90 = arith.constant 0 : index
      %swap3A_91 = arith.constant 0 : index
      %swap3A_92 = vector.load %arg11[%swap3A_90, %swap3A_91] : memref<64x64xf32, #tpu.memory_space<vmem>>, vector<64x64xf32>
      tpu.vector_store %arg11[%swap3A_90, %swap3A_91], %broadcast_in_dim3A_89 {strides = array<i32>} : memref<64x64xf32, #tpu.memory_space<vmem>>, vector<64x64xf32>,
    } else {
    }
    %get3A = arith.constant 0 : index
    %get3A_2 = arith.constant 0 : index
    %get3A_3 = arith.constant 0 : index
    %get3A_4 = vector.load %arg1[%get3A, %get3A_2, %get3A_3] : memref<2x1000x80xf32, #tpu.memory_space<vmem>>, vector<2x1000x80xf32>
    %slice3A = vector.extract_strided_slice %get3A_4 {offsets = [0, 0, 64], sizes = [1, 1000, 1], strides = [1, 1, 1]} : vector<2x1000x80xf32> to vector<1x1000x1xf32>
    %squeeze3A = vector.shape_cast %slice3A : vector<1x1000x1xf32> to vector<1000x1xf32>
    %slice3A_5 = vector.extract_strided_slice %get3A_4 {offsets = [1, 0, 64], sizes = [1, 1000, 1], strides = [1, 1, 1]} : vector<2x1000x80xf32> to vector<1x1000x1xf32>
    %squeeze3A_6 = vector.shape_cast %slice3A_5 : vector<1x1000x1xf32> to vector<1000x1xf32>
    %add3A = arith.addf %squeeze3A, %squeeze3A_6 : vector<1000x1xf32>
    %slice3A_7 = vector.extract_strided_slice %get3A_4 {offsets = [0, 0, 0], sizes = [1, 1000, 64], strides = [1, 1, 1]} : vector<2x1000x80xf32> to vector<1x1000x64xf32>
    %squeeze3A_8 = vector.shape_cast %slice3A_7 : vector<1x1000x64xf32> to vector<1000x64xf32>
    %slice3A_9 = vector.extract_strided_slice %get3A_4 {offsets = [1, 0, 0], sizes = [1, 1000, 64], strides = [1, 1, 1]} : vector<2x1000x80xf32> to vector<1x1000x64xf32>
    %squeeze3A_10 = vector.shape_cast %slice3A_9 : vector<1x1000x64xf32> to vector<1000x64xf32>
    %add3A_11 = arith.addf %squeeze3A_8, %squeeze3A_10 : vector<1000x64xf32>
    %max3A = arith.constant 1.000000e+00 : f32
    %max3A_12 = vector.broadcast %max3A : f32 to vector<1000x1xf32>
    %max3A_13 = arith.maximumf %add3A, %max3A_12 : vector<1000x1xf32>
    %div3A = vector.broadcast %max3A_13 : vector<1000x1xf32> to vector<1000x64xf32>
    %div3A_14 = arith.divf %add3A_11, %div3A : vector<1000x64xf32>
    %get3A_15 = arith.constant 0 : index
    %get3A_16 = arith.constant 0 : index
    %get3A_17 = arith.constant 0 : index
    %get3A_18 = vector.load %arg4[%get3A_15, %get3A_16, %get3A_17] : memref<1x1x1000xi32, #tpu.memory_space<vmem>>, vector<1x1x1000xi32>
    %reshape3A = vector.shape_cast %get3A_18 : vector<1x1x1000xi32> to vector<1x1000xi32>
    %iota3A = tpu.iota {dimensions = array<i32: 0>} : vector<64x1000xi32>
    %eq3A_19 = vector.broadcast %reshape3A : vector<1x1000xi32> to vector<64x1000xi32>
    %eq3A_20 = arith.cmpi eq, %iota3A, %eq3A_19 : vector<64x1000xi32>
    %convert_element_type3A_21 = arith.extui %eq3A_20 : vector<64x1000xi1> to vector<64x1000xi32>
    %convert_element_type3A_22 = arith.sitofp %convert_element_type3A_21 : vector<64x1000xi32> to vector<64x1000xf32>
    %get3A_23 = arith.constant 0 : index
    %get3A_24 = arith.constant 0 : index
    %get3A_25 = vector.load %arg11[%get3A_23, %get3A_24] : memref<64x64xf32, #tpu.memory_space<vmem>>, vector<64x64xf32>
    %dot_general3A = arith.constant dense<0.000000e+00> : vector<64x64xf32>
    %dot_general3A_26 = tpu.matmul %convert_element_type3A_22, %div3A_14, %dot_general3A {dimension_numbers = #tpu.dot_dimension_numbers<[1], [0], [0], [1], [0, 0, 1, 1], [], []>, transpose_lhs_hint = false} : vector<64x1000xf32>, vector<1000x64xf32>, vector<64x64xf32> -> vector<64x64xf32>
    %add3A_27 = arith.addf %get3A_25, %dot_general3A_26 : vector<64x64xf32>
    %swap3A = arith.constant 0 : index
    %swap3A_28 = arith.constant 0 : index
    %swap3A_29 = vector.load %arg11[%swap3A, %swap3A_28] : memref<64x64xf32, #tpu.memory_space<vmem>>, vector<64x64xf32>
    tpu.vector_store %arg11[%swap3A, %swap3A_28], %add3A_27 {strides = array<i32>} : memref<64x64xf32, #tpu.memory_space<vmem>>, vector<64x64xf32>,
    %get3A_30 = arith.constant 0 : index
    %get3A_31 = arith.constant 0 : index
    %get3A_32 = vector.load %arg3[%get3A_30, %get3A_31] : memref<64x128xf32, #tpu.memory_space<vmem>>, vector<64x128xf32>
    %slice3A_33 = vector.extract_strided_slice %get3A_32 {offsets = [0, 0], sizes = [64, 1], strides = [1, 1]} : vector<64x128xf32> to vector<64x1xf32>
    %max3A_34 = arith.constant 1.000000e+00 : f32
    %max3A_35 = vector.broadcast %max3A_34 : f32 to vector<64x1xf32>
    %max3A_36 = arith.maximumf %slice3A_33, %max3A_35 : vector<64x1xf32>
    %div3A_37 = arith.constant 1.000000e+00 : f32
    %div3A_38 = vector.broadcast %div3A_37 : f32 to vector<64x1xf32>
    %div3A_39 = arith.divf %div3A_38, %max3A_36 : vector<64x1xf32>
    %get3A_40 = arith.constant 0 : index
    %get3A_41 = arith.constant 0 : index
    %get3A_42 = vector.load %arg11[%get3A_40, %get3A_41] : memref<64x64xf32, #tpu.memory_space<vmem>>, vector<64x64xf32>
    %mul3A = vector.broadcast %div3A_39 : vector<64x1xf32> to vector<64x64xf32>
    %mul3A_43 = arith.mulf %get3A_42, %mul3A : vector<64x64xf32>
    %get3A_44 = arith.constant 0 : index
    %get3A_45 = arith.constant 0 : index
    %get3A_46 = vector.load %arg5[%get3A_44, %get3A_45] : memref<64x128xf32, #tpu.memory_space<vmem>>, vector<64x128xf32>
    %dot_general3A_47 = arith.constant dense<0.000000e+00> : vector<64x128xf32>
    %dot_general3A_48 = tpu.matmul %mul3A_43, %get3A_46, %dot_general3A_47 {dimension_numbers = #tpu.dot_dimension_numbers<[1], [0], [0], [1], [0, 0, 1, 1], [], []>, transpose_lhs_hint = false} : vector<64x64xf32>, vector<64x128xf32>, vector<64x128xf32> -> vector<64x128xf32>
    %get3A_49 = arith.constant 0 : index
    %get3A_50 = arith.constant 0 : index
    %get3A_51 = vector.load %arg2[%get3A_49, %get3A_50] : memref<64x256xf32, #tpu.memory_space<vmem>>, vector<64x256xf32>
    %mul3A_52 = vector.broadcast %div3A_39 : vector<64x1xf32> to vector<64x256xf32>
    %mul3A_53 = arith.mulf %get3A_51, %mul3A_52 : vector<64x256xf32>
    %get3A_54 = arith.constant 0 : index
    %get3A_55 = arith.constant 0 : index
    %get3A_56 = vector.load %arg6[%get3A_54, %get3A_55] : memref<256x128xf32, #tpu.memory_space<vmem>>, vector<256x128xf32>
    %dot_general3A_57 = arith.constant dense<0.000000e+00> : vector<64x128xf32>
    %dot_general3A_58 = tpu.matmul %mul3A_53, %get3A_56, %dot_general3A_57 {dimension_numbers = #tpu.dot_dimension_numbers<[1], [0], [0], [1], [0, 0, 1, 1], [], []>, transpose_lhs_hint = false} : vector<64x256xf32>, vector<256x128xf32>, vector<64x128xf32> -> vector<64x128xf32>
    %add3A_59 = arith.addf %dot_general3A_48, %dot_general3A_58 : vector<64x128xf32>
    %get3A_60 = arith.constant 0 : index
    %get3A_61 = vector.load %arg7[%get3A_60] : memref<128xf32, #tpu.memory_space<vmem>>, vector<128xf32>
    %broadcast_in_dim3A = vector.shape_cast %get3A_61 : vector<128xf32> to vector<1x128xf32>
    %add3A_62 = vector.broadcast %broadcast_in_dim3A : vector<1x128xf32> to vector<64x128xf32>
    %add3A_63 = arith.addf %add3A_59, %add3A_62 : vector<64x128xf32>
    %max3A_64 = arith.constant 0.000000e+00 : f32
    %max3A_65 = vector.broadcast %max3A_64 : f32 to vector<64x128xf32>
    %max3A_66 = arith.maximumf %add3A_63, %max3A_65 : vector<64x128xf32>
    %get3A_67 = arith.constant 0 : index
    %get3A_68 = arith.constant 0 : index
    %get3A_69 = vector.load %arg8[%get3A_67, %get3A_68] : memref<128x1xf32, #tpu.memory_space<vmem>>, vector<128x1xf32>
    %dot_general3A_70 = arith.constant dense<0.000000e+00> : vector<64x1xf32>
    %dot_general3A_71 = tpu.matmul %max3A_66, %get3A_69, %dot_general3A_70 {dimension_numbers = #tpu.dot_dimension_numbers<[1], [0], [0], [1], [0, 0, 1, 1], [], []>, transpose_lhs_hint = false} : vector<64x128xf32>, vector<128x1xf32>, vector<64x1xf32> -> vector<64x1xf32>
    %get3A_72 = arith.constant 0 : index
    %get3A_73 = vector.load %arg9[%get3A_72] : memref<1xf32, #tpu.memory_space<vmem>>, vector<1xf32>
    %broadcast_in_dim3A_74 = vector.shape_cast %get3A_73 : vector<1xf32> to vector<1x1xf32>
    %add3A_75 = vector.broadcast %broadcast_in_dim3A_74 : vector<1x1xf32> to vector<64x1xf32>
    %add3A_76 = arith.addf %dot_general3A_71, %add3A_75 : vector<64x1xf32>
    %neg3A = arith.constant 0.000000e+00 : f32
    %neg3A_77 = vector.broadcast %neg3A : f32 to vector<64x1xf32>
    %neg3A_78 = arith.subf %neg3A_77, %add3A_76 : vector<64x1xf32>
    %exp3A = math.exp %neg3A_78 : vector<64x1xf32>
    %add3A_79 = arith.constant 1.000000e+00 : f32
    %add3A_80 = vector.broadcast %add3A_79 : f32 to vector<64x1xf32>
    %add3A_81 = arith.addf %add3A_80, %exp3A : vector<64x1xf32>
    %div3A_82 = arith.constant 1.000000e+00 : f32
    %div3A_83 = vector.broadcast %div3A_82 : f32 to vector<64x1xf32>
    %div3A_84 = arith.divf %div3A_83, %add3A_81 : vector<64x1xf32>
    %swap3A_85 = arith.constant 0 : index
    %swap3A_86 = arith.constant 0 : index
    %swap3A_87 = vector.load %arg10[%swap3A_85, %swap3A_86] : memref<64x1xf32, #tpu.memory_space<vmem>>, vector<64x1xf32>
    tpu.vector_store %arg10[%swap3A_85, %swap3A_86], %div3A_84 {strides = array<i32>} : memref<64x1xf32, #tpu.memory_space<vmem>>, vector<64x1xf32>,
    return
  }
  func.func @transform_0(%arg0: i32) -> (i32, i32, i32) {
    %c0_i32 = arith.constant 0 : i32
    %c0_i32_0 = arith.constant 0 : i32
    %c0_i32_1 = arith.constant 0 : i32
    return %c0_i32, %arg0, %c0_i32_0 : i32, i32, i32
  }
  func.func @transform_1(%arg0: i32) -> (i32, i32) {
    %c0_i32 = arith.constant 0 : i32
    %c0_i32_0 = arith.constant 0 : i32
    %c0_i32_1 = arith.constant 0 : i32
    return %c0_i32, %c0_i32_0 : i32, i32
  }
  func.func @transform_2(%arg0: i32) -> (i32, i32) {
    %c0_i32 = arith.constant 0 : i32
    %c0_i32_0 = arith.constant 0 : i32
    %c0_i32_1 = arith.constant 0 : i32
    return %c0_i32, %c0_i32_0 : i32, i32
  }
  func.func @transform_3(%arg0: i32) -> (i32, i32, i32) {
    %c0_i32 = arith.constant 0 : i32
    %c0_i32_0 = arith.constant 0 : i32
    %c0_i32_1 = arith.constant 0 : i32
    return %arg0, %c0_i32, %c0_i32_0 : i32, i32, i32
  }
  func.func @transform_4(%arg0: i32) -> (i32, i32) {
    %c0_i32 = arith.constant 0 : i32
    %c0_i32_0 = arith.constant 0 : i32
    %c0_i32_1 = arith.constant 0 : i32
    return %c0_i32, %c0_i32_0 : i32, i32
  }
  func.func @transform_5(%arg0: i32) -> (i32, i32) {
    %c0_i32 = arith.constant 0 : i32
    %c0_i32_0 = arith.constant 0 : i32
    %c0_i32_1 = arith.constant 0 : i32
    return %c0_i32, %c0_i32_0 : i32, i32
  }
  func.func @transform_6(%arg0: i32) -> i32 {
    %c0_i32 = arith.constant 0 : i32
    %c0_i32_0 = arith.constant 0 : i32
    return %c0_i32 : i32
  }
  func.func @transform_7(%arg0: i32) -> (i32, i32) {
    %c0_i32 = arith.constant 0 : i32
    %c0_i32_0 = arith.constant 0 : i32
    %c0_i32_1 = arith.constant 0 : i32
    return %c0_i32, %c0_i32_0 : i32, i32
  }
  func.func @transform_8(%arg0: i32) -> i32 {
    %c0_i32 = arith.constant 0 : i32
    %c0_i32_0 = arith.constant 0 : i32
    return %c0_i32 : i32
  }
  func.func @transform_9(%arg0: i32) -> (i32, i32) {
    %c0_i32 = arith.constant 0 : i32
    %c0_i32_0 = arith.constant 0 : i32
    %c0_i32_1 = arith.constant 0 : i32
    return %c0_i32, %c0_i32_0 : i32, i32
  }
}

</mosaic_0001>

<sc_bundles>
// kernel: kernel.12.cloned.1.call-start
scs
__scs_entry_jumppad:
0x0: {  	(pc) =	sbr.rel $0x88, $3  }
0x1: {  	(tag) =	ssettag $0x0;
	lr =	simm.s32 $0x1  }
0x2: {  	[smem:$0x3F91] =	sst lr;
	_ =	strace $0xD0000000  }
0x3: {  	_ = 	snop  }
0x4: {  	_ = 	snop  }
0x5: {  	_ = 	snop  }
0x6: {  	_ = 	snop  }
0x7: {  	_ = 	snop  }
__scs_overlays_trampoline_lowered:
0x8: {  	[smem:$0x3FA0] =	sst s0  }
0x9: {  	[smem:$0x3FA1] =	sst s1  }
0xa: {  	[smem:$0x3FA2] =	sst s2  }
0xb: {  	[smem:$0x3FA3] =	sst s3  }
0xc: {  	[smem:$0x3FA4] =	sst s4  }
0xd: {  	[smem:$0x3FA5] =	sst s5  }
0xe: {  	[smem:$0x3FA6] =	sst s6  }
0xf: {  	[smem:$0x3FA7] =	sst s7  }
0x10: {  	[smem:$0x3FA8] =	sst s8  }
0x11: {  	[smem:$0x3FA9] =	sst s9;
	s0 =	simm.s32 @!p0 $0x0  }
0x12: {  	s1 =	sld [smem:$0x3F8F];
	s0 =	simm.s32 @p0 $0x1  }
0x13: {  	[smem:$0x3FAA] =	sst s0;
	s0 =	simm.s32 @!p1 $0x0  }
0x14: {  	s2 =	sld [smem:$0x3F8E];
	s0 =	simm.s32 @p1 $0x1  }
0x15: {  	[smem:$0x3FAB] =	sst s0;
	s0 =	simm.s32 @!p2 $0x0  }
0x16: {  	s3 =	sld [smem:$0x3FDB];
	s0 =	simm.s32 @p2 $0x1  }
0x17: {  	s4 =	simm.s32 $0x1BF5;
	[smem:$0x3FAD] =	sst s0  }
0x18: {  	s0 =	sld [smem:$0x3F90];
	_ =	swait.ge [sflag:s4], $0x0  }
0x19: {  	s7 =	sld [smem:$0x3F91]  }
0x1a: {  	s8 =	sadd.s32 $0xFFFFE003, lr  }
0x1b: {  	s9 =	sadd.s32 $0xFFFFFEF7, lr;
	s5 =	simm.s32 $0xFFFFFFFF;
	p2 =	slt.u32 s8, $0xFFFFF086  }
0x1c: {  	p1 =	slt.u32 s9, $0xF7A;
	s5 =	simm.s32 @!p2 $0x0  }
0x1d: {  	s5 =	simm.s32 @p1 $0x1;
	p0 =	seq.s32 s7, s2  }
0x1e: {  	s7 =	smul.u32 @!p0 $0xF7A, s2;
	p2 =	seq.s32 @!p0 s5, $0x0  }
0x1f: {  	s9 =	smul.u32 $0xF7A, s1;
	s8 =	simm.s32 @!p0 $0x1BF5;
	p2 =	por !p2, p0  }
0x20: {  	[sflag:s8] =	ssyncset.s32 @!p0 $0xFFFFF086;
	s6 =	sadd.s32 @!p0 s3, s7;
	s7 =	simm.s32 @!p0 $0x108  }
0x21: {  	s3 =	sadd.s32 s3, s9;
	s6 =	sadd.s32 @!p0 $0x88, s6;
	s7 =	simm.s32 @p2 $0x1082  }
0x22: {  	[simem:s7], [sflag:s8] =	dma.local @!p0 [hbm:s6], $0xF7A  }
0x23: {  	s9 =	sor.u32 $0xD0000000, s2;
	s6 =	simm.s32 $0x108;
	_ =	swait.ge @!p0 [sflag:s8], $0x0  }
0x24: {  	s3 =	sadd.s32 $0x88, s3;
	s6 =	simm.s32 @!p1 $0x1082;
	[sflag:s4] =	ssyncset.s32 $0xFFFFF086  }
0x25: {  	[simem:s6], [sflag:s4] =	dma.local [hbm:s3], $0xF7A  }
0x26: {  	[smem:$0x3F91] =	sst s1;
	(tag) =	ssettag s2;
	_ =	strace s9  }
0x27: {  	s1 =	sld [smem:$0x3FA1]  }
0x28: {  	s2 =	sld [smem:$0x3FA2]  }
0x29: {  	s4 =	sld [smem:$0x3FA4]  }
0x2a: {  	p0 =	seq.s32 s5, $0x0;
	s5 =	sld [smem:$0x3FA5]  }
0x2b: {  	s6 =	sld [smem:$0x3FA6]  }
0x2c: {  	s7 =	sld [smem:$0x3FA7]  }
0x2d: {  	s3 =	simm.s32 $0x108;
	s8 =	sld [smem:$0x3FA8]  }
0x2e: {  	s3 =	simm.s32 @!p0 $0x1082;
	s9 =	sld [smem:$0x3FA9]  }
0x2f: {  	lr =	sadd.s32 s0, s3;
	s0 =	sld [smem:$0x3FA0]  }
0x30: {  	s3 =	sld [smem:$0x3FA3]  }
0x31: {  	[smem:$0x3FAC] =	sst s10  }
0x32: {  	s10 =	sld [smem:$0x3FAA];
	_ =	sdelay $0x3  }
0x33: {  	p0 =	seq.s32 s10, $0x1;
	s10 =	sld [smem:$0x3FAC];
	_ =	sdelay $0x3  }
0x34: {  	[smem:$0x3FAC] =	sst s10  }
0x35: {  	s10 =	sld [smem:$0x3FAB];
	_ =	sdelay $0x3  }
0x36: {  	p1 =	seq.s32 s10, $0x1;
	s10 =	sld [smem:$0x3FAC];
	_ =	sdelay $0x3  }
0x37: {  	[smem:$0x3FAC] =	sst s10  }
0x38: {  	s10 =	sld [smem:$0x3FAD]  }
0x39: {  	_ = 	snop;
	(pc) =	sbr.ind lr, $3  }
0x3a: {  	_ = 	snop  }
0x3b: {  	_ = 	snop  }
0x3c: {  	p2 =	seq.s32 s10, $0x1;
	s10 =	sld [smem:$0x3FAC]  }
0x3d: {  	_ =	shalt  }
0x3e: {  	_ =	shalt  }
0x3f: {  	_ =	shalt  }
0x40: {  	_ =	shalt  }
0x41: {  	_ =	shalt  }
0x42: {  	_ =	shalt  }
0x43: {  	_ =	shalt  }
0x44: {  	_ =	shalt  }
0x45: {  	_ =	shalt  }
0x46: {  	_ =	shalt  }
0x47: {  	_ =	shalt  }
0x48: {  	_ =	shalt  }
0x49: {  	_ =	shalt  }
0x4a: {  	_ =	shalt  }
0x4b: {  	_ =	shalt  }
0x4c: {  	_ =	shalt  }
0x4d: {  	_ =	shalt  }
0x4e: {  	_ =	shalt  }
0x4f: {  	_ =	shalt  }
0x50: {  	_ =	shalt  }
0x51: {  	_ =	shalt  }
0x52: {  	_ =	shalt  }
0x53: {  	_ =	shalt  }
0x54: {  	_ =	shalt  }
0x55: {  	_ =	shalt  }
0x56: {  	_ =	shalt  }
0x57: {  	_ =	shalt  }
0x58: {  	_ =	shalt  }
0x59: {  	_ =	shalt  }
0x5a: {  	_ =	shalt  }
0x5b: {  	_ =	shalt  }
0x5c: {  	_ =	shalt  }
0x5d: {  	_ =	shalt  }
0x5e: {  	_ =	shalt  }
0x5f: {  	_ =	shalt  }
0x60: {  	_ =	shalt  }
0x61: {  	_ =	shalt  }
0x62: {  	_ =	shalt  }
0x63: {  	_ =	shalt  }
0x64: {  	_ =	shalt  }
0x65: {  	_ =	shalt  }
0x66: {  	_ =	shalt  }
0x67: {  	_ =	shalt  }
0x68: {  	_ =	shalt  }
0x69: {  	_ =	shalt  }
0x6a: {  	_ =	shalt  }
0x6b: {  	_ =	shalt  }
0x6c: {  	_ =	shalt  }
0x6d: {  	_ =	shalt  }
0x6e: {  	_ =	shalt  }
0x6f: {  	_ =	shalt  }
0x70: {  	_ =	shalt  }
0x71: {  	_ =	shalt  }
0x72: {  	_ =	shalt  }
0x73: {  	_ =	shalt  }
0x74: {  	_ =	shalt  }
0x75: {  	_ =	shalt  }
0x76: {  	_ =	shalt  }
0x77: {  	_ =	shalt  }
0x78: {  	_ =	shalt  }
0x79: {  	_ =	shalt  }
0x7a: {  	_ =	shalt  }
0x7b: {  	_ =	shalt  }
0x7c: {  	_ =	shalt  }
0x7d: {  	_ =	shalt  }
0x7e: {  	_ =	shalt  }
0x7f: {  	_ =	shalt  }
0x80: {  	_ =	shalt  }
0x81: {  	_ =	shalt  }
0x82: {  	_ =	shalt  }
0x83: {  	_ =	shalt  }
0x84: {  	_ =	shalt  }
0x85: {  	_ =	shalt  }
0x86: {  	_ =	shalt  }
0x87: {  	_ =	shalt  }
.Lfunc_end0:
.L_simem_size_0:
called_computation.1_lowered:
.L_overlay_start_0:
0x88: {  	s2 =	sld [smem:$0x3FD9]  }
0x89: {  	s3 =	sld [smem:$0x3FFE];
	_ =	sdelay $0x1  }
0x8a: {  	s1 =	srdreg.scid  }
0x8b: {  	s0 =	sand.u32 $0x1, s1  }
0x8c: {  	s17 =	sshll.u32 s0, $0xA;
	s2 =	sadd.s32 s3, s2  }
0x8d: {  	s2 =	sadd.s32 s2, s17  }
0x8e: {  	[smem:$0x3FB8] =	sst s2  }
0x8f: {  	_ = 	snop  }
0x90: {  	s2 =	sld [smem:$0x3FD0];
	(tm) =	ssettm $0x1  }
0x91: {  	s18 =	sld [smem:$0x3FFB];
	_ =	sdelay $0x3  }
0x92: {  	_ =	strace s18  }
0x93: {  	s3 =	sld [smem:$0x3FFC];
	_ =	sdelay $0x3  }
0x94: {  	_ =	strace s3  }
0x95: {  	s3 =	sld [smem:$0x3FFD];
	_ =	sdelay $0x3  }
0x96: {  	_ =	strace s3  }
0x97: {  	_ =	strace $0x8FFFFFFF  }
0x98: {  	s19 =	sld [smem:$0x3FDB];
	_ =	sdelay $0x1  }
0x99: {  	s4 =	simm.s32 $_scs_section_size  }
0x9a: {  	s5 =	simm.s32 $_size__tile_overlayer_lowered;
	s6 =	simm.s32 $_tile_overlayer_lowered  }
0x9b: {  	s22 =	simm.s32 $0x1BFF;
	s21 =	sshll.u32 s6, $0x1;
	s3 =	sadd.s32 s4, s19  }
0x9c: {  	s7 =	simm.s32 $0x0;
	s20 =	sshll.u32 s5, $0x1;
	s5 =	sadd.s32 s21, s3  }
0x9d: {  	[timem:s7], [sflag:s22] =	dma.local [hbm:s5], s20  }
0x9e: {  	_ =	swait.ge [sflag:s22], s20  }
0x9f: {  	s4 =	ssub.s32 $0x0, s20;
	[sflag:s22] =	ssyncset.done $0x0  }
0xa0: {  	[sflag:s22] =	ssyncadd.s32 s4;
	_ =	sdelay $0x1  }
0xa1: {  	s23 =	simm.s32 $0x1B8B  }
0xa2: {  	_ =	swait.ge [sflag:s23], $0x1  }
0xa3: {  	[sflag:s23] =	ssyncset.done $0x0  }
0xa4: {  	s25 =	simm.s32 $0x1B8E;
	s24 =	sld [smem:$0x3FFE];
	[sflag:s23] =	ssyncadd.s32 $0xFFFFFFFF  }
0xa5: {  	s26 =	simm.s32 $execute0_lowered;
	[smem:$0x3FD2] =	sst s25  }
0xa6: {  	s5 =	sshll.u32 s26, $0x1;
	_ =	strace $0x80000049;
	[dreg:$0x1] =	wrdreg $0xFFFFFFFF  }
0xa7: {  	s28 =	simm.s32 $_size_execute0_lowered;
	s3 =	sadd.s32 s3, s5;
	[dreg:$0x0] =	wrdreg $0x0  }
0xa8: {  	s5 =	sshll.u32 s28, $0x1;
	[dreg:$0x2] =	wrdreg s3  }
0xa9: {  	[dreg:$0x3] =	wrdreg s5  }
0xaa: {  	[dreg:$0x4] =	wrdreg $0xC0  }
0xab: {  	_ =	task [dreg:s7], $0x5FFFF  }
0xac: {  	[dreg:$0x1] =	wrdreg $0xFFFFFFFF  }
0xad: {  	[dreg:$0x0] =	wrdreg $0x60  }
0xae: {  	[dreg:$0x2] =	wrdreg s24  }
0xaf: {  	[dreg:$0x3] =	wrdreg s2  }
0xb0: {  	[dreg:$0x4] =	wrdreg $0xA4800  }
0xb1: {  	[dreg:$0x5] =	wrdreg $0x9  }
0xb2: {  	_ =	task.clear_ibuf [dreg:s7], $0x6FFFF;
	_ =	strace $0x90000049  }
0xb3: {  	s29 =	simm.s32 $0x9;
	_ =	strace $0x8000004B  }
0xb4: {  	_ =	swait.ge [sflag:s29], $0x1  }
0xb5: {  	[sflag:s29] =	ssyncadd.s32 $0xFFFFFFFF  }
0xb6: {  	_ =	strace $0x9000004B  }
0xb7: {  	_ =	sfence  }
0xb8: {  	s30 =	sld [smem:$0x0];
	_ =	sdelay $0x2  }
0xb9: {  	s31 =	sshll.u32 s1, $0xD;
	s1 =	sshrl.u32 s1, $0x2  }
0xba: {  	s3 =	sand.u32 $0x4000, s31;
	s1 =	sadd.s32 s1, s30  }
0xbb: {  	s0 =	sor.u32 s3, s0;
	s1 =	sshll.u32 s1, $0x11  }
0xbc: {  	s0 =	sor.u32 s1, s0  }
0xbd: {  	s0 =	sadd.s32 $0x8F2B, s0  }
0xbe: {  	[sflag:s0] =	ssyncadd.remote.s32 $0x1  }
0xbf: {  	_ =	sfence.sel $0xFFFF  }
0xc0: {  	[dreg:$0x0] =	wrdreg $0xFFFFFFFF;
	(pc) =	sbr.abs _section_cstart, $3  }
0xc1: {  	[dreg:$0x1] =	wrdreg $0xFFFFFFFF  }
0xc2: {  	_ =	task.clear_ibuf [dreg:s7], $0x2FFFF;
	_ =	strace $0x9FFFFFFF  }
0xc3: {  	(tm) =	ssettm $0x7FFFFFFF  }
tec
execute0_lowered:
.L_overlay_start_1:
0x0: {  	(tag) =	ssettag $0x1  }
0x1: {  	s0 =	srdreg.scid  }
0x2: {  	s11 =	stileid.u32;
	s1 =	rddreg [dreg:$0x0]  }
0x3: {  	s3 =	rddreg [dreg:$0x2];
	s4 =	simm.s32 $0x0;
	s18 =	simm.s32 $0x5400  }
0x4: {  	s19 =	simm.s32 $0x3;
	s21 =	simm.s32 $0x5;
	s7 =	smul.u32 $0xC800, s11  }
0x5: {  	s23 =	simm.s32 $0x3400;
	s28 =	simm.s32 $0x7C00;
	s10 =	smul.u32 $0x32000, s11  }
0x6: {  	s0 =	sand.u32 $0x1, s0;
	s2 =	sshll.u32 s11, $0x1;
	s11 =	smul.u32 $0xFFFFFFB0, s11  }
0x7: {  	s29 =	simm.s32 $0x4;
	s30 =	simm.s32 $0x0;
	s8 =	smul.u32 $0xC8000, s0  }
0x8: {  	s2 =	sor.u32 s0, s2;
	s25 =	ssub.s32 $0x2, s0;
	s0 =	smul.u32 $0xFFFFFFD8, s0  }
0x9: {  	[smem:$0x7FF] =	sst s4;
	s5 =	sadd.s32 $0x1C600, s1;
	s6 =	smul.u32 $0x280, s2  }
0xa: {  	_ =	strace $0x8000004A;
	s9 =	smul.u32 $0xFFFFFFD8, s2;
	s26 =	sshrl.u32 s25, $0x1  }
0xb: {  	s10 =	sshrl.u32 s10, $0x2;
	s14 =	smul.u32 $0xA000, s2;
	s24 =	sadd.s32 s7, s8  }
0xc: {  	s8 =	ssub.s32 s25, s26;
	s7 =	sadd.s32 s7, s3;
	s13 =	sadd.s32 s10, s3  }
0xd: {  	s0 =	sadd.s32 s0, s11;
	s25 =	simm.s32 $0x80;
	s26 =	simm.s32 $0x2  }
0xe: {  	s12 =	sadd.s32 s6, s1;
	s6 =	sshrl.u32 s24, $0x3;
	p0 =	slt.s32 s9, $0xFFFFFB46  }
0xf: {  	s31 =	sadd.s32 $0x2800, s13;
	s10 =	sadd.s32 $0x7800, s13;
	s11 =	sadd.s32 $0xA000, s13  }
0x10: {  	s17 =	smax.u32 s8, $0x1;
	s24 =	simm.s32 $0x1;
	s1 =	sadd.s32 s6, s1  }
0x11: {  	s9 =	simm.s32 @!p0 $0xFFFFFB46;
	[dreg:$0x4] =	wrdreg s31;
	p0 =	slt.s32 s0, $0xFFFFFB46  }
0x12: {  	s12 =	sadd.s32 $0x17600, s12;
	s6 =	sadd.s32 $0x4E2, s9;
	s0 =	simm.s32 @!p0 $0xFFFFFB46  }
0x13: {  	v0 =	vimm.f32 $0.0e+00;
	vm0 =	vcmask $0x300;
	s9 =	sadd.s32 $0x5000, s13;
	s13 =	sadd.s32 s5, s14;
	s0 =	sadd.s32 $0x4E2, s0  }
0x14: {  	v1 =	vsel vm0, $0x3F800000, v0;
	s14 =	smul.u32 $0x50000, s2;
	s15 =	sadd.s32 $0x15C600, s1;
	s16 =	sshrl.u32 s0, $0x1  }
.LBB2_1:
0x15: {  	s1 =	simm.s32 $0x140;
	s0 =	simm.s32 $0x0  }
.LBB2_2:
0x16: {  	p0 =	sne.s32 s1, $0x9EC0;
	[tilespmem:s0+$0x5440] =	vst v0;
	s2 =	smov.u32 s1;
	s1 =	sadd.s32 $0x140, s1  }
.Ltmp0:
0x17: {  	[tilespmem:s0+$0x5430] =	vst v0;
	(pc) =	sbr.rel @p0 .LBB2_2-.Ltmp0, $4  }
0x18: {  	[tilespmem:s0+$0x5420] =	vst v0  }
0x19: {  	[tilespmem:s0+$0x5400] =	vst v0  }
0x1a: {  	[tilespmem:s0+$0x5410] =	vst v0  }
0x1b: {  	s0 =	sshra.s32 s2, $0x2  }
0x1c: {  	[tilespmem:s0+$0x5440] =	vst v0  }
0x1d: {  	[tilespmem:s0+$0x5430] =	vst v0  }
0x1e: {  	[tilespmem:s0+$0x5420] =	vst v0  }
0x1f: {  	[tilespmem:s0+$0x5400] =	vst v0  }
0x20: {  	[tilespmem:s0+$0x5410] =	vst v0  }
0x21: {  	[spmem:s7] =	stream.linear.scatter [tilespmem:s18], [sflag:$0x3], $0x2800, $0x38;
	[tilespmem:$0x16C80] =	vst v63  }
0x22: {  	s31 =	rddreg [dreg:$0x4]  }
0x23: {  	[spmem:s31] =	stream.linear.scatter [tilespmem:s18], [sflag:$0x3], $0x2800, $0x38;
	[tilespmem:$0x16C80] =	vst v63  }
0x24: {  	_ = 	snop  }
0x25: {  	[spmem:s9] =	stream.linear.scatter [tilespmem:s18], [sflag:$0x3], $0x2800, $0x38;
	[tilespmem:$0x16C80] =	vst v63  }
0x26: {  	_ = 	snop  }
0x27: {  	[spmem:s10] =	stream.linear.scatter [tilespmem:s18], [sflag:$0x3], $0x2800, $0x38;
	[tilespmem:$0x16C80] =	vst v63  }
0x28: {  	_ = 	snop  }
0x29: {  	[spmem:s11] =	stream.linear.scatter [tilespmem:s18], [sflag:$0x3], $0x2800, $0x38;
	[tilespmem:$0x16C80] =	vst v63  }
0x2a: {  	_ =	swait.ge [sflag:s19], $0x2800  }
0x2b: {  	[sflag:s19] =	ssyncset.done $0x0  }
0x2c: {  	[sflag:s19] =	ssyncadd.s32 $0xFFFFD800  }
0x2d: {  	_ =	swait.ge [sflag:s19], $0x2800  }
0x2e: {  	[sflag:s19] =	ssyncset.done $0x0  }
0x2f: {  	[sflag:s19] =	ssyncadd.s32 $0xFFFFD800  }
0x30: {  	_ =	swait.ge [sflag:s19], $0x2800  }
0x31: {  	[sflag:s19] =	ssyncset.done $0x0  }
0x32: {  	[sflag:s19] =	ssyncadd.s32 $0xFFFFD800  }
0x33: {  	_ =	swait.ge [sflag:s19], $0x2800  }
0x34: {  	[sflag:s19] =	ssyncset.done $0x0  }
0x35: {  	[sflag:s19] =	ssyncadd.s32 $0xFFFFD800  }
0x36: {  	_ =	swait.ge [sflag:s19], $0x2800  }
0x37: {  	[sflag:s19] =	ssyncset.done $0x0  }
0x38: {  	s0 =	simm.s32 $0x240;
	s1 =	simm.s32 $0x40;
	[sflag:s19] =	ssyncadd.s32 $0xFFFFD800  }
.LBB2_4:
0x39: {  	p0 =	sne.s32 s0, $0x9FC0;
	[tilespmem:s1+$0x5400] =	vst v1;
	s2 =	smov.u32 s0;
	s0 =	sadd.s32 $0x140, s0  }
.Ltmp1:
0x3a: {  	[tilespmem:s1+$0x7C00] =	vst v1;
	(pc) =	sbr.rel @p0 .LBB2_4-.Ltmp1, $2  }
0x3b: {  	_ =	sdelay $0x2  }
0x3c: {  	s1 =	sshra.s32 s2, $0x2  }
0x3d: {  	[tilespmem:s1+$0x5400] =	vst v1  }
0x3e: {  	[tilespmem:s1+$0x7C00] =	vst v1;
	s31 =	simm.s32 $0x0;
	s0 =	rddreg [dreg:$0x1];
	s20 =	simm.s32 $0xA400  }
0x3f: {  	[tilespmem:s20], [sflag:$0x5] =	stream.linear.gather [hbm4b:s0+s31], $0x80, $0x38;
	[tilespmem:$0x16C80] =	vst v63  }
0x40: {  	_ =	swait.ge [sflag:s21], $0x80  }
0x41: {  	[sflag:s21] =	ssyncset.done $0x0  }
0x42: {  	[sflag:s21] =	ssyncadd.s32 $0xFFFFFF80  }
0x43: {  	[tilespmem:s31], [sflag:$0x5] =	stream.linear.gather [hbm4b:s12+s31], $0x1400, $0x38;
	[tilespmem:$0x16C80] =	vst v63  }
0x44: {  	_ =	swait.ge [sflag:s21], $0x1400  }
0x45: {  	[sflag:s21] =	ssyncset.done $0x0  }
0x46: {  	[sflag:s21] =	ssyncadd.s32 $0xFFFFEC00  }
0x47: {  	[bflag:$0x0] =	sbarrier.arrive $0xFFFF  }
0x48: {  	v2 =	vld [tilespmem:$0xA400]  }
0x49: {  	v3 =	vld [tilespmem:$0xA410]  }
0x4a: {  	v4 =	vld [tilespmem:$0xA420]  }
0x4b: {  	v5 =	vld [tilespmem:$0xA430]  }
0x4c: {  	v9 =	vld [tilespmem:$0xA470]  }
0x4d: {  	v6 =	vld [tilespmem:$0xA440]  }
0x4e: {  	s22 =	simm.s32 $0x1400;
	v7 =	vld [tilespmem:$0xA450]  }
0x4f: {  	v8 =	vld [tilespmem:$0xA460];
	[tilespmem:s22], [sflag:$0x1] =	stream.linear.gather [hbm4b:s13+s31], $0x2000, $0x38  }
.LBB2_6:
0x50: {  	s1 =	sshllo.u32 s31, $0x1  }
0x51: {  	s0 =	sshll.u32 s1, $0xD  }
0x52: {  	s0 =	sadd.s32 s14, s0  }
0x53: {  	s0 =	sshrl.u32 s0, $0x3  }
0x54: {  	s0 =	sadd.s32 s5, s0  }
0x55: {  	[tilespmem:s23], [sflag:$0x2] =	stream.linear.gather [hbm4b:s0+s4], $0x2000, $0x38;
	[tilespmem:$0x16C80] =	vst v63  }
0x56: {  	_ =	swait.ge [sflag:s24], $0x2000  }
0x57: {  	p0 =	seq.s32 s31, $0x0;
	[sflag:s24] =	ssyncset.done $0x0  }
0x58: {  	s0 =	simm.s32 @!p0 $0x3;
	[sflag:s24] =	ssyncadd.s32 $0xFFFFE000  }
0x59: {  	_ =	swait.ge @!p0 [sflag:s0], $0x2800  }
0x5a: {  	[sflag:s0] =	ssyncset.done @!p0 $0x0  }
0x5b: {  	s22 =	simm.s32 $0x0;
	[sflag:s0] =	ssyncadd.s32 @!p0 $0xFFFFD800  }
0x5c: {  	v10 =	vld [tilespmem:s22+$0x1400]  }
0x5d: {  	v11 =	vld [tilespmem:s22+$0x1440];
	_ =	sdelay $0x3  }
0x5e: {  	v10 =	vmul.f32 v10, v2  }
0x5f: {  	v11 =	vmul.f32 v11, v2  }
0x60: {  	v10 =	vadd.f32 v10, v6  }
0x61: {  	v11 =	vadd.f32 v11, v6  }
0x62: {  	s2 =	simm.s32 $0x5450;
	v10 =	vmax.f32 v10, $0.0e+00  }
0x63: {  	[tilespmem:s2+$0xFFFFFFB0] =	vst v10;
	v10 =	vmax.f32 v11, $0.0e+00  }
0x64: {  	[tilespmem:s2+$0x0] =	vst v10  }
0x65: {  	v10 =	vld [tilespmem:s22+$0x1410]  }
0x66: {  	v11 =	vld [tilespmem:s22+$0x1450];
	_ =	sdelay $0x3  }
0x67: {  	v10 =	vmul.f32 v10, v3  }
0x68: {  	v11 =	vmul.f32 v11, v3  }
0x69: {  	v10 =	vadd.f32 v10, v7  }
0x6a: {  	v11 =	vadd.f32 v11, v7  }
0x6b: {  	v10 =	vmax.f32 v10, $0.0e+00  }
0x6c: {  	[tilespmem:s2+$0xFFFFFFC0] =	vst v10;
	v10 =	vmax.f32 v11, $0.0e+00  }
0x6d: {  	[tilespmem:s2+$0x10] =	vst v10  }
0x6e: {  	v10 =	vld [tilespmem:s22+$0x1420]  }
0x6f: {  	v11 =	vld [tilespmem:s22+$0x1460];
	_ =	sdelay $0x3  }
0x70: {  	v10 =	vmul.f32 v10, v4  }
0x71: {  	v11 =	vmul.f32 v11, v4  }
0x72: {  	v10 =	vadd.f32 v10, v8  }
0x73: {  	v11 =	vadd.f32 v11, v8  }
0x74: {  	v10 =	vmax.f32 v10, $0.0e+00  }
0x75: {  	[tilespmem:s2+$0xFFFFFFD0] =	vst v10;
	v10 =	vmax.f32 v11, $0.0e+00  }
0x76: {  	[tilespmem:s2+$0x20] =	vst v10  }
0x77: {  	v10 =	vld [tilespmem:s22+$0x1430]  }
0x78: {  	v12 =	vld [tilespmem:s22+$0x1470];
	_ =	sdelay $0x4  }
0x79: {  	s20 =	sshll.u32 s31, $0x1;
	s0 =	simm.s32 $0x200;
	s22 =	simm.s32 $0x5450;
	v11 =	vmul.f32 v10, v5;
	v10 =	vmul.f32 v12, v5  }
.LBB2_7:
0x7a: {  	p1 =	sne.s32 s0, $0x7E00  }
0x7b: {  	v11 =	vadd.f32 v11, v9;
	s2 =	sadd.s32 $0xA0, s2;
	s8 =	smov.u32 s0;
	s0 =	sadd.s32 $0x200, s0  }
0x7c: {  	v10 =	vadd.f32 v10, v9  }
0x7d: {  	v11 =	vmax.f32 v11, $0.0e+00  }
0x7e: {  	[tilespmem:s22+$0xFFFFFFE0] =	vst v11;
	v10 =	vmax.f32 v10, $0.0e+00  }
0x7f: {  	s8 =	sshra.s32 s8, $0x2;
	[tilespmem:s22+$0x30] =	vst v10;
	s22 =	smov.u32 s2  }
0x80: {  	v10 =	vld [tilespmem:s8+$0x1400]  }
0x81: {  	v11 =	vld [tilespmem:s8+$0x1440];
	_ =	sdelay $0x3  }
0x82: {  	v10 =	vmul.f32 v10, v2  }
0x83: {  	v11 =	vmul.f32 v11, v2  }
0x84: {  	v10 =	vadd.f32 v10, v6  }
0x85: {  	v11 =	vadd.f32 v11, v6  }
0x86: {  	v10 =	vmax.f32 v10, $0.0e+00  }
0x87: {  	[tilespmem:s2+$0xFFFFFFB0] =	vst v10;
	v10 =	vmax.f32 v11, $0.0e+00  }
0x88: {  	[tilespmem:s2+$0x0] =	vst v10  }
0x89: {  	v10 =	vld [tilespmem:s8+$0x1410]  }
0x8a: {  	v11 =	vld [tilespmem:s8+$0x1450];
	_ =	sdelay $0x3  }
0x8b: {  	v10 =	vmul.f32 v10, v3  }
0x8c: {  	v11 =	vmul.f32 v11, v3  }
0x8d: {  	v10 =	vadd.f32 v10, v7  }
0x8e: {  	v11 =	vadd.f32 v11, v7  }
0x8f: {  	v10 =	vmax.f32 v10, $0.0e+00  }
0x90: {  	[tilespmem:s2+$0xFFFFFFC0] =	vst v10;
	v10 =	vmax.f32 v11, $0.0e+00  }
0x91: {  	[tilespmem:s2+$0x10] =	vst v10  }
0x92: {  	v10 =	vld [tilespmem:s8+$0x1420]  }
0x93: {  	v11 =	vld [tilespmem:s8+$0x1460];
	_ =	sdelay $0x3  }
0x94: {  	v10 =	vmul.f32 v10, v4  }
0x95: {  	v11 =	vmul.f32 v11, v4  }
0x96: {  	v10 =	vadd.f32 v10, v8  }
0x97: {  	v11 =	vadd.f32 v11, v8  }
0x98: {  	v10 =	vmax.f32 v10, $0.0e+00  }
0x99: {  	[tilespmem:s2+$0xFFFFFFD0] =	vst v10;
	v10 =	vmax.f32 v11, $0.0e+00  }
0x9a: {  	[tilespmem:s2+$0x20] =	vst v10  }
0x9b: {  	v10 =	vld [tilespmem:s8+$0x1430]  }
0x9c: {  	v12 =	vld [tilespmem:s8+$0x1470]  }
.Ltmp2:
0x9d: {  	(pc) =	sbr.rel @p1 .LBB2_7-.Ltmp2, $3  }
0x9e: {  	_ =	sdelay $0x1  }
0x9f: {  	v11 =	vmul.f32 v10, v5  }
0xa0: {  	v10 =	vmul.f32 v12, v5  }
0xa1: {  	v11 =	vadd.f32 v11, v9  }
0xa2: {  	v10 =	vadd.f32 v10, v9  }
0xa3: {  	v11 =	vmax.f32 v11, $0.0e+00  }
0xa4: {  	s0 =	sshll.u32 s31, $0xA;
	[tilespmem:s22+$0xFFFFFFE0] =	vst v11;
	v10 =	vmax.f32 v10, $0.0e+00  }
0xa5: {  	s0 =	sshra.s32 s0, $0x2;
	[tilespmem:s22+$0x30] =	vst v10  }
0xa6: {  	[spmem:s3] =	stream.indirect.scatter.add.f32 [tilespmem:s18], [sflag:$0x3], $0x50, s0, s25, $0xb8;
	[tilespmem:$0x16C80] =	vst v63  }
0xa7: {  	s0 =	sadd.s32 $0x2, s20  }
0xa8: {  	p1 =	sge.s32 s0, s6  }
0xa9: {  	s0 =	sshll.u32 @!p1 s0, $0xD  }
0xaa: {  	s0 =	sadd.s32 @!p1 s14, s0  }
0xab: {  	s0 =	sshrl.u32 @!p1 s0, $0x3  }
0xac: {  	s2 =	simm.s32 @!p1 $0x0;
	s8 =	simm.s32 @!p1 $0x1400;
	s0 =	sadd.s32 @!p1 s5, s0  }
0xad: {  	[tilespmem:s8], [sflag:$0x1] =	stream.linear.gather @!p1 [hbm4b:s0+s2], $0x2000, $0x38;
	[tilespmem:$0x16C80] =	vst v63  }
0xae: {  	_ =	swait.ge [sflag:s26], $0x2000  }
0xaf: {  	[sflag:s26] =	ssyncset.done $0x0  }
0xb0: {  	s0 =	simm.s32 @!p0 $0x4;
	[sflag:s26] =	ssyncadd.s32 $0xFFFFE000  }
0xb1: {  	_ =	swait.ge @!p0 [sflag:s0], $0x2800  }
0xb2: {  	[sflag:s0] =	ssyncset.done @!p0 $0x0  }
0xb3: {  	s22 =	simm.s32 $0x0;
	[sflag:s0] =	ssyncadd.s32 @!p0 $0xFFFFD800  }
0xb4: {  	v10 =	vld [tilespmem:s22+$0x3400]  }
0xb5: {  	v11 =	vld [tilespmem:s22+$0x3440];
	_ =	sdelay $0x3  }
0xb6: {  	v10 =	vmul.f32 v10, v2  }
0xb7: {  	v11 =	vmul.f32 v11, v2  }
0xb8: {  	v10 =	vadd.f32 v10, v6  }
0xb9: {  	v11 =	vadd.f32 v11, v6  }
0xba: {  	s2 =	simm.s32 $0x7C50;
	v10 =	vmax.f32 v10, $0.0e+00  }
0xbb: {  	[tilespmem:s2+$0xFFFFFFB0] =	vst v10;
	v10 =	vmax.f32 v11, $0.0e+00  }
0xbc: {  	[tilespmem:s2+$0x0] =	vst v10  }
0xbd: {  	v10 =	vld [tilespmem:s22+$0x3410]  }
0xbe: {  	v11 =	vld [tilespmem:s22+$0x3450];
	_ =	sdelay $0x3  }
0xbf: {  	v10 =	vmul.f32 v10, v3  }
0xc0: {  	v11 =	vmul.f32 v11, v3  }
0xc1: {  	v10 =	vadd.f32 v10, v7  }
0xc2: {  	v11 =	vadd.f32 v11, v7  }
0xc3: {  	v10 =	vmax.f32 v10, $0.0e+00  }
0xc4: {  	[tilespmem:s2+$0xFFFFFFC0] =	vst v10;
	v10 =	vmax.f32 v11, $0.0e+00  }
0xc5: {  	[tilespmem:s2+$0x10] =	vst v10  }
0xc6: {  	v10 =	vld [tilespmem:s22+$0x3420]  }
0xc7: {  	v11 =	vld [tilespmem:s22+$0x3460];
	_ =	sdelay $0x3  }
0xc8: {  	v10 =	vmul.f32 v10, v4  }
0xc9: {  	v11 =	vmul.f32 v11, v4  }
0xca: {  	v10 =	vadd.f32 v10, v8  }
0xcb: {  	v11 =	vadd.f32 v11, v8  }
0xcc: {  	v10 =	vmax.f32 v10, $0.0e+00  }
0xcd: {  	[tilespmem:s2+$0xFFFFFFD0] =	vst v10;
	v10 =	vmax.f32 v11, $0.0e+00  }
0xce: {  	[tilespmem:s2+$0x20] =	vst v10  }
0xcf: {  	v10 =	vld [tilespmem:s22+$0x3430]  }
0xd0: {  	v12 =	vld [tilespmem:s22+$0x3470];
	_ =	sdelay $0x4  }
0xd1: {  	s20 =	simm.s32 $0x7C50;
	s0 =	simm.s32 $0x200;
	v11 =	vmul.f32 v10, v5;
	v10 =	vmul.f32 v12, v5  }
.LBB2_9:
0xd2: {  	p0 =	sne.s32 s0, $0x7E00  }
0xd3: {  	v11 =	vadd.f32 v11, v9;
	s2 =	sadd.s32 $0xA0, s2;
	s8 =	smov.u32 s0;
	s0 =	sadd.s32 $0x200, s0  }
0xd4: {  	v10 =	vadd.f32 v10, v9  }
0xd5: {  	v11 =	vmax.f32 v11, $0.0e+00  }
0xd6: {  	[tilespmem:s20+$0xFFFFFFE0] =	vst v11;
	v10 =	vmax.f32 v10, $0.0e+00  }
0xd7: {  	s8 =	sshra.s32 s8, $0x2;
	[tilespmem:s20+$0x30] =	vst v10;
	s20 =	smov.u32 s2  }
0xd8: {  	v10 =	vld [tilespmem:s8+$0x3400]  }
0xd9: {  	v11 =	vld [tilespmem:s8+$0x3440];
	_ =	sdelay $0x3  }
0xda: {  	v10 =	vmul.f32 v10, v2  }
0xdb: {  	v11 =	vmul.f32 v11, v2  }
0xdc: {  	v10 =	vadd.f32 v10, v6  }
0xdd: {  	v11 =	vadd.f32 v11, v6  }
0xde: {  	v10 =	vmax.f32 v10, $0.0e+00  }
0xdf: {  	[tilespmem:s2+$0xFFFFFFB0] =	vst v10;
	v10 =	vmax.f32 v11, $0.0e+00  }
0xe0: {  	[tilespmem:s2+$0x0] =	vst v10  }
0xe1: {  	v10 =	vld [tilespmem:s8+$0x3410]  }
0xe2: {  	v11 =	vld [tilespmem:s8+$0x3450];
	_ =	sdelay $0x3  }
0xe3: {  	v10 =	vmul.f32 v10, v3  }
0xe4: {  	v11 =	vmul.f32 v11, v3  }
0xe5: {  	v10 =	vadd.f32 v10, v7  }
0xe6: {  	v11 =	vadd.f32 v11, v7  }
0xe7: {  	v10 =	vmax.f32 v10, $0.0e+00  }
0xe8: {  	[tilespmem:s2+$0xFFFFFFC0] =	vst v10;
	v10 =	vmax.f32 v11, $0.0e+00  }
0xe9: {  	[tilespmem:s2+$0x10] =	vst v10  }
0xea: {  	v10 =	vld [tilespmem:s8+$0x3420]  }
0xeb: {  	v11 =	vld [tilespmem:s8+$0x3460];
	_ =	sdelay $0x3  }
0xec: {  	v10 =	vmul.f32 v10, v4  }
0xed: {  	v11 =	vmul.f32 v11, v4  }
0xee: {  	v10 =	vadd.f32 v10, v8  }
0xef: {  	v11 =	vadd.f32 v11, v8  }
0xf0: {  	v10 =	vmax.f32 v10, $0.0e+00  }
0xf1: {  	[tilespmem:s2+$0xFFFFFFD0] =	vst v10;
	v10 =	vmax.f32 v11, $0.0e+00  }
0xf2: {  	[tilespmem:s2+$0x20] =	vst v10  }
0xf3: {  	v10 =	vld [tilespmem:s8+$0x3430]  }
0xf4: {  	v12 =	vld [tilespmem:s8+$0x3470]  }
.Ltmp3:
0xf5: {  	(pc) =	sbr.rel @p0 .LBB2_9-.Ltmp3, $3  }
0xf6: {  	_ =	sdelay $0x1  }
0xf7: {  	v11 =	vmul.f32 v10, v5  }
0xf8: {  	v10 =	vmul.f32 v12, v5  }
0xf9: {  	s31 =	sadd.s32 $0x1, s31  }
0xfa: {  	v11 =	vadd.f32 v11, v9;
	p0 =	sne.s32 s31, s16  }
.Ltmp4:
0xfb: {  	v10 =	vadd.f32 v10, v9;
	(pc) =	sbr.rel @p0 .LBB2_6-.Ltmp4, $4  }
0xfc: {  	v11 =	vmax.f32 v11, $0.0e+00  }
0xfd: {  	s0 =	sshll.u32 s1, $0x9;
	[tilespmem:s20+$0xFFFFFFE0] =	vst v11;
	v10 =	vmax.f32 v10, $0.0e+00  }
0xfe: {  	s0 =	sshra.s32 s0, $0x2;
	[tilespmem:s20+$0x30] =	vst v10  }
0xff: {  	[spmem:s3] =	stream.indirect.scatter.add.f32 [tilespmem:s28], [sflag:$0x4], $0x50, s0, s25, $0xb8;
	[tilespmem:$0x16C80] =	vst v63  }
0x100: {  	_ =	swait.ge [sflag:s19], $0x2800  }
0x101: {  	[sflag:s19] =	ssyncset.done $0x0  }
0x102: {  	[sflag:s19] =	ssyncadd.s32 $0xFFFFD800  }
0x103: {  	s0 =	stileid.u32;
	_ =	swait.ge [sflag:s29], $0x2800  }
0x104: {  	s1 =	sshrl.u32 s7, $0x3;
	s30 =	sadd.s32 $0x1, s30;
	[sflag:s29] =	ssyncset.done $0x0  }
0x105: {  	s0 =	sshll.u32 s0, $0x6;
	p0 =	sne.s32 s30, s17;
	[sflag:s29] =	ssyncadd.s32 $0xFFFFD800  }
.Ltmp5:
0x106: {  	s0 =	sor.u32 $0x1C05, s0;
	[bflag:$0x0] =	sbarrier.arrive $0xFFFF;
	(pc) =	sbr.rel @p0 .LBB2_1-.Ltmp5, $4  }
0x107: {  	[hbm:s15], [sflag:s0] =	dma.local [spmem:s1], $0x1900  }
0x108: {  	_ =	swait.ge [sflag:s21], $0x1900  }
0x109: {  	[sflag:s21] =	ssyncset.done $0x0  }
0x10a: {  	[sflag:s21] =	ssyncadd.s32 $0xFFFFE700  }
0x10b: {  	_ =	sfence.sel $0x180000  }
0x10c: {  	[bflag:$0x0] =	sbarrier.arrive $0xFFFF  }
0x10d: {  	_ =	strace $0x9000004A  }
0x10e: {  	s0 =	stileid.u32;
	[bflag:$0x2] =	sbarrier.arrive $0xFFFF  }
0x10f: {  	p0 =	sne.s32 s0, $0x0;
	s0 =	rddreg [dreg:$0x3]  }
0x110: {  	s0 =	sadd.s32 @!p0 $0x100000, s0  }
0x111: {  	[sflag:s0] =	ssyncadd.tile.s32 @!p0 $0x1;
	_ =	shalt  }
.Lfunc_end2:
_tile_overlayer_lowered:
.L_overlay_start_2:
0x112: {  	(tag) =	ssettag $0x2  }
0x113: {  	s0 =	rddreg [dreg:$0x0];
	s2 =	stileid.u32  }
0x114: {  	s1 =	rddreg [dreg:$0x1];
	p0 =	sne.s32 s2, $0x0  }
0x115: {  	s3 =	rddreg [dreg:$0x2];
	[bflag:$0x3] =	sbarrier.arrive $0xFFFF;
	s2 =	simm.s32 @!p0 $0x1C05  }
0x116: {  	[timem:s3], [sflag:s2] =	dma.local @!p0 [hbm:s0], s1  }
0x117: {  	s0 =	simm.s32 @!p0 $0x5  }
0x118: {  	_ =	swait.ge @!p0 [sflag:s0], s1  }
0x119: {  	s1 =	ssub.s32 @!p0 $0x0, s1;
	[sflag:s0] =	ssyncset.done @!p0 $0x0  }
0x11a: {  	[sflag:s0] =	ssyncadd.s32 @!p0 s1  }
0x11b: {  	[bflag:$0x3] =	sbarrier.arrive $0xFFFF  }
0x11c: {  	_ =	shalt  }

// kernel: kernel.9.cloned.1.call-start
scs
__scs_entry_jumppad:
0x0: {  	(pc) =	sbr.rel $0x88, $3  }
0x1: {  	(tag) =	ssettag $0x0;
	lr =	simm.s32 $0x1  }
0x2: {  	[smem:$0x3F91] =	sst lr;
	_ =	strace $0xD0000000  }
0x3: {  	_ = 	snop  }
0x4: {  	_ = 	snop  }
0x5: {  	_ = 	snop  }
0x6: {  	_ = 	snop  }
0x7: {  	_ = 	snop  }
__scs_overlays_trampoline_lowered:
0x8: {  	[smem:$0x3FA0] =	sst s0  }
0x9: {  	[smem:$0x3FA1] =	sst s1  }
0xa: {  	[smem:$0x3FA2] =	sst s2  }
0xb: {  	[smem:$0x3FA3] =	sst s3  }
0xc: {  	[smem:$0x3FA4] =	sst s4  }
0xd: {  	[smem:$0x3FA5] =	sst s5  }
0xe: {  	[smem:$0x3FA6] =	sst s6  }
0xf: {  	[smem:$0x3FA7] =	sst s7  }
0x10: {  	[smem:$0x3FA8] =	sst s8  }
0x11: {  	[smem:$0x3FA9] =	sst s9;
	s0 =	simm.s32 @!p0 $0x0  }
0x12: {  	s1 =	sld [smem:$0x3F8F];
	s0 =	simm.s32 @p0 $0x1  }
0x13: {  	[smem:$0x3FAA] =	sst s0;
	s0 =	simm.s32 @!p1 $0x0  }
0x14: {  	s2 =	sld [smem:$0x3F8E];
	s0 =	simm.s32 @p1 $0x1  }
0x15: {  	[smem:$0x3FAB] =	sst s0;
	s0 =	simm.s32 @!p2 $0x0  }
0x16: {  	s3 =	sld [smem:$0x3FDB];
	s0 =	simm.s32 @p2 $0x1  }
0x17: {  	s4 =	simm.s32 $0x1BF5;
	[smem:$0x3FAD] =	sst s0  }
0x18: {  	s0 =	sld [smem:$0x3F90];
	_ =	swait.ge [sflag:s4], $0x0  }
0x19: {  	s7 =	sld [smem:$0x3F91]  }
0x1a: {  	s8 =	sadd.s32 $0xFFFFE003, lr  }
0x1b: {  	s9 =	sadd.s32 $0xFFFFFEF7, lr;
	s5 =	simm.s32 $0xFFFFFFFF;
	p2 =	slt.u32 s8, $0xFFFFF086  }
0x1c: {  	p1 =	slt.u32 s9, $0xF7A;
	s5 =	simm.s32 @!p2 $0x0  }
0x1d: {  	s5 =	simm.s32 @p1 $0x1;
	p0 =	seq.s32 s7, s2  }
0x1e: {  	s7 =	smul.u32 @!p0 $0xF7A, s2;
	p2 =	seq.s32 @!p0 s5, $0x0  }
0x1f: {  	s9 =	smul.u32 $0xF7A, s1;
	s8 =	simm.s32 @!p0 $0x1BF5;
	p2 =	por !p2, p0  }
0x20: {  	[sflag:s8] =	ssyncset.s32 @!p0 $0xFFFFF086;
	s6 =	sadd.s32 @!p0 s3, s7;
	s7 =	simm.s32 @!p0 $0x108  }
0x21: {  	s3 =	sadd.s32 s3, s9;
	s6 =	sadd.s32 @!p0 $0x88, s6;
	s7 =	simm.s32 @p2 $0x1082  }
0x22: {  	[simem:s7], [sflag:s8] =	dma.local @!p0 [hbm:s6], $0xF7A  }
0x23: {  	s9 =	sor.u32 $0xD0000000, s2;
	s6 =	simm.s32 $0x108;
	_ =	swait.ge @!p0 [sflag:s8], $0x0  }
0x24: {  	s3 =	sadd.s32 $0x88, s3;
	s6 =	simm.s32 @!p1 $0x1082;
	[sflag:s4] =	ssyncset.s32 $0xFFFFF086  }
0x25: {  	[simem:s6], [sflag:s4] =	dma.local [hbm:s3], $0xF7A  }
0x26: {  	[smem:$0x3F91] =	sst s1;
	(tag) =	ssettag s2;
	_ =	strace s9  }
0x27: {  	s1 =	sld [smem:$0x3FA1]  }
0x28: {  	s2 =	sld [smem:$0x3FA2]  }
0x29: {  	s4 =	sld [smem:$0x3FA4]  }
0x2a: {  	p0 =	seq.s32 s5, $0x0;
	s5 =	sld [smem:$0x3FA5]  }
0x2b: {  	s6 =	sld [smem:$0x3FA6]  }
0x2c: {  	s7 =	sld [smem:$0x3FA7]  }
0x2d: {  	s3 =	simm.s32 $0x108;
	s8 =	sld [smem:$0x3FA8]  }
0x2e: {  	s3 =	simm.s32 @!p0 $0x1082;
	s9 =	sld [smem:$0x3FA9]  }
0x2f: {  	lr =	sadd.s32 s0, s3;
	s0 =	sld [smem:$0x3FA0]  }
0x30: {  	s3 =	sld [smem:$0x3FA3]  }
0x31: {  	[smem:$0x3FAC] =	sst s10  }
0x32: {  	s10 =	sld [smem:$0x3FAA];
	_ =	sdelay $0x3  }
0x33: {  	p0 =	seq.s32 s10, $0x1;
	s10 =	sld [smem:$0x3FAC];
	_ =	sdelay $0x3  }
0x34: {  	[smem:$0x3FAC] =	sst s10  }
0x35: {  	s10 =	sld [smem:$0x3FAB];
	_ =	sdelay $0x3  }
0x36: {  	p1 =	seq.s32 s10, $0x1;
	s10 =	sld [smem:$0x3FAC];
	_ =	sdelay $0x3  }
0x37: {  	[smem:$0x3FAC] =	sst s10  }
0x38: {  	s10 =	sld [smem:$0x3FAD]  }
0x39: {  	_ = 	snop;
	(pc) =	sbr.ind lr, $3  }
0x3a: {  	_ = 	snop  }
0x3b: {  	_ = 	snop  }
0x3c: {  	p2 =	seq.s32 s10, $0x1;
	s10 =	sld [smem:$0x3FAC]  }
0x3d: {  	_ =	shalt  }
0x3e: {  	_ =	shalt  }
0x3f: {  	_ =	shalt  }
0x40: {  	_ =	shalt  }
0x41: {  	_ =	shalt  }
0x42: {  	_ =	shalt  }
0x43: {  	_ =	shalt  }
0x44: {  	_ =	shalt  }
0x45: {  	_ =	shalt  }
0x46: {  	_ =	shalt  }
0x47: {  	_ =	shalt  }
0x48: {  	_ =	shalt  }
0x49: {  	_ =	shalt  }
0x4a: {  	_ =	shalt  }
0x4b: {  	_ =	shalt  }
0x4c: {  	_ =	shalt  }
0x4d: {  	_ =	shalt  }
0x4e: {  	_ =	shalt  }
0x4f: {  	_ =	shalt  }
0x50: {  	_ =	shalt  }
0x51: {  	_ =	shalt  }
0x52: {  	_ =	shalt  }
0x53: {  	_ =	shalt  }
0x54: {  	_ =	shalt  }
0x55: {  	_ =	shalt  }
0x56: {  	_ =	shalt  }
0x57: {  	_ =	shalt  }
0x58: {  	_ =	shalt  }
0x59: {  	_ =	shalt  }
0x5a: {  	_ =	shalt  }
0x5b: {  	_ =	shalt  }
0x5c: {  	_ =	shalt  }
0x5d: {  	_ =	shalt  }
0x5e: {  	_ =	shalt  }
0x5f: {  	_ =	shalt  }
0x60: {  	_ =	shalt  }
0x61: {  	_ =	shalt  }
0x62: {  	_ =	shalt  }
0x63: {  	_ =	shalt  }
0x64: {  	_ =	shalt  }
0x65: {  	_ =	shalt  }
0x66: {  	_ =	shalt  }
0x67: {  	_ =	shalt  }
0x68: {  	_ =	shalt  }
0x69: {  	_ =	shalt  }
0x6a: {  	_ =	shalt  }
0x6b: {  	_ =	shalt  }
0x6c: {  	_ =	shalt  }
0x6d: {  	_ =	shalt  }
0x6e: {  	_ =	shalt  }
0x6f: {  	_ =	shalt  }
0x70: {  	_ =	shalt  }
0x71: {  	_ =	shalt  }
0x72: {  	_ =	shalt  }
0x73: {  	_ =	shalt  }
0x74: {  	_ =	shalt  }
0x75: {  	_ =	shalt  }
0x76: {  	_ =	shalt  }
0x77: {  	_ =	shalt  }
0x78: {  	_ =	shalt  }
0x79: {  	_ =	shalt  }
0x7a: {  	_ =	shalt  }
0x7b: {  	_ =	shalt  }
0x7c: {  	_ =	shalt  }
0x7d: {  	_ =	shalt  }
0x7e: {  	_ =	shalt  }
0x7f: {  	_ =	shalt  }
0x80: {  	_ =	shalt  }
0x81: {  	_ =	shalt  }
0x82: {  	_ =	shalt  }
0x83: {  	_ =	shalt  }
0x84: {  	_ =	shalt  }
0x85: {  	_ =	shalt  }
0x86: {  	_ =	shalt  }
0x87: {  	_ =	shalt  }
.Lfunc_end0:
.L_simem_size_0:
called_computation_lowered:
.L_overlay_start_0:
0x88: {  	s2 =	sld [smem:$0x3FD9]  }
0x89: {  	s3 =	sld [smem:$0x3FFE];
	_ =	sdelay $0x1  }
0x8a: {  	s1 =	srdreg.scid  }
0x8b: {  	s0 =	sand.u32 $0x1, s1  }
0x8c: {  	s16 =	sshll.u32 s0, $0xA;
	s2 =	sadd.s32 s3, s2  }
0x8d: {  	s2 =	sadd.s32 s2, s16  }
0x8e: {  	[smem:$0x3FB8] =	sst s2  }
0x8f: {  	_ = 	snop  }
0x90: {  	(tm) =	ssettm $0x1  }
0x91: {  	s17 =	sld [smem:$0x3FFB];
	_ =	sdelay $0x3  }
0x92: {  	_ =	strace s17  }
0x93: {  	s2 =	sld [smem:$0x3FFC];
	_ =	sdelay $0x3  }
0x94: {  	_ =	strace s2  }
0x95: {  	s2 =	sld [smem:$0x3FFD];
	_ =	sdelay $0x3  }
0x96: {  	_ =	strace s2  }
0x97: {  	_ =	strace $0x8FFFFFFF  }
0x98: {  	s18 =	sld [smem:$0x3FDB];
	_ =	sdelay $0x1  }
0x99: {  	s19 =	simm.s32 $_scs_section_size  }
0x9a: {  	s4 =	simm.s32 $_size__tile_overlayer_lowered;
	s5 =	simm.s32 $_tile_overlayer_lowered  }
0x9b: {  	s22 =	simm.s32 $0x1BFF;
	s21 =	sshll.u32 s5, $0x1;
	s2 =	sadd.s32 s19, s18  }
0x9c: {  	s6 =	simm.s32 $0x0;
	s20 =	sshll.u32 s4, $0x1;
	s4 =	sadd.s32 s21, s2  }
0x9d: {  	[timem:s6], [sflag:s22] =	dma.local [hbm:s4], s20  }
0x9e: {  	_ =	swait.ge [sflag:s22], s20  }
0x9f: {  	s3 =	ssub.s32 $0x0, s20;
	[sflag:s22] =	ssyncset.done $0x0  }
0xa0: {  	[sflag:s22] =	ssyncadd.s32 s3;
	_ =	sdelay $0x1  }
0xa1: {  	s23 =	simm.s32 $0x1B8B  }
0xa2: {  	_ =	swait.ge [sflag:s23], $0x1  }
0xa3: {  	[sflag:s23] =	ssyncset.done $0x0  }
0xa4: {  	s25 =	simm.s32 $0x1B8E;
	s24 =	sld [smem:$0x3FFE];
	[sflag:s23] =	ssyncadd.s32 $0xFFFFFFFF  }
0xa5: {  	s26 =	simm.s32 $execute0_lowered;
	[smem:$0x3FD2] =	sst s25  }
0xa6: {  	s4 =	sshll.u32 s26, $0x1;
	_ =	strace $0x80000046;
	[dreg:$0x1] =	wrdreg $0xFFFFFFFF  }
0xa7: {  	s28 =	simm.s32 $_size_execute0_lowered;
	s2 =	sadd.s32 s2, s4;
	[dreg:$0x0] =	wrdreg $0x0  }
0xa8: {  	s4 =	sshll.u32 s28, $0x1;
	[dreg:$0x2] =	wrdreg s2  }
0xa9: {  	[dreg:$0x3] =	wrdreg s4  }
0xaa: {  	[dreg:$0x4] =	wrdreg $0xC0  }
0xab: {  	_ =	task [dreg:s6], $0x5FFFF  }
0xac: {  	[dreg:$0x1] =	wrdreg $0xFFFFFFFF  }
0xad: {  	[dreg:$0x0] =	wrdreg $0x60  }
0xae: {  	[dreg:$0x2] =	wrdreg s24  }
0xaf: {  	[dreg:$0x3] =	wrdreg $0x9  }
0xb0: {  	_ =	task.clear_ibuf [dreg:s6], $0x4FFFF;
	_ =	strace $0x90000046  }
0xb1: {  	s29 =	simm.s32 $0x9;
	_ =	strace $0x80000048  }
0xb2: {  	_ =	swait.ge [sflag:s29], $0x1  }
0xb3: {  	[sflag:s29] =	ssyncadd.s32 $0xFFFFFFFF  }
0xb4: {  	_ =	strace $0x90000048  }
0xb5: {  	_ =	sfence  }
0xb6: {  	s30 =	sld [smem:$0x0];
	_ =	sdelay $0x2  }
0xb7: {  	s31 =	sshll.u32 s1, $0xD;
	s1 =	sshrl.u32 s1, $0x2  }
0xb8: {  	s3 =	sand.u32 $0x4000, s31;
	s1 =	sadd.s32 s1, s30  }
0xb9: {  	s0 =	sor.u32 s3, s0;
	s1 =	sshll.u32 s1, $0x11  }
0xba: {  	s0 =	sor.u32 s1, s0  }
0xbb: {  	s0 =	sadd.s32 $0x8F2B, s0  }
0xbc: {  	[sflag:s0] =	ssyncadd.remote.s32 $0x1  }
0xbd: {  	_ =	sfence.sel $0xFFFF  }
0xbe: {  	[dreg:$0x0] =	wrdreg $0xFFFFFFFF;
	(pc) =	sbr.abs _section_cstart, $3  }
0xbf: {  	[dreg:$0x1] =	wrdreg $0xFFFFFFFF  }
0xc0: {  	_ =	task.clear_ibuf [dreg:s6], $0x2FFFF;
	_ =	strace $0x9FFFFFFF  }
0xc1: {  	(tm) =	ssettm $0x7FFFFFFF  }
tec
execute0_lowered:
.L_overlay_start_1:
0x0: {  	(tag) =	ssettag $0x1  }
0x1: {  	s0 =	srdreg.scid  }
0x2: {  	s11 =	stileid.u32;
	s1 =	rddreg [dreg:$0x0]  }
0x3: {  	s2 =	simm.s32 $0x0;
	s13 =	simm.s32 $0x5;
	s14 =	simm.s32 $0x1400  }
0x4: {  	s15 =	simm.s32 $0x80;
	s18 =	simm.s32 $0x4800;
	s19 =	simm.s32 $0x5800  }
0x5: {  	s20 =	simm.s32 $0x1;
	s21 =	simm.s32 $0x6800;
	s22 =	simm.s32 $0x2  }
0x6: {  	s23 =	simm.s32 $0x8800;
	s24 =	simm.s32 $0x3;
	s25 =	simm.s32 $0x4  }
0x7: {  	s26 =	simm.s32 $0xA800;
	s28 =	simm.s32 $0x0;
	s0 =	sand.u32 $0x1, s0  }
0x8: {  	s3 =	sshll.u32 s11, $0x1;
	[smem:$0x7FF] =	sst s2;
	s11 =	smul.u32 $0xFFFFFFB0, s11  }
0x9: {  	s4 =	sadd.s32 $0x3A00, s1;
	s9 =	sor.u32 s0, s3;
	s7 =	smul.u32 $0xFFFFFFD8, s0  }
0xa: {  	_ =	strace $0x80000047;
	s3 =	sadd.s32 $0xD800, s1;
	s5 =	smul.u32 $0x280, s9  }
0xb: {  	s0 =	ssub.s32 $0x2, s0;
	s6 =	smul.u32 $0xFFFFFFD8, s9;
	s10 =	sshll.u32 s9, $0x4  }
0xc: {  	s31 =	sshrl.u32 s0, $0x1;
	s9 =	smul.u32 $0x50000, s9;
	s11 =	sadd.s32 s7, s11  }
0xd: {  	s0 =	ssub.s32 s0, s31;
	s8 =	sadd.s32 s5, s1;
	p0 =	slt.s32 s6, $0xFFFFFB46  }
0xe: {  	s5 =	sadd.s32 $0x21800, s1;
	s6 =	simm.s32 @!p0 $0xFFFFFB46;
	p0 =	slt.s32 s11, $0xFFFFFB46  }
0xf: {  	s1 =	sadd.s32 s10, s1;
	s12 =	smax.u32 s0, $0x1;
	s11 =	simm.s32 @!p0 $0xFFFFFB46  }
0x10: {  	s7 =	sadd.s32 $0x17600, s8;
	s8 =	sadd.s32 $0x1C600, s8;
	s11 =	sadd.s32 $0x4E2, s11  }
0x11: {  	s10 =	sadd.s32 $0x21600, s1;
	s6 =	sadd.s32 $0x4E2, s6;
	s11 =	sshrl.u32 s11, $0x1  }
.LBB2_1:
0x12: {  	[tilespmem:s2], [sflag:$0x5] =	stream.linear.gather [hbm4b:s7+s2], $0x1400, $0x38;
	[tilespmem:$0xA880] =	vst v63  }
0x13: {  	_ =	swait.ge [sflag:s13], $0x1400  }
0x14: {  	[sflag:s13] =	ssyncset.done $0x0  }
0x15: {  	[sflag:s13] =	ssyncadd.s32 $0xFFFFEC00  }
0x16: {  	[tilespmem:s14], [sflag:$0x5] =	stream.linear.gather [hbm4b:s8+s2], $0x1400, $0x38;
	[tilespmem:$0xA880] =	vst v63  }
0x17: {  	_ =	swait.ge [sflag:s13], $0x1400  }
0x18: {  	[sflag:s13] =	ssyncset.done $0x0  }
0x19: {  	s0 =	simm.s32 $0x2800;
	[sflag:s13] =	ssyncadd.s32 $0xFFFFEC00  }
0x1a: {  	v0 =	vimm.f32 $0.0e+00;
	v1 =	vimm.f32 $0.0e+00;
	[tilespmem:s0], [sflag:$0x1] =	stream.indirect.gather [hbm4b:s3+s15], $0x20, s2, s15, $0xb8;
	[tilespmem:$0xA880] =	vst v63  }
0x1b: {  	s31 =	simm.s32 $0x3800;
	v2 =	vimm.f32 $0.0e+00;
	v6 =	vimm.f32 $0.0e+00;
	v4 =	vimm.f32 $0.0e+00;
	s29 =	simm.s32 $0x0  }
0x1c: {  	v3 =	vimm.f32 $0.0e+00;
	v7 =	vimm.f32 $0.0e+00;
	v5 =	vimm.f32 $0.0e+00;
	[tilespmem:s31], [sflag:$0x1] =	stream.indirect.gather [hbm4b:s4+s15], $0x20, s14, s15, $0xb8;
	[tilespmem:$0xA880] =	vst v63  }
.LBB2_2:
0x1d: {  	s30 =	sshllo.u32 s29, $0x1  }
0x1e: {  	s0 =	sshll.u32 s30, $0x7  }
0x1f: {  	[tilespmem:s18], [sflag:$0x2] =	stream.indirect.gather [hbm4b:s3+s15], $0x20, s0, s15, $0xb8;
	[tilespmem:$0xA880] =	vst v63  }
0x20: {  	s0 =	sadd.s32 $0x1400, s0  }
0x21: {  	[tilespmem:s19], [sflag:$0x2] =	stream.indirect.gather [hbm4b:s4+s15], $0x20, s0, s15, $0xb8;
	[tilespmem:$0xA880] =	vst v63  }
0x22: {  	_ =	swait.ge [sflag:s20], $0x1000  }
0x23: {  	[sflag:s20] =	ssyncset.done $0x0  }
0x24: {  	[sflag:s20] =	ssyncadd.s32 $0xFFFFF000  }
0x25: {  	_ =	swait.ge [sflag:s20], $0x1000  }
0x26: {  	p0 =	seq.s32 s29, $0x0;
	[sflag:s20] =	ssyncset.done $0x0  }
0x27: {  	s0 =	simm.s32 @!p0 $0x3;
	[sflag:s20] =	ssyncadd.s32 $0xFFFFF000  }
0x28: {  	_ =	swait.ge @!p0 [sflag:s0], $0x2000  }
0x29: {  	[sflag:s0] =	ssyncset.done @!p0 $0x0  }
0x2a: {  	s1 =	simm.s32 $0x0;
	[sflag:s0] =	ssyncadd.s32 @!p0 $0xFFFFE000  }
0x2b: {  	v10 =	vld [tilespmem:s1+$0x3820]  }
0x2c: {  	v8 =	vld [tilespmem:s1+$0x3830]  }
0x2d: {  	v13 =	vld [tilespmem:s1+$0x2820]  }
0x2e: {  	v17 =	vld [tilespmem:s1+$0x2830];
	_ =	sdelay $0x1  }
0x2f: {  	v9 =	vld [tilespmem:s1+$0x3810]  }
0x30: {  	v12 =	vld [tilespmem:s1+$0x2800];
	v18 =	vunpack.i.l.bf16.f32 v10  }
0x31: {  	s31 =	sshll.u32 s29, $0x1;
	v14 =	vld [tilespmem:s1+$0x3800];
	v16 =	vunpack.i.u.bf16.f32 v8;
	v15 =	vunpack.i.l.bf16.f32 v8;
	v8 =	vunpack.i.l.bf16.f32 v13  }
0x32: {  	s16 =	simm.s32 $0x100;
	s0 =	simm.s32 $0x6840;
	v11 =	vld [tilespmem:s1+$0x2810];
	s1 =	simm.s32 $0x6840;
	v8 =	vadd.f32 v18, v8;
	v18 =	vunpack.i.u.bf16.f32 v17;
	v17 =	vunpack.i.l.bf16.f32 v17  }
.LBB2_3:
0x33: {  	p1 =	sne.s32 s16, $0x3F00  }
0x34: {  	s0 =	sadd.s32 $0x80, s0;
	s17 =	smov.u32 s16;
	s16 =	sadd.s32 $0x100, s16  }
0x35: {  	v13 =	vunpack.i.u.bf16.f32 v13;
	v10 =	vunpack.i.u.bf16.f32 v10;
	v16 =	vadd.f32 v16, v18;
	[tilespmem:s1+$0x0] =	vst v8  }
0x36: {  	v15 =	vadd.f32 v15, v17;
	v18 =	vunpack.i.l.bf16.f32 v12;
	v19 =	vadd.f32 v10, v13  }
0x37: {  	v10 =	vunpack.i.u.bf16.f32 v12;
	v12 =	vunpack.i.u.bf16.f32 v14;
	v13 =	vunpack.i.l.bf16.f32 v14;
	[tilespmem:s1+$0x30] =	vst v16  }
0x38: {  	v13 =	vadd.f32 v13, v18;
	v10 =	vadd.f32 v12, v10;
	v12 =	vunpack.i.u.bf16.f32 v9;
	[tilespmem:s1+$0x10] =	vst v19  }
0x39: {  	v14 =	vunpack.i.u.bf16.f32 v11;
	v11 =	vunpack.i.l.bf16.f32 v11;
	v9 =	vunpack.i.l.bf16.f32 v9;
	[tilespmem:s1+$0x20] =	vst v15  }
0x3a: {  	s17 =	sshra.s32 s17, $0x2;
	v9 =	vadd.f32 v9, v11;
	v11 =	vmul.f32 v13, v13;
	v17 =	vmul.f32 v10, v10;
	[tilespmem:s1+$0xFFFFFFC0] =	vst v13  }
0x3b: {  	v12 =	vadd.f32 v12, v14;
	v14 =	vmul.f32 v19, v19;
	v7 =	vadd.f32 v10, v7;
	[tilespmem:s1+$0xFFFFFFD0] =	vst v10  }
0x3c: {  	v5 =	vadd.f32 v13, v5;
	v6 =	vadd.f32 v11, v6;
	v11 =	vmul.f32 v9, v9;
	[tilespmem:s1+$0xFFFFFFE0] =	vst v9  }
0x3d: {  	v4 =	vadd.f32 v12, v4;
	v2 =	vadd.f32 v17, v2;
	[tilespmem:s1+$0xFFFFFFF0] =	vst v12;
	v12 =	vmul.f32 v12, v12;
	s1 =	smov.u32 s0  }
0x3e: {  	v3 =	vadd.f32 v9, v3;
	v9 =	vmul.f32 v15, v15;
	v1 =	vadd.f32 v11, v1;
	v10 =	vld [tilespmem:s17+$0x3820]  }
0x3f: {  	v2 =	vadd.f32 v14, v2;
	v11 =	vld [tilespmem:s17+$0x3830];
	v0 =	vadd.f32 v12, v0;
	v12 =	vmul.f32 v16, v16  }
0x40: {  	v3 =	vadd.f32 v15, v3;
	v14 =	vmul.f32 v8, v8;
	v1 =	vadd.f32 v9, v1;
	v13 =	vld [tilespmem:s17+$0x2820]  }
0x41: {  	v5 =	vadd.f32 v8, v5;
	v17 =	vld [tilespmem:s17+$0x2830];
	v0 =	vadd.f32 v12, v0  }
.Ltmp0:
0x42: {  	v4 =	vadd.f32 v16, v4;
	v6 =	vadd.f32 v14, v6;
	v9 =	vld [tilespmem:s17+$0x3810];
	(pc) =	sbr.rel @p1 .LBB2_3-.Ltmp0, $4  }
0x43: {  	v7 =	vadd.f32 v19, v7;
	v12 =	vld [tilespmem:s17+$0x2800];
	v8 =	vunpack.i.l.bf16.f32 v10  }
0x44: {  	v14 =	vld [tilespmem:s17+$0x3800];
	v16 =	vunpack.i.u.bf16.f32 v11;
	v15 =	vunpack.i.l.bf16.f32 v11  }
0x45: {  	v11 =	vld [tilespmem:s17+$0x2810];
	v18 =	vunpack.i.l.bf16.f32 v13  }
0x46: {  	v8 =	vadd.f32 v8, v18;
	v18 =	vunpack.i.u.bf16.f32 v17;
	v17 =	vunpack.i.l.bf16.f32 v17  }
0x47: {  	v16 =	vadd.f32 v16, v18  }
0x48: {  	v13 =	vunpack.i.u.bf16.f32 v13;
	v10 =	vunpack.i.u.bf16.f32 v10;
	v15 =	vadd.f32 v15, v17;
	[tilespmem:s1+$0x0] =	vst v8  }
0x49: {  	v13 =	vadd.f32 v10, v13;
	v10 =	vunpack.i.l.bf16.f32 v12;
	v17 =	vunpack.i.l.bf16.f32 v14;
	[tilespmem:s1+$0x30] =	vst v16  }
0x4a: {  	v12 =	vunpack.i.u.bf16.f32 v12;
	v14 =	vunpack.i.u.bf16.f32 v14;
	[tilespmem:s1+$0x20] =	vst v15;
	v10 =	vadd.f32 v17, v10  }
0x4b: {  	[tilespmem:s1+$0x10] =	vst v13;
	v12 =	vadd.f32 v14, v12;
	v14 =	vunpack.i.l.bf16.f32 v11;
	v17 =	vunpack.i.l.bf16.f32 v9  }
0x4c: {  	s0 =	sshll.u32 s29, $0xE;
	v9 =	vunpack.i.u.bf16.f32 v9;
	v11 =	vunpack.i.u.bf16.f32 v11;
	v14 =	vadd.f32 v17, v14;
	[tilespmem:s1+$0xFFFFFFC0] =	vst v10  }
0x4d: {  	s0 =	sadd.s32 s9, s0;
	v9 =	vadd.f32 v9, v11;
	[tilespmem:s1+$0xFFFFFFD0] =	vst v12  }
0x4e: {  	s0 =	sshrl.u32 s0, $0x3;
	[tilespmem:s1+$0xFFFFFFE0] =	vst v14  }
0x4f: {  	s0 =	sadd.s32 s5, s0;
	[tilespmem:s1+$0xFFFFFFF0] =	vst v9  }
0x50: {  	[hbm4b:s0+s2] =	stream.linear.scatter [tilespmem:s21], [sflag:$0x3], $0x2000, $0x38;
	[tilespmem:$0xA880] =	vst v63  }
0x51: {  	s0 =	sadd.s32 $0x2, s31  }
0x52: {  	p1 =	sge.s32 s0, s6  }
0x53: {  	s0 =	sshll.u32 @!p1 s0, $0x7;
	s1 =	simm.s32 @!p1 $0x80;
	s16 =	simm.s32 @!p1 $0x2800  }
0x54: {  	[tilespmem:s16], [sflag:$0x1] =	stream.indirect.gather @!p1 [hbm4b:s3+s1], $0x20, s0, s1, $0xb8;
	[tilespmem:$0xA880] =	vst v63  }
0x55: {  	s0 =	sadd.s32 @!p1 $0x1400, s0;
	s16 =	simm.s32 @!p1 $0x3800  }
0x56: {  	[tilespmem:s16], [sflag:$0x1] =	stream.indirect.gather @!p1 [hbm4b:s4+s1], $0x20, s0, s1, $0xb8;
	[tilespmem:$0xA880] =	vst v63  }
0x57: {  	_ =	swait.ge [sflag:s22], $0x1000  }
0x58: {  	[sflag:s22] =	ssyncset.done $0x0  }
0x59: {  	[sflag:s22] =	ssyncadd.s32 $0xFFFFF000  }
0x5a: {  	_ =	swait.ge [sflag:s22], $0x1000  }
0x5b: {  	[sflag:s22] =	ssyncset.done $0x0  }
0x5c: {  	s0 =	simm.s32 @!p0 $0x4;
	[sflag:s22] =	ssyncadd.s32 $0xFFFFF000  }
0x5d: {  	_ =	swait.ge @!p0 [sflag:s0], $0x2000  }
0x5e: {  	v11 =	vmul.f32 v10, v10;
	v17 =	vmul.f32 v12, v12;
	v12 =	vadd.f32 v12, v7;
	[sflag:s0] =	ssyncset.done @!p0 $0x0  }
0x5f: {  	s17 =	simm.s32 $0x0;
	v18 =	vmul.f32 v8, v8;
	v5 =	vadd.f32 v10, v5;
	v4 =	vadd.f32 v9, v4;
	[sflag:s0] =	ssyncadd.s32 @!p0 $0xFFFFE000  }
0x60: {  	v10 =	vadd.f32 v11, v6;
	v6 =	vmul.f32 v14, v14;
	v11 =	vmul.f32 v9, v9;
	v9 =	vld [tilespmem:s17+$0x5820]  }
0x61: {  	v7 =	vmul.f32 v13, v13;
	v3 =	vadd.f32 v14, v3;
	v2 =	vadd.f32 v17, v2;
	v17 =	vld [tilespmem:s17+$0x5830]  }
0x62: {  	v14 =	vmul.f32 v15, v15;
	v6 =	vadd.f32 v6, v1;
	v0 =	vadd.f32 v11, v0;
	v11 =	vld [tilespmem:s17+$0x4820]  }
0x63: {  	v2 =	vadd.f32 v7, v2;
	v7 =	vmul.f32 v16, v16;
	v1 =	vadd.f32 v15, v3;
	v19 =	vld [tilespmem:s17+$0x4830]  }
0x64: {  	v3 =	vadd.f32 v14, v6;
	v6 =	vadd.f32 v8, v5  }
0x65: {  	v0 =	vadd.f32 v7, v0;
	v7 =	vadd.f32 v18, v10;
	v10 =	vld [tilespmem:s17+$0x5810]  }
0x66: {  	v5 =	vadd.f32 v16, v4;
	v8 =	vadd.f32 v13, v12;
	v13 =	vld [tilespmem:s17+$0x4800];
	v4 =	vunpack.i.l.bf16.f32 v9  }
0x67: {  	v14 =	vld [tilespmem:s17+$0x5800];
	v16 =	vunpack.i.u.bf16.f32 v17;
	v15 =	vunpack.i.l.bf16.f32 v17;
	v17 =	vunpack.i.l.bf16.f32 v11  }
0x68: {  	s31 =	simm.s32 $0x8840;
	s1 =	simm.s32 $0x100;
	s0 =	simm.s32 $0x8840;
	v12 =	vld [tilespmem:s17+$0x4810];
	v18 =	vunpack.i.u.bf16.f32 v19;
	v4 =	vadd.f32 v4, v17;
	v17 =	vunpack.i.l.bf16.f32 v19  }
.LBB2_5:
0x69: {  	p0 =	sne.s32 s1, $0x3F00  }
0x6a: {  	s0 =	sadd.s32 $0x80, s0;
	s16 =	smov.u32 s1;
	s1 =	sadd.s32 $0x100, s1  }
0x6b: {  	v11 =	vunpack.i.u.bf16.f32 v11;
	v9 =	vunpack.i.u.bf16.f32 v9;
	v16 =	vadd.f32 v16, v18;
	[tilespmem:s31+$0x0] =	vst v4  }
0x6c: {  	v15 =	vadd.f32 v15, v17;
	v18 =	vunpack.i.l.bf16.f32 v13;
	v19 =	vadd.f32 v9, v11  }
0x6d: {  	v9 =	vunpack.i.u.bf16.f32 v13;
	v11 =	vunpack.i.u.bf16.f32 v14;
	v13 =	vunpack.i.l.bf16.f32 v14;
	[tilespmem:s31+$0x30] =	vst v16  }
0x6e: {  	v13 =	vadd.f32 v13, v18;
	v9 =	vadd.f32 v11, v9;
	v11 =	vunpack.i.u.bf16.f32 v10;
	[tilespmem:s31+$0x10] =	vst v19  }
0x6f: {  	v14 =	vunpack.i.u.bf16.f32 v12;
	v12 =	vunpack.i.l.bf16.f32 v12;
	v10 =	vunpack.i.l.bf16.f32 v10;
	[tilespmem:s31+$0x20] =	vst v15  }
0x70: {  	s16 =	sshra.s32 s16, $0x2;
	v10 =	vadd.f32 v10, v12;
	v12 =	vmul.f32 v13, v13;
	v17 =	vmul.f32 v9, v9;
	[tilespmem:s31+$0xFFFFFFC0] =	vst v13  }
0x71: {  	v11 =	vadd.f32 v11, v14;
	v14 =	vmul.f32 v19, v19;
	v8 =	vadd.f32 v9, v8;
	[tilespmem:s31+$0xFFFFFFD0] =	vst v9  }
0x72: {  	v6 =	vadd.f32 v13, v6;
	v7 =	vadd.f32 v12, v7;
	v12 =	vmul.f32 v10, v10;
	[tilespmem:s31+$0xFFFFFFE0] =	vst v10  }
0x73: {  	v5 =	vadd.f32 v11, v5;
	v2 =	vadd.f32 v17, v2;
	[tilespmem:s31+$0xFFFFFFF0] =	vst v11;
	v11 =	vmul.f32 v11, v11;
	s31 =	smov.u32 s0  }
0x74: {  	v1 =	vadd.f32 v10, v1;
	v10 =	vmul.f32 v15, v15;
	v3 =	vadd.f32 v12, v3;
	v9 =	vld [tilespmem:s16+$0x5820]  }
0x75: {  	v13 =	vmul.f32 v16, v16;
	v2 =	vadd.f32 v14, v2;
	v12 =	vld [tilespmem:s16+$0x5830];
	v0 =	vadd.f32 v11, v0  }
0x76: {  	v1 =	vadd.f32 v15, v1;
	v14 =	vmul.f32 v4, v4;
	v3 =	vadd.f32 v10, v3;
	v11 =	vld [tilespmem:s16+$0x4820]  }
0x77: {  	v6 =	vadd.f32 v4, v6;
	v17 =	vld [tilespmem:s16+$0x4830];
	v0 =	vadd.f32 v13, v0  }
.Ltmp1:
0x78: {  	v5 =	vadd.f32 v16, v5;
	v7 =	vadd.f32 v14, v7;
	v10 =	vld [tilespmem:s16+$0x5810];
	(pc) =	sbr.rel @p0 .LBB2_5-.Ltmp1, $4  }
0x79: {  	v8 =	vadd.f32 v19, v8;
	v13 =	vld [tilespmem:s16+$0x4800];
	v4 =	vunpack.i.l.bf16.f32 v9  }
0x7a: {  	v14 =	vld [tilespmem:s16+$0x5800];
	v16 =	vunpack.i.u.bf16.f32 v12;
	v15 =	vunpack.i.l.bf16.f32 v12  }
0x7b: {  	v12 =	vld [tilespmem:s16+$0x4810];
	v18 =	vunpack.i.l.bf16.f32 v11  }
0x7c: {  	v4 =	vadd.f32 v4, v18;
	v18 =	vunpack.i.u.bf16.f32 v17;
	v17 =	vunpack.i.l.bf16.f32 v17  }
0x7d: {  	v11 =	vunpack.i.u.bf16.f32 v11  }
0x7e: {  	v9 =	vunpack.i.u.bf16.f32 v9;
	v16 =	vadd.f32 v16, v18;
	v47 =	vadd.f32 v15, v17  }
0x7f: {  	v51 =	vunpack.i.u.bf16.f32 v10;
	v54 =	vunpack.i.l.bf16.f32 v10;
	v46 =	vunpack.i.l.bf16.f32 v13  }
0x80: {  	v48 =	vunpack.i.u.bf16.f32 v13;
	v49 =	vunpack.i.u.bf16.f32 v14;
	v50 =	vunpack.i.l.bf16.f32 v14  }
0x81: {  	v14 =	vadd.f32 v50, v46;
	v13 =	vadd.f32 v49, v48;
	v53 =	vunpack.i.l.bf16.f32 v12  }
0x82: {  	v9 =	vadd.f32 v9, v11;
	v52 =	vunpack.i.u.bf16.f32 v12;
	v10 =	vadd.f32 v54, v53  }
0x83: {  	[tilespmem:s31+$0x0] =	vst v4;
	v15 =	vadd.f32 v51, v52;
	v55 =	vmul.f32 v14, v14;
	v56 =	vmul.f32 v13, v13  }
0x84: {  	[tilespmem:s31+$0x30] =	vst v16;
	v8 =	vadd.f32 v13, v8;
	v6 =	vadd.f32 v14, v6;
	v58 =	vmul.f32 v10, v10  }
0x85: {  	s29 =	sadd.s32 $0x1, s29;
	[tilespmem:s31+$0x20] =	vst v47;
	v59 =	vadd.f32 v15, v5;
	v5 =	vmul.f32 v15, v15;
	v1 =	vadd.f32 v10, v1  }
0x86: {  	v63 =	vmul.f32 v4, v4;
	p0 =	sne.s32 s29, s11;
	[tilespmem:s31+$0x10] =	vst v9;
	v7 =	vadd.f32 v55, v7;
	v2 =	vadd.f32 v56, v2  }
.Ltmp2:
0x87: {  	s0 =	sshll.u32 s30, $0xD;
	v57 =	vmul.f32 v9, v9;
	[tilespmem:s31+$0xFFFFFFC0] =	vst v14;
	v60 =	vadd.f32 v58, v3;
	v0 =	vadd.f32 v5, v0;
	(pc) =	sbr.rel @p0 .LBB2_2-.Ltmp2, $4  }
0x88: {  	s0 =	sadd.s32 s9, s0;
	v61 =	vmul.f32 v47, v47;
	[tilespmem:s31+$0xFFFFFFD0] =	vst v13;
	v3 =	vadd.f32 v47, v1;
	v5 =	vadd.f32 v4, v6  }
0x89: {  	s0 =	sshrl.u32 s0, $0x3;
	v62 =	vmul.f32 v16, v16;
	[tilespmem:s31+$0xFFFFFFE0] =	vst v10;
	v4 =	vadd.f32 v16, v59;
	v2 =	vadd.f32 v57, v2  }
0x8a: {  	s0 =	sadd.s32 s5, s0;
	[tilespmem:s31+$0xFFFFFFF0] =	vst v15;
	v6 =	vadd.f32 v63, v7;
	v7 =	vadd.f32 v9, v8  }
0x8b: {  	[hbm4b:s0+s2] =	stream.linear.scatter [tilespmem:s23], [sflag:$0x4], $0x2000, $0x38;
	v1 =	vadd.f32 v61, v60;
	v0 =	vadd.f32 v62, v0;
	[tilespmem:$0xA880] =	vst v63  }
0x8c: {  	_ =	swait.ge [sflag:s24], $0x2000  }
0x8d: {  	[sflag:s24] =	ssyncset.done $0x0  }
0x8e: {  	[sflag:s24] =	ssyncadd.s32 $0xFFFFE000  }
0x8f: {  	_ =	swait.ge [sflag:s25], $0x2000  }
0x90: {  	[sflag:s25] =	ssyncset.done $0x0  }
0x91: {  	[sflag:s25] =	ssyncadd.s32 $0xFFFFE000  }
0x92: {  	[tilespmem:$0xA800] =	vst v5  }
0x93: {  	[tilespmem:$0xA840] =	vst v6  }
0x94: {  	[tilespmem:$0xA810] =	vst v7  }
0x95: {  	[tilespmem:$0xA850] =	vst v2  }
0x96: {  	[tilespmem:$0xA820] =	vst v3  }
0x97: {  	s28 =	sadd.s32 $0x1, s28;
	[tilespmem:$0xA860] =	vst v1  }
0x98: {  	p0 =	sne.s32 s28, s12;
	[tilespmem:$0xA830] =	vst v4  }
.Ltmp3:
0x99: {  	[tilespmem:$0xA870] =	vst v0;
	(pc) =	sbr.rel @p0 .LBB2_1-.Ltmp3, $4  }
0x9a: {  	[hbm4b:s10+s2] =	stream.linear.scatter [tilespmem:s26], [sflag:$0x5], $0x80, $0x38;
	[tilespmem:$0xA880] =	vst v63  }
0x9b: {  	_ =	swait.ge [sflag:s13], $0x80  }
0x9c: {  	[sflag:s13] =	ssyncset.done $0x0  }
0x9d: {  	[sflag:s13] =	ssyncadd.s32 $0xFFFFFF80  }
0x9e: {  	_ =	sfence.sel $0x180000  }
0x9f: {  	[bflag:$0x0] =	sbarrier.arrive $0xFFFF  }
0xa0: {  	_ =	strace $0x90000047  }
0xa1: {  	s0 =	stileid.u32;
	[bflag:$0x2] =	sbarrier.arrive $0xFFFF  }
0xa2: {  	p0 =	sne.s32 s0, $0x0;
	s0 =	rddreg [dreg:$0x1]  }
0xa3: {  	s0 =	sadd.s32 @!p0 $0x100000, s0  }
0xa4: {  	[sflag:s0] =	ssyncadd.tile.s32 @!p0 $0x1;
	_ =	shalt  }
.Lfunc_end2:
_tile_overlayer_lowered:
.L_overlay_start_2:
0xa5: {  	(tag) =	ssettag $0x2  }
0xa6: {  	s0 =	rddreg [dreg:$0x0];
	s2 =	stileid.u32  }
0xa7: {  	s1 =	rddreg [dreg:$0x1];
	p0 =	sne.s32 s2, $0x0  }
0xa8: {  	s3 =	rddreg [dreg:$0x2];
	[bflag:$0x3] =	sbarrier.arrive $0xFFFF;
	s2 =	simm.s32 @!p0 $0x1C05  }
0xa9: {  	[timem:s3], [sflag:s2] =	dma.local @!p0 [hbm:s0], s1  }
0xaa: {  	s0 =	simm.s32 @!p0 $0x5  }
0xab: {  	_ =	swait.ge @!p0 [sflag:s0], s1  }
0xac: {  	s1 =	ssub.s32 @!p0 $0x0, s1;
	[sflag:s0] =	ssyncset.done @!p0 $0x0  }
0xad: {  	[sflag:s0] =	ssyncadd.s32 @!p0 s1  }
0xae: {  	[bflag:$0x3] =	sbarrier.arrive $0xFFFF  }
0xaf: {  	_ =	shalt  }

</sc_bundles>
